<compile_context>
chip_gen: v7x
topology: tpu7x:2x2x1
jax: 0.10.2.dev20260603
libtpu: 0.0.44.dev20260713+nightly
codegen_flags: <defaults>
</compile_context>

<pallas_src>
import jax
import jax.numpy as jnp
from jax import lax
from jax.experimental import pallas as pl
from jax.experimental.pallas import tpu as pltpu
from jax.experimental.pallas import tpu_sc as plsc

_N = 10000
_E = 320000
_D = 128
_BN_EPS = 1e-5

_NC = 2
_NS = 16
_NW = _NC * _NS
_EPW = _E // _NW
_C = 80
_NCH = _EPW // _C
_NP = 10240
_RPS = _NP // _NS


def _sc_body(src_h, dst_h, node_h, edge_h, zf_h,
             psum_h,
             srcv0, srcv1, dstv0, dstv1, rows0, rows1, erows0, erows1,
             acc, semi0, semi1, semg0, semg1):
    c = lax.axis_index("c")
    s = lax.axis_index("s")
    wid = s * _NC + c
    r0 = s * _RPS
    nb = _RPS // _C
    srcv = (srcv0, srcv1)
    dstv = (dstv0, dstv1)
    rows = (rows0, rows1)
    erows = (erows0, erows1)
    semi = (semi0, semi1)
    semg = (semg0, semg1)

    def start_loads(b, q):
        base = wid * _EPW + q * _C
        pltpu.async_copy(src_h.at[pl.ds(base, _C)], srcv[b], semi[b])
        pltpu.async_copy(dst_h.at[pl.ds(base, _C)], dstv[b], semi[b])
        pltpu.async_copy(edge_h.at[pl.ds(base, _C)], erows[b], semi[b])

    def wait_loads(b):
        pltpu.make_async_copy(src_h.at[pl.ds(0, _C)], srcv[b], semi[b]).wait()
        pltpu.make_async_copy(dst_h.at[pl.ds(0, _C)], dstv[b], semi[b]).wait()
        pltpu.make_async_copy(edge_h.at[pl.ds(0, _C)], erows[b], semi[b]).wait()

    def wait_gather(b):
        pltpu.make_async_copy(node_h.at[pl.ds(0, _C)], rows[b], semg[b]).wait()

    def scatter(b):
        pltpu.sync_copy(erows[b], acc.at[dstv[b]], add=True)
        wait_gather(b)
        pltpu.sync_copy(rows[b], acc.at[dstv[b]], add=True)

    pltpu.sync_copy(zf_h, rows0)
    for i in range(nb):
        pltpu.sync_copy(rows0, acc.at[pl.ds(r0 + i * _C, _C)])
    plsc.subcore_barrier()

    start_loads(0, 0)

    def chunk_pair(j, carry):
        for b in range(2):
            q = 2 * j + b
            wait_loads(b)
            pltpu.async_copy(node_h.at[srcv[b]], rows[b], semg[b])

            @pl.when(q > 0)
            def _():
                scatter(1 - b)
            start_loads(1 - b, q + 1)
        return carry

    lax.fori_loop(0, (_NCH - 1) // 2, chunk_pair, 0)

    wait_loads(0)
    pltpu.async_copy(node_h.at[srcv[0]], rows[0], semg[0])
    scatter(1)
    scatter(0)

    plsc.subcore_barrier()
    for i in range(nb):
        pltpu.sync_copy(acc.at[pl.ds(r0 + i * _C, _C)], rows0)
        pltpu.sync_copy(rows0, psum_h.at[c, pl.ds(r0 + i * _C, _C)])


def _sc_count_body(dst_h, ones_h, zf_h, pcnt_h,
                   dstv0, dstv1, onesb, rows, acc, semi0, semi1):
    c = lax.axis_index("c")
    s = lax.axis_index("s")
    wid = s * _NC + c
    r0 = s * _RPS
    nb = _RPS // _C
    dstv = (dstv0, dstv1)
    semi = (semi0, semi1)

    def wait_load(b):
        pltpu.make_async_copy(dst_h.at[pl.ds(0, _C)], dstv[b], semi[b]).wait()

    pltpu.sync_copy(zf_h, rows)
    for i in range(nb):
        pltpu.sync_copy(rows, acc.at[pl.ds(r0 + i * _C, _C)])
    pltpu.sync_copy(ones_h, onesb)
    plsc.subcore_barrier()

    pltpu.async_copy(dst_h.at[pl.ds(wid * _EPW, _C)], dstv0, semi0)

    def chunk_pair(j, carry):
        for b in range(2):
            q = 2 * j + b
            wait_load(b)
            base = wid * _EPW + (q + 1) * _C
            pltpu.async_copy(dst_h.at[pl.ds(base, _C)], dstv[1 - b],
                             semi[1 - b])
            pltpu.sync_copy(onesb, acc.at[dstv[b]], add=True)
        return carry

    lax.fori_loop(0, (_NCH - 1) // 2, chunk_pair, 0)

    wait_load(0)
    pltpu.sync_copy(onesb, acc.at[dstv0], add=True)

    plsc.subcore_barrier()
    for i in range(nb):
        pltpu.sync_copy(acc.at[pl.ds(r0 + i * _C, _C)], rows)
        pltpu.sync_copy(rows, pcnt_h.at[c, pl.ds(r0 + i * _C, _C)])


def _sc_scatter(src, dst, node_feats, edge_feats):
    zf = jnp.zeros((_C, _D), jnp.float32)
    ones_blk = jnp.ones((_C, _D), jnp.float32)
    mesh = plsc.VectorSubcoreMesh(core_axis_name="c", subcore_axis_name="s",
                                  num_cores=_NC, num_subcores=_NS)
    sum_call = pl.kernel(
        _sc_body,
        out_type=jax.ShapeDtypeStruct((_NC, _NP, _D), jnp.float32),
        mesh=mesh,
        scratch_types=(
            [pltpu.VMEM((_C,), jnp.int32)] * 4 +
            [pltpu.VMEM((_C, _D), jnp.float32)] * 4 +
            [pltpu.VMEM_SHARED((_NP, _D), jnp.float32)] +
            [pltpu.SemaphoreType.DMA] * 4
        ),
    )
    cnt_call = pl.kernel(
        _sc_count_body,
        out_type=jax.ShapeDtypeStruct((_NC, _NP, _D), jnp.float32),
        mesh=mesh,
        scratch_types=(
            [pltpu.VMEM((_C,), jnp.int32)] * 2 +
            [pltpu.VMEM((_C, _D), jnp.float32)] * 2 +
            [pltpu.VMEM_SHARED((_NP, _D), jnp.float32)] +
            [pltpu.SemaphoreType.DMA] * 2
        ),
    )
    psum = sum_call(src, dst, node_feats, edge_feats, zf)
    pcnt = cnt_call(dst, ones_blk, zf)
    return psum, pcnt


def _tc_body(x_r, ps_r, pc_r, eps_r, w1_r, b1_r, g1_r, be1_r,
             w2_r, b2_r, g2_r, be2_r, o_r):
    summed = ps_r[0, :_N] + ps_r[1, :_N]
    cnt = pc_r[0, :_N, 0:1] + pc_r[1, :_N, 0:1]
    hv = summed / jnp.maximum(cnt, 1.0)
    h = (1.0 + eps_r[0, 0]) * x_r[...] + hv
    y = lax.dot_general(h, w1_r[...], (((1,), (1,)), ((), ())),
                        preferred_element_type=jnp.float32,
                        precision=lax.Precision.HIGHEST)
    y = y + b1_r[...]
    mu = jnp.mean(y, axis=0, keepdims=True)
    d = y - mu
    var = jnp.mean(d * d, axis=0, keepdims=True)
    y = g1_r[...] * (d * lax.rsqrt(var + _BN_EPS)) + be1_r[...]
    y = jnp.maximum(y, 0.0)
    z = lax.dot_general(y, w2_r[...], (((1,), (1,)), ((), ())),
                        preferred_element_type=jnp.float32,
                        precision=lax.Precision.HIGHEST)
    z = z + b2_r[...]
    mu2 = jnp.mean(z, axis=0, keepdims=True)
    d2 = z - mu2
    var2 = jnp.mean(d2 * d2, axis=0, keepdims=True)
    z = g2_r[...] * (d2 * lax.rsqrt(var2 + _BN_EPS)) + be2_r[...]
    o_r[...] = jnp.maximum(z, 0.0)


def _tc_mlp(node_feats, psum, pcnt, eps, W1, b1, g1, be1, W2, b2, g2, be2):
    return pl.pallas_call(
        _tc_body,
        out_shape=jax.ShapeDtypeStruct((_N, _D), jnp.float32),
        compiler_params=pltpu.CompilerParams(
            vmem_limit_bytes=128 * 1024 * 1024),
    )(node_feats, psum, pcnt,
      eps.reshape(1, 1),
      W1, b1.reshape(1, 2 * _D), g1.reshape(1, 2 * _D), be1.reshape(1, 2 * _D),
      W2, b2.reshape(1, _D), g2.reshape(1, _D), be2.reshape(1, _D))


def kernel(edge_index, node_feats, edge_feats, eps,
           W1, b1, gamma1, beta1, W2, b2, gamma2, beta2):
    src = edge_index[0]
    dst = edge_index[1]
    psum, pcnt = _sc_scatter(src, dst, node_feats, edge_feats)
    return _tc_mlp(node_feats, psum, pcnt, eps,
                   W1, b1, gamma1, beta1, W2, b2, gamma2, beta2)

# --- scband reference (transcript-rebuilt; emitter-appended) ---
"""Pipeline reference for scband-ginconv-13400297963801 (READ-ONLY COPY).

The authoritative reference and input builder live on the scoring server;
editing this copy changes nothing except your own understanding.
"""

import jax, jax.numpy as jnp
import numpy as np

N = 10000
E = 320000
D = 128
BN_EPS = 1e-5


def _batchnorm_train(x, gamma, beta):
    # BatchNorm1d in training mode: normalize with batch statistics (biased var)
    mu = jnp.mean(x, axis=0)
    var = jnp.var(x, axis=0)
    return gamma * (x - mu) / jnp.sqrt(var + BN_EPS) + beta


def setup_inputs(seed: int = 0) -> dict:
    key = jax.random.key(seed)
    ks = jax.random.split(key, 8)
    edge_index = jax.random.randint(ks[0], (2, E), 0, N, dtype=jnp.int32)
    node_feats = jax.random.normal(ks[1], (N, D), dtype=jnp.float32)
    edge_feats = jax.random.normal(ks[2], (E, D), dtype=jnp.float32)
    # learned parameters
    eps = jnp.zeros((1,), dtype=jnp.float32)  # nn.Parameter(torch.Tensor([0]))
    W1 = jax.random.normal(ks[3], (2 * D, D), dtype=jnp.float32) * 0.05
    b1 = jnp.zeros((2 * D,), dtype=jnp.float32)
    gamma1 = jnp.ones((2 * D,), dtype=jnp.float32)
    beta1 = jnp.zeros((2 * D,), dtype=jnp.float32)
    W2 = jax.random.normal(ks[4], (D, 2 * D), dtype=jnp.float32) * 0.05
    b2 = jnp.zeros((D,), dtype=jnp.float32)
    gamma2 = jnp.ones((D,), dtype=jnp.float32)
    beta2 = jnp.zeros((D,), dtype=jnp.float32)
    return {
        "edge_index": edge_index,
        "node_feats": node_feats,
        "edge_feats": edge_feats,
        "eps": eps,
        "W1": W1, "b1": b1, "gamma1": gamma1, "beta1": beta1,
        "W2": W2, "b2": b2, "gamma2": gamma2, "beta2": beta2,
    }


def reference(edge_index, node_feats, edge_feats, eps,
              W1, b1, gamma1, beta1, W2, b2, gamma2, beta2):
    src = edge_index[0]
    dst = edge_index[1]
    # message: m = hv[src] + he  (u_add_e)
    m = jnp.take(node_feats, src, axis=0) + edge_feats
    # reduce: mean over incoming edges per destination node
    summed = jax.ops.segment_sum(m, dst, num_segments=N)
    cnt = jax.ops.segment_sum(jnp.ones((E,), dtype=jnp.float32), dst, num_segments=N)
    hv_new = summed / jnp.clip(cnt, 1.0, None)[:, None]
    h = (1.0 + eps) * node_feats + hv_new
    # MLP: Linear -> BN -> ReLU -> Linear -> BN -> ReLU
    h = h @ W1.T + b1
    h = _batchnorm_train(h, gamma1, beta1)
    h = jax.nn.relu(h)
    h = h @ W2.T + b2
    h = _batchnorm_train(h, gamma2, beta2)
    h = jax.nn.relu(h)
    return h

if __name__ == "__main__":
    import jax
    _d = setup_inputs()
    print(jax.jit(kernel)(*tuple(_d.values())))

</pallas_src>

<mosaic_0001>
#map = affine_map<(d0, d1) -> (0)>
#map1 = affine_map<(d0, d1) -> (0, 0)>
#map2 = affine_map<(d0, d1) -> (0, 0, 0)>
module attributes {stable_mosaic.version = 14 : i64} {
  func.func @_sc_body(%arg0: i32, %arg1: i32, %arg2: memref<320000xi32, #tpu.memory_space<hbm>>, %arg3: memref<320000xi32, #tpu.memory_space<hbm>>, %arg4: memref<10000x128xf32, #tpu.memory_space<hbm>>, %arg5: memref<320000x128xf32, #tpu.memory_space<hbm>>, %arg6: memref<80x128xf32, #tpu.memory_space<hbm>>, %arg7: memref<2x10240x128xf32, #tpu.memory_space<hbm>>, %arg8: memref<80xi32, #tpu.memory_space<vmem>>, %arg9: memref<80xi32, #tpu.memory_space<vmem>>, %arg10: memref<80xi32, #tpu.memory_space<vmem>>, %arg11: memref<80xi32, #tpu.memory_space<vmem>>, %arg12: memref<80x128xf32, #tpu.memory_space<vmem>>, %arg13: memref<80x128xf32, #tpu.memory_space<vmem>>, %arg14: memref<80x128xf32, #tpu.memory_space<vmem>>, %arg15: memref<80x128xf32, #tpu.memory_space<vmem>>, %arg16: memref<10240x128xf32, #tpu.memory_space<vmem_shared>>, %arg17: memref<!tpu.dma_semaphore, #tpu.memory_space<semaphore_mem>>, %arg18: memref<!tpu.dma_semaphore, #tpu.memory_space<semaphore_mem>>, %arg19: memref<!tpu.dma_semaphore, #tpu.memory_space<semaphore_mem>>, %arg20: memref<!tpu.dma_semaphore, #tpu.memory_space<semaphore_mem>>) attributes {dimension_semantics = [#tpu.dimension_semantics<core_parallel>, #tpu.dimension_semantics<subcore_parallel>], iteration_bounds = array<i64: 2, 16>, scalar_prefetch = 0 : i64, scratch_operands = 13 : i64, tpu.core_type = #tpu.core_type<sc_vector_subcore>, window_params = [{transform_indices = #map}, {transform_indices = #map}, {transform_indices = #map1}, {transform_indices = #map1}, {transform_indices = #map1}, {transform_indices = #map2}]} {
    %mul3A = arith.constant 2 : i32
    %mul3A_0 = arith.muli %arg1, %mul3A : i32
    %add3A = arith.addi %mul3A_0, %arg0 : i32
    %mul3A_1 = arith.constant 640 : i32
    %mul3A_2 = arith.muli %arg1, %mul3A_1 : i32
    "tpu.region"() ({
      %run_scoped3A = tpu.sem_alloc : memref<!tpu.dma_semaphore, #tpu.memory_space<semaphore_mem>>
      tpu.enqueue_dma source(%arg6 : memref<80x128xf32, #tpu.memory_space<hbm>>) target(%arg12 : memref<80x128xf32, #tpu.memory_space<vmem>>) target_semaphore(%run_scoped3A : memref<!tpu.dma_semaphore, #tpu.memory_space<semaphore_mem>>)
      tpu.wait_dma2 semaphore(%run_scoped3A : memref<!tpu.dma_semaphore, #tpu.memory_space<semaphore_mem>>) src(%arg6 : memref<80x128xf32, #tpu.memory_space<hbm>>) dst(%arg12 : memref<80x128xf32, #tpu.memory_space<vmem>>)
      tpu.yield
    }) : () -> ()
    %add3A_3 = arith.constant 0 : i32
    %add3A_4 = arith.addi %mul3A_2, %add3A_3 : i32
    "tpu.region"() ({
      %run_scoped3A = tpu.sem_alloc : memref<!tpu.dma_semaphore, #tpu.memory_space<semaphore_mem>>
      %dma_start3A_96 = arith.constant 0 : i32
      %dma_start3A_97 = tpu.memref_slice %arg16[%add3A_4, %dma_start3A_96] : memref<10240x128xf32, #tpu.memory_space<vmem_shared>> -> memref<80x128xf32, #tpu.memory_space<vmem_shared>>
      %dma_start3A_98 = arith.constant 0 : i32
      %dma_start3A_99 = tpu.memref_slice %arg16[%add3A_4, %dma_start3A_98] : memref<10240x128xf32, #tpu.memory_space<vmem_shared>> -> memref<80x128xf32, #tpu.memory_space<vmem_shared>>
      tpu.enqueue_dma source(%arg12 : memref<80x128xf32, #tpu.memory_space<vmem>>) target(%dma_start3A_99 : memref<80x128xf32, #tpu.memory_space<vmem_shared>>) target_semaphore(%run_scoped3A : memref<!tpu.dma_semaphore, #tpu.memory_space<semaphore_mem>>)
      %dma_wait3A_100 = arith.constant 0 : i32
      %dma_wait3A_101 = tpu.memref_slice %arg16[%add3A_4, %dma_wait3A_100] : memref<10240x128xf32, #tpu.memory_space<vmem_shared>> -> memref<80x128xf32, #tpu.memory_space<vmem_shared>>
      %dma_wait3A_102 = arith.constant 0 : i32
      %dma_wait3A_103 = tpu.memref_slice %arg16[%add3A_4, %dma_wait3A_102] : memref<10240x128xf32, #tpu.memory_space<vmem_shared>> -> memref<80x128xf32, #tpu.memory_space<vmem_shared>>
      tpu.wait_dma2 semaphore(%run_scoped3A : memref<!tpu.dma_semaphore, #tpu.memory_space<semaphore_mem>>) src(%arg12 : memref<80x128xf32, #tpu.memory_space<vmem>>) dst(%dma_wait3A_103 : memref<80x128xf32, #tpu.memory_space<vmem_shared>>)
      tpu.yield
    }) : () -> ()
    %add3A_5 = arith.constant 80 : i32
    %add3A_6 = arith.addi %mul3A_2, %add3A_5 : i32
    "tpu.region"() ({
      %run_scoped3A = tpu.sem_alloc : memref<!tpu.dma_semaphore, #tpu.memory_space<semaphore_mem>>
      %dma_start3A_96 = arith.constant 0 : i32
      %dma_start3A_97 = tpu.memref_slice %arg16[%add3A_6, %dma_start3A_96] : memref<10240x128xf32, #tpu.memory_space<vmem_shared>> -> memref<80x128xf32, #tpu.memory_space<vmem_shared>>
      %dma_start3A_98 = arith.constant 0 : i32
      %dma_start3A_99 = tpu.memref_slice %arg16[%add3A_6, %dma_start3A_98] : memref<10240x128xf32, #tpu.memory_space<vmem_shared>> -> memref<80x128xf32, #tpu.memory_space<vmem_shared>>
      tpu.enqueue_dma source(%arg12 : memref<80x128xf32, #tpu.memory_space<vmem>>) target(%dma_start3A_99 : memref<80x128xf32, #tpu.memory_space<vmem_shared>>) target_semaphore(%run_scoped3A : memref<!tpu.dma_semaphore, #tpu.memory_space<semaphore_mem>>)
      %dma_wait3A_100 = arith.constant 0 : i32
      %dma_wait3A_101 = tpu.memref_slice %arg16[%add3A_6, %dma_wait3A_100] : memref<10240x128xf32, #tpu.memory_space<vmem_shared>> -> memref<80x128xf32, #tpu.memory_space<vmem_shared>>
      %dma_wait3A_102 = arith.constant 0 : i32
      %dma_wait3A_103 = tpu.memref_slice %arg16[%add3A_6, %dma_wait3A_102] : memref<10240x128xf32, #tpu.memory_space<vmem_shared>> -> memref<80x128xf32, #tpu.memory_space<vmem_shared>>
      tpu.wait_dma2 semaphore(%run_scoped3A : memref<!tpu.dma_semaphore, #tpu.memory_space<semaphore_mem>>) src(%arg12 : memref<80x128xf32, #tpu.memory_space<vmem>>) dst(%dma_wait3A_103 : memref<80x128xf32, #tpu.memory_space<vmem_shared>>)
      tpu.yield
    }) : () -> ()
    %add3A_7 = arith.constant 160 : i32
    %add3A_8 = arith.addi %mul3A_2, %add3A_7 : i32
    "tpu.region"() ({
      %run_scoped3A = tpu.sem_alloc : memref<!tpu.dma_semaphore, #tpu.memory_space<semaphore_mem>>
      %dma_start3A_96 = arith.constant 0 : i32
      %dma_start3A_97 = tpu.memref_slice %arg16[%add3A_8, %dma_start3A_96] : memref<10240x128xf32, #tpu.memory_space<vmem_shared>> -> memref<80x128xf32, #tpu.memory_space<vmem_shared>>
      %dma_start3A_98 = arith.constant 0 : i32
      %dma_start3A_99 = tpu.memref_slice %arg16[%add3A_8, %dma_start3A_98] : memref<10240x128xf32, #tpu.memory_space<vmem_shared>> -> memref<80x128xf32, #tpu.memory_space<vmem_shared>>
      tpu.enqueue_dma source(%arg12 : memref<80x128xf32, #tpu.memory_space<vmem>>) target(%dma_start3A_99 : memref<80x128xf32, #tpu.memory_space<vmem_shared>>) target_semaphore(%run_scoped3A : memref<!tpu.dma_semaphore, #tpu.memory_space<semaphore_mem>>)
      %dma_wait3A_100 = arith.constant 0 : i32
      %dma_wait3A_101 = tpu.memref_slice %arg16[%add3A_8, %dma_wait3A_100] : memref<10240x128xf32, #tpu.memory_space<vmem_shared>> -> memref<80x128xf32, #tpu.memory_space<vmem_shared>>
      %dma_wait3A_102 = arith.constant 0 : i32
      %dma_wait3A_103 = tpu.memref_slice %arg16[%add3A_8, %dma_wait3A_102] : memref<10240x128xf32, #tpu.memory_space<vmem_shared>> -> memref<80x128xf32, #tpu.memory_space<vmem_shared>>
      tpu.wait_dma2 semaphore(%run_scoped3A : memref<!tpu.dma_semaphore, #tpu.memory_space<semaphore_mem>>) src(%arg12 : memref<80x128xf32, #tpu.memory_space<vmem>>) dst(%dma_wait3A_103 : memref<80x128xf32, #tpu.memory_space<vmem_shared>>)
      tpu.yield
    }) : () -> ()
    %add3A_9 = arith.constant 240 : i32
    %add3A_10 = arith.addi %mul3A_2, %add3A_9 : i32
    "tpu.region"() ({
      %run_scoped3A = tpu.sem_alloc : memref<!tpu.dma_semaphore, #tpu.memory_space<semaphore_mem>>
      %dma_start3A_96 = arith.constant 0 : i32
      %dma_start3A_97 = tpu.memref_slice %arg16[%add3A_10, %dma_start3A_96] : memref<10240x128xf32, #tpu.memory_space<vmem_shared>> -> memref<80x128xf32, #tpu.memory_space<vmem_shared>>
      %dma_start3A_98 = arith.constant 0 : i32
      %dma_start3A_99 = tpu.memref_slice %arg16[%add3A_10, %dma_start3A_98] : memref<10240x128xf32, #tpu.memory_space<vmem_shared>> -> memref<80x128xf32, #tpu.memory_space<vmem_shared>>
      tpu.enqueue_dma source(%arg12 : memref<80x128xf32, #tpu.memory_space<vmem>>) target(%dma_start3A_99 : memref<80x128xf32, #tpu.memory_space<vmem_shared>>) target_semaphore(%run_scoped3A : memref<!tpu.dma_semaphore, #tpu.memory_space<semaphore_mem>>)
      %dma_wait3A_100 = arith.constant 0 : i32
      %dma_wait3A_101 = tpu.memref_slice %arg16[%add3A_10, %dma_wait3A_100] : memref<10240x128xf32, #tpu.memory_space<vmem_shared>> -> memref<80x128xf32, #tpu.memory_space<vmem_shared>>
      %dma_wait3A_102 = arith.constant 0 : i32
      %dma_wait3A_103 = tpu.memref_slice %arg16[%add3A_10, %dma_wait3A_102] : memref<10240x128xf32, #tpu.memory_space<vmem_shared>> -> memref<80x128xf32, #tpu.memory_space<vmem_shared>>
      tpu.wait_dma2 semaphore(%run_scoped3A : memref<!tpu.dma_semaphore, #tpu.memory_space<semaphore_mem>>) src(%arg12 : memref<80x128xf32, #tpu.memory_space<vmem>>) dst(%dma_wait3A_103 : memref<80x128xf32, #tpu.memory_space<vmem_shared>>)
      tpu.yield
    }) : () -> ()
    %add3A_11 = arith.constant 320 : i32
    %add3A_12 = arith.addi %mul3A_2, %add3A_11 : i32
    "tpu.region"() ({
      %run_scoped3A = tpu.sem_alloc : memref<!tpu.dma_semaphore, #tpu.memory_space<semaphore_mem>>
      %dma_start3A_96 = arith.constant 0 : i32
      %dma_start3A_97 = tpu.memref_slice %arg16[%add3A_12, %dma_start3A_96] : memref<10240x128xf32, #tpu.memory_space<vmem_shared>> -> memref<80x128xf32, #tpu.memory_space<vmem_shared>>
      %dma_start3A_98 = arith.constant 0 : i32
      %dma_start3A_99 = tpu.memref_slice %arg16[%add3A_12, %dma_start3A_98] : memref<10240x128xf32, #tpu.memory_space<vmem_shared>> -> memref<80x128xf32, #tpu.memory_space<vmem_shared>>
      tpu.enqueue_dma source(%arg12 : memref<80x128xf32, #tpu.memory_space<vmem>>) target(%dma_start3A_99 : memref<80x128xf32, #tpu.memory_space<vmem_shared>>) target_semaphore(%run_scoped3A : memref<!tpu.dma_semaphore, #tpu.memory_space<semaphore_mem>>)
      %dma_wait3A_100 = arith.constant 0 : i32
      %dma_wait3A_101 = tpu.memref_slice %arg16[%add3A_12, %dma_wait3A_100] : memref<10240x128xf32, #tpu.memory_space<vmem_shared>> -> memref<80x128xf32, #tpu.memory_space<vmem_shared>>
      %dma_wait3A_102 = arith.constant 0 : i32
      %dma_wait3A_103 = tpu.memref_slice %arg16[%add3A_12, %dma_wait3A_102] : memref<10240x128xf32, #tpu.memory_space<vmem_shared>> -> memref<80x128xf32, #tpu.memory_space<vmem_shared>>
      tpu.wait_dma2 semaphore(%run_scoped3A : memref<!tpu.dma_semaphore, #tpu.memory_space<semaphore_mem>>) src(%arg12 : memref<80x128xf32, #tpu.memory_space<vmem>>) dst(%dma_wait3A_103 : memref<80x128xf32, #tpu.memory_space<vmem_shared>>)
      tpu.yield
    }) : () -> ()
    %add3A_13 = arith.constant 400 : i32
    %add3A_14 = arith.addi %mul3A_2, %add3A_13 : i32
    "tpu.region"() ({
      %run_scoped3A = tpu.sem_alloc : memref<!tpu.dma_semaphore, #tpu.memory_space<semaphore_mem>>
      %dma_start3A_96 = arith.constant 0 : i32
      %dma_start3A_97 = tpu.memref_slice %arg16[%add3A_14, %dma_start3A_96] : memref<10240x128xf32, #tpu.memory_space<vmem_shared>> -> memref<80x128xf32, #tpu.memory_space<vmem_shared>>
      %dma_start3A_98 = arith.constant 0 : i32
      %dma_start3A_99 = tpu.memref_slice %arg16[%add3A_14, %dma_start3A_98] : memref<10240x128xf32, #tpu.memory_space<vmem_shared>> -> memref<80x128xf32, #tpu.memory_space<vmem_shared>>
      tpu.enqueue_dma source(%arg12 : memref<80x128xf32, #tpu.memory_space<vmem>>) target(%dma_start3A_99 : memref<80x128xf32, #tpu.memory_space<vmem_shared>>) target_semaphore(%run_scoped3A : memref<!tpu.dma_semaphore, #tpu.memory_space<semaphore_mem>>)
      %dma_wait3A_100 = arith.constant 0 : i32
      %dma_wait3A_101 = tpu.memref_slice %arg16[%add3A_14, %dma_wait3A_100] : memref<10240x128xf32, #tpu.memory_space<vmem_shared>> -> memref<80x128xf32, #tpu.memory_space<vmem_shared>>
      %dma_wait3A_102 = arith.constant 0 : i32
      %dma_wait3A_103 = tpu.memref_slice %arg16[%add3A_14, %dma_wait3A_102] : memref<10240x128xf32, #tpu.memory_space<vmem_shared>> -> memref<80x128xf32, #tpu.memory_space<vmem_shared>>
      tpu.wait_dma2 semaphore(%run_scoped3A : memref<!tpu.dma_semaphore, #tpu.memory_space<semaphore_mem>>) src(%arg12 : memref<80x128xf32, #tpu.memory_space<vmem>>) dst(%dma_wait3A_103 : memref<80x128xf32, #tpu.memory_space<vmem_shared>>)
      tpu.yield
    }) : () -> ()
    %add3A_15 = arith.constant 480 : i32
    %add3A_16 = arith.addi %mul3A_2, %add3A_15 : i32
    "tpu.region"() ({
      %run_scoped3A = tpu.sem_alloc : memref<!tpu.dma_semaphore, #tpu.memory_space<semaphore_mem>>
      %dma_start3A_96 = arith.constant 0 : i32
      %dma_start3A_97 = tpu.memref_slice %arg16[%add3A_16, %dma_start3A_96] : memref<10240x128xf32, #tpu.memory_space<vmem_shared>> -> memref<80x128xf32, #tpu.memory_space<vmem_shared>>
      %dma_start3A_98 = arith.constant 0 : i32
      %dma_start3A_99 = tpu.memref_slice %arg16[%add3A_16, %dma_start3A_98] : memref<10240x128xf32, #tpu.memory_space<vmem_shared>> -> memref<80x128xf32, #tpu.memory_space<vmem_shared>>
      tpu.enqueue_dma source(%arg12 : memref<80x128xf32, #tpu.memory_space<vmem>>) target(%dma_start3A_99 : memref<80x128xf32, #tpu.memory_space<vmem_shared>>) target_semaphore(%run_scoped3A : memref<!tpu.dma_semaphore, #tpu.memory_space<semaphore_mem>>)
      %dma_wait3A_100 = arith.constant 0 : i32
      %dma_wait3A_101 = tpu.memref_slice %arg16[%add3A_16, %dma_wait3A_100] : memref<10240x128xf32, #tpu.memory_space<vmem_shared>> -> memref<80x128xf32, #tpu.memory_space<vmem_shared>>
      %dma_wait3A_102 = arith.constant 0 : i32
      %dma_wait3A_103 = tpu.memref_slice %arg16[%add3A_16, %dma_wait3A_102] : memref<10240x128xf32, #tpu.memory_space<vmem_shared>> -> memref<80x128xf32, #tpu.memory_space<vmem_shared>>
      tpu.wait_dma2 semaphore(%run_scoped3A : memref<!tpu.dma_semaphore, #tpu.memory_space<semaphore_mem>>) src(%arg12 : memref<80x128xf32, #tpu.memory_space<vmem>>) dst(%dma_wait3A_103 : memref<80x128xf32, #tpu.memory_space<vmem_shared>>)
      tpu.yield
    }) : () -> ()
    %add3A_17 = arith.constant 560 : i32
    %add3A_18 = arith.addi %mul3A_2, %add3A_17 : i32
    "tpu.region"() ({
      %run_scoped3A = tpu.sem_alloc : memref<!tpu.dma_semaphore, #tpu.memory_space<semaphore_mem>>
      %dma_start3A_96 = arith.constant 0 : i32
      %dma_start3A_97 = tpu.memref_slice %arg16[%add3A_18, %dma_start3A_96] : memref<10240x128xf32, #tpu.memory_space<vmem_shared>> -> memref<80x128xf32, #tpu.memory_space<vmem_shared>>
      %dma_start3A_98 = arith.constant 0 : i32
      %dma_start3A_99 = tpu.memref_slice %arg16[%add3A_18, %dma_start3A_98] : memref<10240x128xf32, #tpu.memory_space<vmem_shared>> -> memref<80x128xf32, #tpu.memory_space<vmem_shared>>
      tpu.enqueue_dma source(%arg12 : memref<80x128xf32, #tpu.memory_space<vmem>>) target(%dma_start3A_99 : memref<80x128xf32, #tpu.memory_space<vmem_shared>>) target_semaphore(%run_scoped3A : memref<!tpu.dma_semaphore, #tpu.memory_space<semaphore_mem>>)
      %dma_wait3A_100 = arith.constant 0 : i32
      %dma_wait3A_101 = tpu.memref_slice %arg16[%add3A_18, %dma_wait3A_100] : memref<10240x128xf32, #tpu.memory_space<vmem_shared>> -> memref<80x128xf32, #tpu.memory_space<vmem_shared>>
      %dma_wait3A_102 = arith.constant 0 : i32
      %dma_wait3A_103 = tpu.memref_slice %arg16[%add3A_18, %dma_wait3A_102] : memref<10240x128xf32, #tpu.memory_space<vmem_shared>> -> memref<80x128xf32, #tpu.memory_space<vmem_shared>>
      tpu.wait_dma2 semaphore(%run_scoped3A : memref<!tpu.dma_semaphore, #tpu.memory_space<semaphore_mem>>) src(%arg12 : memref<80x128xf32, #tpu.memory_space<vmem>>) dst(%dma_wait3A_103 : memref<80x128xf32, #tpu.memory_space<vmem_shared>>)
      tpu.yield
    }) : () -> ()
    %barrier3A = arith.constant 0 : index
    tpu.barrier barrier_id(%barrier3A)
    %mul3A_19 = arith.constant 10000 : i32
    %mul3A_20 = arith.muli %add3A, %mul3A_19 : i32
    %add3A_21 = arith.constant 0 : i32
    %add3A_22 = arith.addi %mul3A_20, %add3A_21 : i32
    %dma_start3A = tpu.memref_slice %arg2[%add3A_22] : memref<320000xi32, #tpu.memory_space<hbm>> -> memref<80xi32, #tpu.memory_space<hbm>>
    %dma_start3A_23 = tpu.memref_slice %arg2[%add3A_22] : memref<320000xi32, #tpu.memory_space<hbm>> -> memref<80xi32, #tpu.memory_space<hbm>>
    tpu.enqueue_dma source(%dma_start3A_23 : memref<80xi32, #tpu.memory_space<hbm>>) target(%arg8 : memref<80xi32, #tpu.memory_space<vmem>>) target_semaphore(%arg17 : memref<!tpu.dma_semaphore, #tpu.memory_space<semaphore_mem>>)
    %dma_start3A_24 = tpu.memref_slice %arg3[%add3A_22] : memref<320000xi32, #tpu.memory_space<hbm>> -> memref<80xi32, #tpu.memory_space<hbm>>
    %dma_start3A_25 = tpu.memref_slice %arg3[%add3A_22] : memref<320000xi32, #tpu.memory_space<hbm>> -> memref<80xi32, #tpu.memory_space<hbm>>
    tpu.enqueue_dma source(%dma_start3A_25 : memref<80xi32, #tpu.memory_space<hbm>>) target(%arg10 : memref<80xi32, #tpu.memory_space<vmem>>) target_semaphore(%arg17 : memref<!tpu.dma_semaphore, #tpu.memory_space<semaphore_mem>>)
    %dma_start3A_26 = arith.constant 0 : i32
    %dma_start3A_27 = tpu.memref_slice %arg5[%add3A_22, %dma_start3A_26] : memref<320000x128xf32, #tpu.memory_space<hbm>> -> memref<80x128xf32, #tpu.memory_space<hbm>>
    %dma_start3A_28 = arith.constant 0 : i32
    %dma_start3A_29 = tpu.memref_slice %arg5[%add3A_22, %dma_start3A_28] : memref<320000x128xf32, #tpu.memory_space<hbm>> -> memref<80x128xf32, #tpu.memory_space<hbm>>
    tpu.enqueue_dma source(%dma_start3A_29 : memref<80x128xf32, #tpu.memory_space<hbm>>) target(%arg14 : memref<80x128xf32, #tpu.memory_space<vmem>>) target_semaphore(%arg17 : memref<!tpu.dma_semaphore, #tpu.memory_space<semaphore_mem>>)
    %scan3A = arith.constant 0 : i32
    %scan3A_30 = arith.constant 0 : i32
    %scan3A_31 = arith.constant 62 : i32
    %scan3A_32 = arith.addi %scan3A_30, %scan3A_31 : i32
    %scan3A_33 = arith.constant 1 : i32
    scf.for %scan3A_96 = %scan3A_30 to %scan3A_32 step %scan3A_33  : i32 {
      %mul3A_97 = arith.constant 2 : i32
      %mul3A_98 = arith.muli %mul3A_97, %scan3A_96 : i32
      %add3A_99 = arith.constant 0 : i32
      %add3A_100 = arith.addi %mul3A_98, %add3A_99 : i32
      %dma_wait3A_101 = arith.constant 0 : i32
      %dma_wait3A_102 = tpu.memref_slice %arg2[%dma_wait3A_101] : memref<320000xi32, #tpu.memory_space<hbm>> -> memref<80xi32, #tpu.memory_space<hbm>>
      %dma_wait3A_103 = arith.constant 0 : i32
      %dma_wait3A_104 = tpu.memref_slice %arg2[%dma_wait3A_103] : memref<320000xi32, #tpu.memory_space<hbm>> -> memref<80xi32, #tpu.memory_space<hbm>>
      tpu.wait_dma2 semaphore(%arg17 : memref<!tpu.dma_semaphore, #tpu.memory_space<semaphore_mem>>) src(%dma_wait3A_104 : memref<80xi32, #tpu.memory_space<hbm>>) dst(%arg8 : memref<80xi32, #tpu.memory_space<vmem>>)
      %dma_wait3A_105 = arith.constant 0 : i32
      %dma_wait3A_106 = tpu.memref_slice %arg3[%dma_wait3A_105] : memref<320000xi32, #tpu.memory_space<hbm>> -> memref<80xi32, #tpu.memory_space<hbm>>
      %dma_wait3A_107 = arith.constant 0 : i32
      %dma_wait3A_108 = tpu.memref_slice %arg3[%dma_wait3A_107] : memref<320000xi32, #tpu.memory_space<hbm>> -> memref<80xi32, #tpu.memory_space<hbm>>
      tpu.wait_dma2 semaphore(%arg17 : memref<!tpu.dma_semaphore, #tpu.memory_space<semaphore_mem>>) src(%dma_wait3A_108 : memref<80xi32, #tpu.memory_space<hbm>>) dst(%arg10 : memref<80xi32, #tpu.memory_space<vmem>>)
      %dma_wait3A_109 = arith.constant 0 : i32
      %dma_wait3A_110 = arith.constant 0 : i32
      %dma_wait3A_111 = tpu.memref_slice %arg5[%dma_wait3A_109, %dma_wait3A_110] : memref<320000x128xf32, #tpu.memory_space<hbm>> -> memref<80x128xf32, #tpu.memory_space<hbm>>
      %dma_wait3A_112 = arith.constant 0 : i32
      %dma_wait3A_113 = arith.constant 0 : i32
      %dma_wait3A_114 = tpu.memref_slice %arg5[%dma_wait3A_112, %dma_wait3A_113] : memref<320000x128xf32, #tpu.memory_space<hbm>> -> memref<80x128xf32, #tpu.memory_space<hbm>>
      tpu.wait_dma2 semaphore(%arg17 : memref<!tpu.dma_semaphore, #tpu.memory_space<semaphore_mem>>) src(%dma_wait3A_114 : memref<80x128xf32, #tpu.memory_space<hbm>>) dst(%arg14 : memref<80x128xf32, #tpu.memory_space<vmem>>)
      %dma_start3A_115 = arith.constant 0 : i32
      %dma_start3A_116 = arith.constant 0 : i32
      %dma_start3A_117 = tpu.memref_slice %arg4[%dma_start3A_115, %dma_start3A_116] : memref<10000x128xf32, #tpu.memory_space<hbm>> -> memref<10000x128xf32, #tpu.memory_space<hbm>>
      tpu.enqueue_indirect_dma source(%dma_start3A_117 : memref<10000x128xf32, #tpu.memory_space<hbm>>) target(%arg12 : memref<80x128xf32, #tpu.memory_space<vmem>>) offsets(%arg8 : memref<80xi32, #tpu.memory_space<vmem>>) semaphore(%arg19 : memref<!tpu.dma_semaphore, #tpu.memory_space<semaphore_mem>>)
      %gt3A = arith.constant 0 : i32
      %gt3A_118 = arith.cmpi sgt, %add3A_100, %gt3A : i32
      %convert_element_type3A = arith.extui %gt3A_118 : i1 to i32
      %cond3A = arith.constant 0 : i32
      %cond3A_119 = arith.cmpi ne, %convert_element_type3A, %cond3A : i32
      scf.if %cond3A_119 {
        "tpu.region"() ({
          %run_scoped3A = tpu.sem_alloc : memref<!tpu.dma_semaphore, #tpu.memory_space<semaphore_mem>>
          %dma_start3A_182 = arith.constant 0 : i32
          %dma_start3A_183 = arith.constant 0 : i32
          %dma_start3A_184 = tpu.memref_slice %arg16[%dma_start3A_182, %dma_start3A_183] : memref<10240x128xf32, #tpu.memory_space<vmem_shared>> -> memref<10240x128xf32, #tpu.memory_space<vmem_shared>>
          tpu.enqueue_indirect_dma source(%arg15 : memref<80x128xf32, #tpu.memory_space<vmem>>) target(%dma_start3A_184 : memref<10240x128xf32, #tpu.memory_space<vmem_shared>>) offsets(%arg11 : memref<80xi32, #tpu.memory_space<vmem>>) semaphore(%run_scoped3A : memref<!tpu.dma_semaphore, #tpu.memory_space<semaphore_mem>>) {add = true}
          %dma_wait3A_185 = arith.constant 0 : i32
          %dma_wait3A_186 = arith.constant 0 : i32
          %dma_wait3A_187 = tpu.memref_slice %arg16[%dma_wait3A_185, %dma_wait3A_186] : memref<10240x128xf32, #tpu.memory_space<vmem_shared>> -> memref<10240x128xf32, #tpu.memory_space<vmem_shared>>
          tpu.wait_indirect_dma semaphore(%run_scoped3A : memref<!tpu.dma_semaphore, #tpu.memory_space<semaphore_mem>>) src(%arg15 : memref<80x128xf32, #tpu.memory_space<vmem>>) dst(%dma_wait3A_187 : memref<10240x128xf32, #tpu.memory_space<vmem_shared>>)
          tpu.yield
        }) : () -> ()
        %dma_wait3A_176 = arith.constant 0 : i32
        %dma_wait3A_177 = arith.constant 0 : i32
        %dma_wait3A_178 = tpu.memref_slice %arg4[%dma_wait3A_176, %dma_wait3A_177] : memref<10000x128xf32, #tpu.memory_space<hbm>> -> memref<80x128xf32, #tpu.memory_space<hbm>>
        %dma_wait3A_179 = arith.constant 0 : i32
        %dma_wait3A_180 = arith.constant 0 : i32
        %dma_wait3A_181 = tpu.memref_slice %arg4[%dma_wait3A_179, %dma_wait3A_180] : memref<10000x128xf32, #tpu.memory_space<hbm>> -> memref<80x128xf32, #tpu.memory_space<hbm>>
        tpu.wait_dma2 semaphore(%arg20 : memref<!tpu.dma_semaphore, #tpu.memory_space<semaphore_mem>>) src(%dma_wait3A_181 : memref<80x128xf32, #tpu.memory_space<hbm>>) dst(%arg13 : memref<80x128xf32, #tpu.memory_space<vmem>>)
        "tpu.region"() ({
          %run_scoped3A = tpu.sem_alloc : memref<!tpu.dma_semaphore, #tpu.memory_space<semaphore_mem>>
          %dma_start3A_182 = arith.constant 0 : i32
          %dma_start3A_183 = arith.constant 0 : i32
          %dma_start3A_184 = tpu.memref_slice %arg16[%dma_start3A_182, %dma_start3A_183] : memref<10240x128xf32, #tpu.memory_space<vmem_shared>> -> memref<10240x128xf32, #tpu.memory_space<vmem_shared>>
          tpu.enqueue_indirect_dma source(%arg13 : memref<80x128xf32, #tpu.memory_space<vmem>>) target(%dma_start3A_184 : memref<10240x128xf32, #tpu.memory_space<vmem_shared>>) offsets(%arg11 : memref<80xi32, #tpu.memory_space<vmem>>) semaphore(%run_scoped3A : memref<!tpu.dma_semaphore, #tpu.memory_space<semaphore_mem>>) {add = true}
          %dma_wait3A_185 = arith.constant 0 : i32
          %dma_wait3A_186 = arith.constant 0 : i32
          %dma_wait3A_187 = tpu.memref_slice %arg16[%dma_wait3A_185, %dma_wait3A_186] : memref<10240x128xf32, #tpu.memory_space<vmem_shared>> -> memref<10240x128xf32, #tpu.memory_space<vmem_shared>>
          tpu.wait_indirect_dma semaphore(%run_scoped3A : memref<!tpu.dma_semaphore, #tpu.memory_space<semaphore_mem>>) src(%arg13 : memref<80x128xf32, #tpu.memory_space<vmem>>) dst(%dma_wait3A_187 : memref<10240x128xf32, #tpu.memory_space<vmem_shared>>)
          tpu.yield
        }) : () -> ()
      } else {
      }
      %add3A_120 = arith.constant 1 : i32
      %add3A_121 = arith.addi %add3A_100, %add3A_120 : i32
      %mul3A_122 = arith.constant 10000 : i32
      %mul3A_123 = arith.muli %add3A, %mul3A_122 : i32
      %mul3A_124 = arith.constant 80 : i32
      %mul3A_125 = arith.muli %add3A_121, %mul3A_124 : i32
      %add3A_126 = arith.addi %mul3A_123, %mul3A_125 : i32
      %dma_start3A_127 = tpu.memref_slice %arg2[%add3A_126] : memref<320000xi32, #tpu.memory_space<hbm>> -> memref<80xi32, #tpu.memory_space<hbm>>
      %dma_start3A_128 = tpu.memref_slice %arg2[%add3A_126] : memref<320000xi32, #tpu.memory_space<hbm>> -> memref<80xi32, #tpu.memory_space<hbm>>
      tpu.enqueue_dma source(%dma_start3A_128 : memref<80xi32, #tpu.memory_space<hbm>>) target(%arg9 : memref<80xi32, #tpu.memory_space<vmem>>) target_semaphore(%arg18 : memref<!tpu.dma_semaphore, #tpu.memory_space<semaphore_mem>>)
      %dma_start3A_129 = tpu.memref_slice %arg3[%add3A_126] : memref<320000xi32, #tpu.memory_space<hbm>> -> memref<80xi32, #tpu.memory_space<hbm>>
      %dma_start3A_130 = tpu.memref_slice %arg3[%add3A_126] : memref<320000xi32, #tpu.memory_space<hbm>> -> memref<80xi32, #tpu.memory_space<hbm>>
      tpu.enqueue_dma source(%dma_start3A_130 : memref<80xi32, #tpu.memory_space<hbm>>) target(%arg11 : memref<80xi32, #tpu.memory_space<vmem>>) target_semaphore(%arg18 : memref<!tpu.dma_semaphore, #tpu.memory_space<semaphore_mem>>)
      %dma_start3A_131 = arith.constant 0 : i32
      %dma_start3A_132 = tpu.memref_slice %arg5[%add3A_126, %dma_start3A_131] : memref<320000x128xf32, #tpu.memory_space<hbm>> -> memref<80x128xf32, #tpu.memory_space<hbm>>
      %dma_start3A_133 = arith.constant 0 : i32
      %dma_start3A_134 = tpu.memref_slice %arg5[%add3A_126, %dma_start3A_133] : memref<320000x128xf32, #tpu.memory_space<hbm>> -> memref<80x128xf32, #tpu.memory_space<hbm>>
      tpu.enqueue_dma source(%dma_start3A_134 : memref<80x128xf32, #tpu.memory_space<hbm>>) target(%arg15 : memref<80x128xf32, #tpu.memory_space<vmem>>) target_semaphore(%arg18 : memref<!tpu.dma_semaphore, #tpu.memory_space<semaphore_mem>>)
      %mul3A_135 = arith.constant 2 : i32
      %mul3A_136 = arith.muli %mul3A_135, %scan3A_96 : i32
      %add3A_137 = arith.constant 1 : i32
      %add3A_138 = arith.addi %mul3A_136, %add3A_137 : i32
      %dma_wait3A_139 = arith.constant 0 : i32
      %dma_wait3A_140 = tpu.memref_slice %arg2[%dma_wait3A_139] : memref<320000xi32, #tpu.memory_space<hbm>> -> memref<80xi32, #tpu.memory_space<hbm>>
      %dma_wait3A_141 = arith.constant 0 : i32
      %dma_wait3A_142 = tpu.memref_slice %arg2[%dma_wait3A_141] : memref<320000xi32, #tpu.memory_space<hbm>> -> memref<80xi32, #tpu.memory_space<hbm>>
      tpu.wait_dma2 semaphore(%arg18 : memref<!tpu.dma_semaphore, #tpu.memory_space<semaphore_mem>>) src(%dma_wait3A_142 : memref<80xi32, #tpu.memory_space<hbm>>) dst(%arg9 : memref<80xi32, #tpu.memory_space<vmem>>)
      %dma_wait3A_143 = arith.constant 0 : i32
      %dma_wait3A_144 = tpu.memref_slice %arg3[%dma_wait3A_143] : memref<320000xi32, #tpu.memory_space<hbm>> -> memref<80xi32, #tpu.memory_space<hbm>>
      %dma_wait3A_145 = arith.constant 0 : i32
      %dma_wait3A_146 = tpu.memref_slice %arg3[%dma_wait3A_145] : memref<320000xi32, #tpu.memory_space<hbm>> -> memref<80xi32, #tpu.memory_space<hbm>>
      tpu.wait_dma2 semaphore(%arg18 : memref<!tpu.dma_semaphore, #tpu.memory_space<semaphore_mem>>) src(%dma_wait3A_146 : memref<80xi32, #tpu.memory_space<hbm>>) dst(%arg11 : memref<80xi32, #tpu.memory_space<vmem>>)
      %dma_wait3A_147 = arith.constant 0 : i32
      %dma_wait3A_148 = arith.constant 0 : i32
      %dma_wait3A_149 = tpu.memref_slice %arg5[%dma_wait3A_147, %dma_wait3A_148] : memref<320000x128xf32, #tpu.memory_space<hbm>> -> memref<80x128xf32, #tpu.memory_space<hbm>>
      %dma_wait3A_150 = arith.constant 0 : i32
      %dma_wait3A_151 = arith.constant 0 : i32
      %dma_wait3A_152 = tpu.memref_slice %arg5[%dma_wait3A_150, %dma_wait3A_151] : memref<320000x128xf32, #tpu.memory_space<hbm>> -> memref<80x128xf32, #tpu.memory_space<hbm>>
      tpu.wait_dma2 semaphore(%arg18 : memref<!tpu.dma_semaphore, #tpu.memory_space<semaphore_mem>>) src(%dma_wait3A_152 : memref<80x128xf32, #tpu.memory_space<hbm>>) dst(%arg15 : memref<80x128xf32, #tpu.memory_space<vmem>>)
      %dma_start3A_153 = arith.constant 0 : i32
      %dma_start3A_154 = arith.constant 0 : i32
      %dma_start3A_155 = tpu.memref_slice %arg4[%dma_start3A_153, %dma_start3A_154] : memref<10000x128xf32, #tpu.memory_space<hbm>> -> memref<10000x128xf32, #tpu.memory_space<hbm>>
      tpu.enqueue_indirect_dma source(%dma_start3A_155 : memref<10000x128xf32, #tpu.memory_space<hbm>>) target(%arg13 : memref<80x128xf32, #tpu.memory_space<vmem>>) offsets(%arg9 : memref<80xi32, #tpu.memory_space<vmem>>) semaphore(%arg20 : memref<!tpu.dma_semaphore, #tpu.memory_space<semaphore_mem>>)
      %gt3A_156 = arith.constant 0 : i32
      %gt3A_157 = arith.cmpi sgt, %add3A_138, %gt3A_156 : i32
      %convert_element_type3A_158 = arith.extui %gt3A_157 : i1 to i32
      %cond3A_159 = arith.constant 0 : i32
      %cond3A_160 = arith.cmpi ne, %convert_element_type3A_158, %cond3A_159 : i32
      scf.if %cond3A_160 {
        "tpu.region"() ({
          %run_scoped3A = tpu.sem_alloc : memref<!tpu.dma_semaphore, #tpu.memory_space<semaphore_mem>>
          %dma_start3A_182 = arith.constant 0 : i32
          %dma_start3A_183 = arith.constant 0 : i32
          %dma_start3A_184 = tpu.memref_slice %arg16[%dma_start3A_182, %dma_start3A_183] : memref<10240x128xf32, #tpu.memory_space<vmem_shared>> -> memref<10240x128xf32, #tpu.memory_space<vmem_shared>>
          tpu.enqueue_indirect_dma source(%arg14 : memref<80x128xf32, #tpu.memory_space<vmem>>) target(%dma_start3A_184 : memref<10240x128xf32, #tpu.memory_space<vmem_shared>>) offsets(%arg10 : memref<80xi32, #tpu.memory_space<vmem>>) semaphore(%run_scoped3A : memref<!tpu.dma_semaphore, #tpu.memory_space<semaphore_mem>>) {add = true}
          %dma_wait3A_185 = arith.constant 0 : i32
          %dma_wait3A_186 = arith.constant 0 : i32
          %dma_wait3A_187 = tpu.memref_slice %arg16[%dma_wait3A_185, %dma_wait3A_186] : memref<10240x128xf32, #tpu.memory_space<vmem_shared>> -> memref<10240x128xf32, #tpu.memory_space<vmem_shared>>
          tpu.wait_indirect_dma semaphore(%run_scoped3A : memref<!tpu.dma_semaphore, #tpu.memory_space<semaphore_mem>>) src(%arg14 : memref<80x128xf32, #tpu.memory_space<vmem>>) dst(%dma_wait3A_187 : memref<10240x128xf32, #tpu.memory_space<vmem_shared>>)
          tpu.yield
        }) : () -> ()
        %dma_wait3A_176 = arith.constant 0 : i32
        %dma_wait3A_177 = arith.constant 0 : i32
        %dma_wait3A_178 = tpu.memref_slice %arg4[%dma_wait3A_176, %dma_wait3A_177] : memref<10000x128xf32, #tpu.memory_space<hbm>> -> memref<80x128xf32, #tpu.memory_space<hbm>>
        %dma_wait3A_179 = arith.constant 0 : i32
        %dma_wait3A_180 = arith.constant 0 : i32
        %dma_wait3A_181 = tpu.memref_slice %arg4[%dma_wait3A_179, %dma_wait3A_180] : memref<10000x128xf32, #tpu.memory_space<hbm>> -> memref<80x128xf32, #tpu.memory_space<hbm>>
        tpu.wait_dma2 semaphore(%arg19 : memref<!tpu.dma_semaphore, #tpu.memory_space<semaphore_mem>>) src(%dma_wait3A_181 : memref<80x128xf32, #tpu.memory_space<hbm>>) dst(%arg12 : memref<80x128xf32, #tpu.memory_space<vmem>>)
        "tpu.region"() ({
          %run_scoped3A = tpu.sem_alloc : memref<!tpu.dma_semaphore, #tpu.memory_space<semaphore_mem>>
          %dma_start3A_182 = arith.constant 0 : i32
          %dma_start3A_183 = arith.constant 0 : i32
          %dma_start3A_184 = tpu.memref_slice %arg16[%dma_start3A_182, %dma_start3A_183] : memref<10240x128xf32, #tpu.memory_space<vmem_shared>> -> memref<10240x128xf32, #tpu.memory_space<vmem_shared>>
          tpu.enqueue_indirect_dma source(%arg12 : memref<80x128xf32, #tpu.memory_space<vmem>>) target(%dma_start3A_184 : memref<10240x128xf32, #tpu.memory_space<vmem_shared>>) offsets(%arg10 : memref<80xi32, #tpu.memory_space<vmem>>) semaphore(%run_scoped3A : memref<!tpu.dma_semaphore, #tpu.memory_space<semaphore_mem>>) {add = true}
          %dma_wait3A_185 = arith.constant 0 : i32
          %dma_wait3A_186 = arith.constant 0 : i32
          %dma_wait3A_187 = tpu.memref_slice %arg16[%dma_wait3A_185, %dma_wait3A_186] : memref<10240x128xf32, #tpu.memory_space<vmem_shared>> -> memref<10240x128xf32, #tpu.memory_space<vmem_shared>>
          tpu.wait_indirect_dma semaphore(%run_scoped3A : memref<!tpu.dma_semaphore, #tpu.memory_space<semaphore_mem>>) src(%arg12 : memref<80x128xf32, #tpu.memory_space<vmem>>) dst(%dma_wait3A_187 : memref<10240x128xf32, #tpu.memory_space<vmem_shared>>)
          tpu.yield
        }) : () -> ()
      } else {
      }
      %add3A_161 = arith.constant 1 : i32
      %add3A_162 = arith.addi %add3A_138, %add3A_161 : i32
      %mul3A_163 = arith.constant 10000 : i32
      %mul3A_164 = arith.muli %add3A, %mul3A_163 : i32
      %mul3A_165 = arith.constant 80 : i32
      %mul3A_166 = arith.muli %add3A_162, %mul3A_165 : i32
      %add3A_167 = arith.addi %mul3A_164, %mul3A_166 : i32
      %dma_start3A_168 = tpu.memref_slice %arg2[%add3A_167] : memref<320000xi32, #tpu.memory_space<hbm>> -> memref<80xi32, #tpu.memory_space<hbm>>
      %dma_start3A_169 = tpu.memref_slice %arg2[%add3A_167] : memref<320000xi32, #tpu.memory_space<hbm>> -> memref<80xi32, #tpu.memory_space<hbm>>
      tpu.enqueue_dma source(%dma_start3A_169 : memref<80xi32, #tpu.memory_space<hbm>>) target(%arg8 : memref<80xi32, #tpu.memory_space<vmem>>) target_semaphore(%arg17 : memref<!tpu.dma_semaphore, #tpu.memory_space<semaphore_mem>>)
      %dma_start3A_170 = tpu.memref_slice %arg3[%add3A_167] : memref<320000xi32, #tpu.memory_space<hbm>> -> memref<80xi32, #tpu.memory_space<hbm>>
      %dma_start3A_171 = tpu.memref_slice %arg3[%add3A_167] : memref<320000xi32, #tpu.memory_space<hbm>> -> memref<80xi32, #tpu.memory_space<hbm>>
      tpu.enqueue_dma source(%dma_start3A_171 : memref<80xi32, #tpu.memory_space<hbm>>) target(%arg10 : memref<80xi32, #tpu.memory_space<vmem>>) target_semaphore(%arg17 : memref<!tpu.dma_semaphore, #tpu.memory_space<semaphore_mem>>)
      %dma_start3A_172 = arith.constant 0 : i32
      %dma_start3A_173 = tpu.memref_slice %arg5[%add3A_167, %dma_start3A_172] : memref<320000x128xf32, #tpu.memory_space<hbm>> -> memref<80x128xf32, #tpu.memory_space<hbm>>
      %dma_start3A_174 = arith.constant 0 : i32
      %dma_start3A_175 = tpu.memref_slice %arg5[%add3A_167, %dma_start3A_174] : memref<320000x128xf32, #tpu.memory_space<hbm>> -> memref<80x128xf32, #tpu.memory_space<hbm>>
      tpu.enqueue_dma source(%dma_start3A_175 : memref<80x128xf32, #tpu.memory_space<hbm>>) target(%arg14 : memref<80x128xf32, #tpu.memory_space<vmem>>) target_semaphore(%arg17 : memref<!tpu.dma_semaphore, #tpu.memory_space<semaphore_mem>>)
    }
    %scan3A_34 = arith.constant 62 : i32
    %dma_wait3A = arith.constant 0 : i32
    %dma_wait3A_35 = tpu.memref_slice %arg2[%dma_wait3A] : memref<320000xi32, #tpu.memory_space<hbm>> -> memref<80xi32, #tpu.memory_space<hbm>>
    %dma_wait3A_36 = arith.constant 0 : i32
    %dma_wait3A_37 = tpu.memref_slice %arg2[%dma_wait3A_36] : memref<320000xi32, #tpu.memory_space<hbm>> -> memref<80xi32, #tpu.memory_space<hbm>>
    tpu.wait_dma2 semaphore(%arg17 : memref<!tpu.dma_semaphore, #tpu.memory_space<semaphore_mem>>) src(%dma_wait3A_37 : memref<80xi32, #tpu.memory_space<hbm>>) dst(%arg8 : memref<80xi32, #tpu.memory_space<vmem>>)
    %dma_wait3A_38 = arith.constant 0 : i32
    %dma_wait3A_39 = tpu.memref_slice %arg3[%dma_wait3A_38] : memref<320000xi32, #tpu.memory_space<hbm>> -> memref<80xi32, #tpu.memory_space<hbm>>
    %dma_wait3A_40 = arith.constant 0 : i32
    %dma_wait3A_41 = tpu.memref_slice %arg3[%dma_wait3A_40] : memref<320000xi32, #tpu.memory_space<hbm>> -> memref<80xi32, #tpu.memory_space<hbm>>
    tpu.wait_dma2 semaphore(%arg17 : memref<!tpu.dma_semaphore, #tpu.memory_space<semaphore_mem>>) src(%dma_wait3A_41 : memref<80xi32, #tpu.memory_space<hbm>>) dst(%arg10 : memref<80xi32, #tpu.memory_space<vmem>>)
    %dma_wait3A_42 = arith.constant 0 : i32
    %dma_wait3A_43 = arith.constant 0 : i32
    %dma_wait3A_44 = tpu.memref_slice %arg5[%dma_wait3A_42, %dma_wait3A_43] : memref<320000x128xf32, #tpu.memory_space<hbm>> -> memref<80x128xf32, #tpu.memory_space<hbm>>
    %dma_wait3A_45 = arith.constant 0 : i32
    %dma_wait3A_46 = arith.constant 0 : i32
    %dma_wait3A_47 = tpu.memref_slice %arg5[%dma_wait3A_45, %dma_wait3A_46] : memref<320000x128xf32, #tpu.memory_space<hbm>> -> memref<80x128xf32, #tpu.memory_space<hbm>>
    tpu.wait_dma2 semaphore(%arg17 : memref<!tpu.dma_semaphore, #tpu.memory_space<semaphore_mem>>) src(%dma_wait3A_47 : memref<80x128xf32, #tpu.memory_space<hbm>>) dst(%arg14 : memref<80x128xf32, #tpu.memory_space<vmem>>)
    %dma_start3A_48 = arith.constant 0 : i32
    %dma_start3A_49 = arith.constant 0 : i32
    %dma_start3A_50 = tpu.memref_slice %arg4[%dma_start3A_48, %dma_start3A_49] : memref<10000x128xf32, #tpu.memory_space<hbm>> -> memref<10000x128xf32, #tpu.memory_space<hbm>>
    tpu.enqueue_indirect_dma source(%dma_start3A_50 : memref<10000x128xf32, #tpu.memory_space<hbm>>) target(%arg12 : memref<80x128xf32, #tpu.memory_space<vmem>>) offsets(%arg8 : memref<80xi32, #tpu.memory_space<vmem>>) semaphore(%arg19 : memref<!tpu.dma_semaphore, #tpu.memory_space<semaphore_mem>>)
    "tpu.region"() ({
      %run_scoped3A = tpu.sem_alloc : memref<!tpu.dma_semaphore, #tpu.memory_space<semaphore_mem>>
      %dma_start3A_96 = arith.constant 0 : i32
      %dma_start3A_97 = arith.constant 0 : i32
      %dma_start3A_98 = tpu.memref_slice %arg16[%dma_start3A_96, %dma_start3A_97] : memref<10240x128xf32, #tpu.memory_space<vmem_shared>> -> memref<10240x128xf32, #tpu.memory_space<vmem_shared>>
      tpu.enqueue_indirect_dma source(%arg15 : memref<80x128xf32, #tpu.memory_space<vmem>>) target(%dma_start3A_98 : memref<10240x128xf32, #tpu.memory_space<vmem_shared>>) offsets(%arg11 : memref<80xi32, #tpu.memory_space<vmem>>) semaphore(%run_scoped3A : memref<!tpu.dma_semaphore, #tpu.memory_space<semaphore_mem>>) {add = true}
      %dma_wait3A_99 = arith.constant 0 : i32
      %dma_wait3A_100 = arith.constant 0 : i32
      %dma_wait3A_101 = tpu.memref_slice %arg16[%dma_wait3A_99, %dma_wait3A_100] : memref<10240x128xf32, #tpu.memory_space<vmem_shared>> -> memref<10240x128xf32, #tpu.memory_space<vmem_shared>>
      tpu.wait_indirect_dma semaphore(%run_scoped3A : memref<!tpu.dma_semaphore, #tpu.memory_space<semaphore_mem>>) src(%arg15 : memref<80x128xf32, #tpu.memory_space<vmem>>) dst(%dma_wait3A_101 : memref<10240x128xf32, #tpu.memory_space<vmem_shared>>)
      tpu.yield
    }) : () -> ()
    %dma_wait3A_51 = arith.constant 0 : i32
    %dma_wait3A_52 = arith.constant 0 : i32
    %dma_wait3A_53 = tpu.memref_slice %arg4[%dma_wait3A_51, %dma_wait3A_52] : memref<10000x128xf32, #tpu.memory_space<hbm>> -> memref<80x128xf32, #tpu.memory_space<hbm>>
    %dma_wait3A_54 = arith.constant 0 : i32
    %dma_wait3A_55 = arith.constant 0 : i32
    %dma_wait3A_56 = tpu.memref_slice %arg4[%dma_wait3A_54, %dma_wait3A_55] : memref<10000x128xf32, #tpu.memory_space<hbm>> -> memref<80x128xf32, #tpu.memory_space<hbm>>
    tpu.wait_dma2 semaphore(%arg20 : memref<!tpu.dma_semaphore, #tpu.memory_space<semaphore_mem>>) src(%dma_wait3A_56 : memref<80x128xf32, #tpu.memory_space<hbm>>) dst(%arg13 : memref<80x128xf32, #tpu.memory_space<vmem>>)
    "tpu.region"() ({
      %run_scoped3A = tpu.sem_alloc : memref<!tpu.dma_semaphore, #tpu.memory_space<semaphore_mem>>
      %dma_start3A_96 = arith.constant 0 : i32
      %dma_start3A_97 = arith.constant 0 : i32
      %dma_start3A_98 = tpu.memref_slice %arg16[%dma_start3A_96, %dma_start3A_97] : memref<10240x128xf32, #tpu.memory_space<vmem_shared>> -> memref<10240x128xf32, #tpu.memory_space<vmem_shared>>
      tpu.enqueue_indirect_dma source(%arg13 : memref<80x128xf32, #tpu.memory_space<vmem>>) target(%dma_start3A_98 : memref<10240x128xf32, #tpu.memory_space<vmem_shared>>) offsets(%arg11 : memref<80xi32, #tpu.memory_space<vmem>>) semaphore(%run_scoped3A : memref<!tpu.dma_semaphore, #tpu.memory_space<semaphore_mem>>) {add = true}
      %dma_wait3A_99 = arith.constant 0 : i32
      %dma_wait3A_100 = arith.constant 0 : i32
      %dma_wait3A_101 = tpu.memref_slice %arg16[%dma_wait3A_99, %dma_wait3A_100] : memref<10240x128xf32, #tpu.memory_space<vmem_shared>> -> memref<10240x128xf32, #tpu.memory_space<vmem_shared>>
      tpu.wait_indirect_dma semaphore(%run_scoped3A : memref<!tpu.dma_semaphore, #tpu.memory_space<semaphore_mem>>) src(%arg13 : memref<80x128xf32, #tpu.memory_space<vmem>>) dst(%dma_wait3A_101 : memref<10240x128xf32, #tpu.memory_space<vmem_shared>>)
      tpu.yield
    }) : () -> ()
    "tpu.region"() ({
      %run_scoped3A = tpu.sem_alloc : memref<!tpu.dma_semaphore, #tpu.memory_space<semaphore_mem>>
      %dma_start3A_96 = arith.constant 0 : i32
      %dma_start3A_97 = arith.constant 0 : i32
      %dma_start3A_98 = tpu.memref_slice %arg16[%dma_start3A_96, %dma_start3A_97] : memref<10240x128xf32, #tpu.memory_space<vmem_shared>> -> memref<10240x128xf32, #tpu.memory_space<vmem_shared>>
      tpu.enqueue_indirect_dma source(%arg14 : memref<80x128xf32, #tpu.memory_space<vmem>>) target(%dma_start3A_98 : memref<10240x128xf32, #tpu.memory_space<vmem_shared>>) offsets(%arg10 : memref<80xi32, #tpu.memory_space<vmem>>) semaphore(%run_scoped3A : memref<!tpu.dma_semaphore, #tpu.memory_space<semaphore_mem>>) {add = true}
      %dma_wait3A_99 = arith.constant 0 : i32
      %dma_wait3A_100 = arith.constant 0 : i32
      %dma_wait3A_101 = tpu.memref_slice %arg16[%dma_wait3A_99, %dma_wait3A_100] : memref<10240x128xf32, #tpu.memory_space<vmem_shared>> -> memref<10240x128xf32, #tpu.memory_space<vmem_shared>>
      tpu.wait_indirect_dma semaphore(%run_scoped3A : memref<!tpu.dma_semaphore, #tpu.memory_space<semaphore_mem>>) src(%arg14 : memref<80x128xf32, #tpu.memory_space<vmem>>) dst(%dma_wait3A_101 : memref<10240x128xf32, #tpu.memory_space<vmem_shared>>)
      tpu.yield
    }) : () -> ()
    %dma_wait3A_57 = arith.constant 0 : i32
    %dma_wait3A_58 = arith.constant 0 : i32
    %dma_wait3A_59 = tpu.memref_slice %arg4[%dma_wait3A_57, %dma_wait3A_58] : memref<10000x128xf32, #tpu.memory_space<hbm>> -> memref<80x128xf32, #tpu.memory_space<hbm>>
    %dma_wait3A_60 = arith.constant 0 : i32
    %dma_wait3A_61 = arith.constant 0 : i32
    %dma_wait3A_62 = tpu.memref_slice %arg4[%dma_wait3A_60, %dma_wait3A_61] : memref<10000x128xf32, #tpu.memory_space<hbm>> -> memref<80x128xf32, #tpu.memory_space<hbm>>
    tpu.wait_dma2 semaphore(%arg19 : memref<!tpu.dma_semaphore, #tpu.memory_space<semaphore_mem>>) src(%dma_wait3A_62 : memref<80x128xf32, #tpu.memory_space<hbm>>) dst(%arg12 : memref<80x128xf32, #tpu.memory_space<vmem>>)
    "tpu.region"() ({
      %run_scoped3A = tpu.sem_alloc : memref<!tpu.dma_semaphore, #tpu.memory_space<semaphore_mem>>
      %dma_start3A_96 = arith.constant 0 : i32
      %dma_start3A_97 = arith.constant 0 : i32
      %dma_start3A_98 = tpu.memref_slice %arg16[%dma_start3A_96, %dma_start3A_97] : memref<10240x128xf32, #tpu.memory_space<vmem_shared>> -> memref<10240x128xf32, #tpu.memory_space<vmem_shared>>
      tpu.enqueue_indirect_dma source(%arg12 : memref<80x128xf32, #tpu.memory_space<vmem>>) target(%dma_start3A_98 : memref<10240x128xf32, #tpu.memory_space<vmem_shared>>) offsets(%arg10 : memref<80xi32, #tpu.memory_space<vmem>>) semaphore(%run_scoped3A : memref<!tpu.dma_semaphore, #tpu.memory_space<semaphore_mem>>) {add = true}
      %dma_wait3A_99 = arith.constant 0 : i32
      %dma_wait3A_100 = arith.constant 0 : i32
      %dma_wait3A_101 = tpu.memref_slice %arg16[%dma_wait3A_99, %dma_wait3A_100] : memref<10240x128xf32, #tpu.memory_space<vmem_shared>> -> memref<10240x128xf32, #tpu.memory_space<vmem_shared>>
      tpu.wait_indirect_dma semaphore(%run_scoped3A : memref<!tpu.dma_semaphore, #tpu.memory_space<semaphore_mem>>) src(%arg12 : memref<80x128xf32, #tpu.memory_space<vmem>>) dst(%dma_wait3A_101 : memref<10240x128xf32, #tpu.memory_space<vmem_shared>>)
      tpu.yield
    }) : () -> ()
    %barrier3A_63 = arith.constant 0 : index
    tpu.barrier barrier_id(%barrier3A_63)
    %add3A_64 = arith.constant 0 : i32
    %add3A_65 = arith.addi %mul3A_2, %add3A_64 : i32
    "tpu.region"() ({
      %run_scoped3A = tpu.sem_alloc : memref<!tpu.dma_semaphore, #tpu.memory_space<semaphore_mem>>
      %dma_start3A_96 = arith.constant 0 : i32
      %dma_start3A_97 = tpu.memref_slice %arg16[%add3A_65, %dma_start3A_96] : memref<10240x128xf32, #tpu.memory_space<vmem_shared>> -> memref<80x128xf32, #tpu.memory_space<vmem_shared>>
      %dma_start3A_98 = arith.constant 0 : i32
      %dma_start3A_99 = tpu.memref_slice %arg16[%add3A_65, %dma_start3A_98] : memref<10240x128xf32, #tpu.memory_space<vmem_shared>> -> memref<80x128xf32, #tpu.memory_space<vmem_shared>>
      tpu.enqueue_dma source(%dma_start3A_99 : memref<80x128xf32, #tpu.memory_space<vmem_shared>>) target(%arg12 : memref<80x128xf32, #tpu.memory_space<vmem>>) target_semaphore(%run_scoped3A : memref<!tpu.dma_semaphore, #tpu.memory_space<semaphore_mem>>)
      %dma_wait3A_100 = arith.constant 0 : i32
      %dma_wait3A_101 = tpu.memref_slice %arg16[%add3A_65, %dma_wait3A_100] : memref<10240x128xf32, #tpu.memory_space<vmem_shared>> -> memref<80x128xf32, #tpu.memory_space<vmem_shared>>
      %dma_wait3A_102 = arith.constant 0 : i32
      %dma_wait3A_103 = tpu.memref_slice %arg16[%add3A_65, %dma_wait3A_102] : memref<10240x128xf32, #tpu.memory_space<vmem_shared>> -> memref<80x128xf32, #tpu.memory_space<vmem_shared>>
      tpu.wait_dma2 semaphore(%run_scoped3A : memref<!tpu.dma_semaphore, #tpu.memory_space<semaphore_mem>>) src(%dma_wait3A_103 : memref<80x128xf32, #tpu.memory_space<vmem_shared>>) dst(%arg12 : memref<80x128xf32, #tpu.memory_space<vmem>>)
      tpu.yield
    }) : () -> ()
    %add3A_66 = arith.constant 0 : i32
    %add3A_67 = arith.addi %mul3A_2, %add3A_66 : i32
    "tpu.region"() ({
      %run_scoped3A = tpu.sem_alloc : memref<!tpu.dma_semaphore, #tpu.memory_space<semaphore_mem>>
      %dma_start3A_96 = arith.constant 0 : i32
      %dma_start3A_97 = tpu.memref_slice %arg7[%arg0, %add3A_67, %dma_start3A_96] : memref<2x10240x128xf32, #tpu.memory_space<hbm>> -> memref<1x80x128xf32, #tpu.memory_space<hbm>>
      %dma_start3A_98 = tpu.memref_squeeze %dma_start3A_97 : memref<1x80x128xf32, #tpu.memory_space<hbm>> -> memref<80x128xf32, #tpu.memory_space<hbm>>
      %dma_start3A_99 = arith.constant 0 : i32
      %dma_start3A_100 = tpu.memref_slice %arg7[%arg0, %add3A_67, %dma_start3A_99] : memref<2x10240x128xf32, #tpu.memory_space<hbm>> -> memref<1x80x128xf32, #tpu.memory_space<hbm>>
      %dma_start3A_101 = tpu.memref_squeeze %dma_start3A_100 : memref<1x80x128xf32, #tpu.memory_space<hbm>> -> memref<80x128xf32, #tpu.memory_space<hbm>>
      tpu.enqueue_dma source(%arg12 : memref<80x128xf32, #tpu.memory_space<vmem>>) target(%dma_start3A_101 : memref<80x128xf32, #tpu.memory_space<hbm>>) target_semaphore(%run_scoped3A : memref<!tpu.dma_semaphore, #tpu.memory_space<semaphore_mem>>)
      %dma_wait3A_102 = arith.constant 0 : i32
      %dma_wait3A_103 = tpu.memref_slice %arg7[%arg0, %add3A_67, %dma_wait3A_102] : memref<2x10240x128xf32, #tpu.memory_space<hbm>> -> memref<1x80x128xf32, #tpu.memory_space<hbm>>
      %dma_wait3A_104 = tpu.memref_squeeze %dma_wait3A_103 : memref<1x80x128xf32, #tpu.memory_space<hbm>> -> memref<80x128xf32, #tpu.memory_space<hbm>>
      %dma_wait3A_105 = arith.constant 0 : i32
      %dma_wait3A_106 = tpu.memref_slice %arg7[%arg0, %add3A_67, %dma_wait3A_105] : memref<2x10240x128xf32, #tpu.memory_space<hbm>> -> memref<1x80x128xf32, #tpu.memory_space<hbm>>
      %dma_wait3A_107 = tpu.memref_squeeze %dma_wait3A_106 : memref<1x80x128xf32, #tpu.memory_space<hbm>> -> memref<80x128xf32, #tpu.memory_space<hbm>>
      tpu.wait_dma2 semaphore(%run_scoped3A : memref<!tpu.dma_semaphore, #tpu.memory_space<semaphore_mem>>) src(%arg12 : memref<80x128xf32, #tpu.memory_space<vmem>>) dst(%dma_wait3A_107 : memref<80x128xf32, #tpu.memory_space<hbm>>)
      tpu.yield
    }) : () -> ()
    %add3A_68 = arith.constant 80 : i32
    %add3A_69 = arith.addi %mul3A_2, %add3A_68 : i32
    "tpu.region"() ({
      %run_scoped3A = tpu.sem_alloc : memref<!tpu.dma_semaphore, #tpu.memory_space<semaphore_mem>>
      %dma_start3A_96 = arith.constant 0 : i32
      %dma_start3A_97 = tpu.memref_slice %arg16[%add3A_69, %dma_start3A_96] : memref<10240x128xf32, #tpu.memory_space<vmem_shared>> -> memref<80x128xf32, #tpu.memory_space<vmem_shared>>
      %dma_start3A_98 = arith.constant 0 : i32
      %dma_start3A_99 = tpu.memref_slice %arg16[%add3A_69, %dma_start3A_98] : memref<10240x128xf32, #tpu.memory_space<vmem_shared>> -> memref<80x128xf32, #tpu.memory_space<vmem_shared>>
      tpu.enqueue_dma source(%dma_start3A_99 : memref<80x128xf32, #tpu.memory_space<vmem_shared>>) target(%arg12 : memref<80x128xf32, #tpu.memory_space<vmem>>) target_semaphore(%run_scoped3A : memref<!tpu.dma_semaphore, #tpu.memory_space<semaphore_mem>>)
      %dma_wait3A_100 = arith.constant 0 : i32
      %dma_wait3A_101 = tpu.memref_slice %arg16[%add3A_69, %dma_wait3A_100] : memref<10240x128xf32, #tpu.memory_space<vmem_shared>> -> memref<80x128xf32, #tpu.memory_space<vmem_shared>>
      %dma_wait3A_102 = arith.constant 0 : i32
      %dma_wait3A_103 = tpu.memref_slice %arg16[%add3A_69, %dma_wait3A_102] : memref<10240x128xf32, #tpu.memory_space<vmem_shared>> -> memref<80x128xf32, #tpu.memory_space<vmem_shared>>
      tpu.wait_dma2 semaphore(%run_scoped3A : memref<!tpu.dma_semaphore, #tpu.memory_space<semaphore_mem>>) src(%dma_wait3A_103 : memref<80x128xf32, #tpu.memory_space<vmem_shared>>) dst(%arg12 : memref<80x128xf32, #tpu.memory_space<vmem>>)
      tpu.yield
    }) : () -> ()
    %add3A_70 = arith.constant 80 : i32
    %add3A_71 = arith.addi %mul3A_2, %add3A_70 : i32
    "tpu.region"() ({
      %run_scoped3A = tpu.sem_alloc : memref<!tpu.dma_semaphore, #tpu.memory_space<semaphore_mem>>
      %dma_start3A_96 = arith.constant 0 : i32
      %dma_start3A_97 = tpu.memref_slice %arg7[%arg0, %add3A_71, %dma_start3A_96] : memref<2x10240x128xf32, #tpu.memory_space<hbm>> -> memref<1x80x128xf32, #tpu.memory_space<hbm>>
      %dma_start3A_98 = tpu.memref_squeeze %dma_start3A_97 : memref<1x80x128xf32, #tpu.memory_space<hbm>> -> memref<80x128xf32, #tpu.memory_space<hbm>>
      %dma_start3A_99 = arith.constant 0 : i32
      %dma_start3A_100 = tpu.memref_slice %arg7[%arg0, %add3A_71, %dma_start3A_99] : memref<2x10240x128xf32, #tpu.memory_space<hbm>> -> memref<1x80x128xf32, #tpu.memory_space<hbm>>
      %dma_start3A_101 = tpu.memref_squeeze %dma_start3A_100 : memref<1x80x128xf32, #tpu.memory_space<hbm>> -> memref<80x128xf32, #tpu.memory_space<hbm>>
      tpu.enqueue_dma source(%arg12 : memref<80x128xf32, #tpu.memory_space<vmem>>) target(%dma_start3A_101 : memref<80x128xf32, #tpu.memory_space<hbm>>) target_semaphore(%run_scoped3A : memref<!tpu.dma_semaphore, #tpu.memory_space<semaphore_mem>>)
      %dma_wait3A_102 = arith.constant 0 : i32
      %dma_wait3A_103 = tpu.memref_slice %arg7[%arg0, %add3A_71, %dma_wait3A_102] : memref<2x10240x128xf32, #tpu.memory_space<hbm>> -> memref<1x80x128xf32, #tpu.memory_space<hbm>>
      %dma_wait3A_104 = tpu.memref_squeeze %dma_wait3A_103 : memref<1x80x128xf32, #tpu.memory_space<hbm>> -> memref<80x128xf32, #tpu.memory_space<hbm>>
      %dma_wait3A_105 = arith.constant 0 : i32
      %dma_wait3A_106 = tpu.memref_slice %arg7[%arg0, %add3A_71, %dma_wait3A_105] : memref<2x10240x128xf32, #tpu.memory_space<hbm>> -> memref<1x80x128xf32, #tpu.memory_space<hbm>>
      %dma_wait3A_107 = tpu.memref_squeeze %dma_wait3A_106 : memref<1x80x128xf32, #tpu.memory_space<hbm>> -> memref<80x128xf32, #tpu.memory_space<hbm>>
      tpu.wait_dma2 semaphore(%run_scoped3A : memref<!tpu.dma_semaphore, #tpu.memory_space<semaphore_mem>>) src(%arg12 : memref<80x128xf32, #tpu.memory_space<vmem>>) dst(%dma_wait3A_107 : memref<80x128xf32, #tpu.memory_space<hbm>>)
      tpu.yield
    }) : () -> ()
    %add3A_72 = arith.constant 160 : i32
    %add3A_73 = arith.addi %mul3A_2, %add3A_72 : i32
    "tpu.region"() ({
      %run_scoped3A = tpu.sem_alloc : memref<!tpu.dma_semaphore, #tpu.memory_space<semaphore_mem>>
      %dma_start3A_96 = arith.constant 0 : i32
      %dma_start3A_97 = tpu.memref_slice %arg16[%add3A_73, %dma_start3A_96] : memref<10240x128xf32, #tpu.memory_space<vmem_shared>> -> memref<80x128xf32, #tpu.memory_space<vmem_shared>>
      %dma_start3A_98 = arith.constant 0 : i32
      %dma_start3A_99 = tpu.memref_slice %arg16[%add3A_73, %dma_start3A_98] : memref<10240x128xf32, #tpu.memory_space<vmem_shared>> -> memref<80x128xf32, #tpu.memory_space<vmem_shared>>
      tpu.enqueue_dma source(%dma_start3A_99 : memref<80x128xf32, #tpu.memory_space<vmem_shared>>) target(%arg12 : memref<80x128xf32, #tpu.memory_space<vmem>>) target_semaphore(%run_scoped3A : memref<!tpu.dma_semaphore, #tpu.memory_space<semaphore_mem>>)
      %dma_wait3A_100 = arith.constant 0 : i32
      %dma_wait3A_101 = tpu.memref_slice %arg16[%add3A_73, %dma_wait3A_100] : memref<10240x128xf32, #tpu.memory_space<vmem_shared>> -> memref<80x128xf32, #tpu.memory_space<vmem_shared>>
      %dma_wait3A_102 = arith.constant 0 : i32
      %dma_wait3A_103 = tpu.memref_slice %arg16[%add3A_73, %dma_wait3A_102] : memref<10240x128xf32, #tpu.memory_space<vmem_shared>> -> memref<80x128xf32, #tpu.memory_space<vmem_shared>>
      tpu.wait_dma2 semaphore(%run_scoped3A : memref<!tpu.dma_semaphore, #tpu.memory_space<semaphore_mem>>) src(%dma_wait3A_103 : memref<80x128xf32, #tpu.memory_space<vmem_shared>>) dst(%arg12 : memref<80x128xf32, #tpu.memory_space<vmem>>)
      tpu.yield
    }) : () -> ()
    %add3A_74 = arith.constant 160 : i32
    %add3A_75 = arith.addi %mul3A_2, %add3A_74 : i32
    "tpu.region"() ({
      %run_scoped3A = tpu.sem_alloc : memref<!tpu.dma_semaphore, #tpu.memory_space<semaphore_mem>>
      %dma_start3A_96 = arith.constant 0 : i32
      %dma_start3A_97 = tpu.memref_slice %arg7[%arg0, %add3A_75, %dma_start3A_96] : memref<2x10240x128xf32, #tpu.memory_space<hbm>> -> memref<1x80x128xf32, #tpu.memory_space<hbm>>
      %dma_start3A_98 = tpu.memref_squeeze %dma_start3A_97 : memref<1x80x128xf32, #tpu.memory_space<hbm>> -> memref<80x128xf32, #tpu.memory_space<hbm>>
      %dma_start3A_99 = arith.constant 0 : i32
      %dma_start3A_100 = tpu.memref_slice %arg7[%arg0, %add3A_75, %dma_start3A_99] : memref<2x10240x128xf32, #tpu.memory_space<hbm>> -> memref<1x80x128xf32, #tpu.memory_space<hbm>>
      %dma_start3A_101 = tpu.memref_squeeze %dma_start3A_100 : memref<1x80x128xf32, #tpu.memory_space<hbm>> -> memref<80x128xf32, #tpu.memory_space<hbm>>
      tpu.enqueue_dma source(%arg12 : memref<80x128xf32, #tpu.memory_space<vmem>>) target(%dma_start3A_101 : memref<80x128xf32, #tpu.memory_space<hbm>>) target_semaphore(%run_scoped3A : memref<!tpu.dma_semaphore, #tpu.memory_space<semaphore_mem>>)
      %dma_wait3A_102 = arith.constant 0 : i32
      %dma_wait3A_103 = tpu.memref_slice %arg7[%arg0, %add3A_75, %dma_wait3A_102] : memref<2x10240x128xf32, #tpu.memory_space<hbm>> -> memref<1x80x128xf32, #tpu.memory_space<hbm>>
      %dma_wait3A_104 = tpu.memref_squeeze %dma_wait3A_103 : memref<1x80x128xf32, #tpu.memory_space<hbm>> -> memref<80x128xf32, #tpu.memory_space<hbm>>
      %dma_wait3A_105 = arith.constant 0 : i32
      %dma_wait3A_106 = tpu.memref_slice %arg7[%arg0, %add3A_75, %dma_wait3A_105] : memref<2x10240x128xf32, #tpu.memory_space<hbm>> -> memref<1x80x128xf32, #tpu.memory_space<hbm>>
      %dma_wait3A_107 = tpu.memref_squeeze %dma_wait3A_106 : memref<1x80x128xf32, #tpu.memory_space<hbm>> -> memref<80x128xf32, #tpu.memory_space<hbm>>
      tpu.wait_dma2 semaphore(%run_scoped3A : memref<!tpu.dma_semaphore, #tpu.memory_space<semaphore_mem>>) src(%arg12 : memref<80x128xf32, #tpu.memory_space<vmem>>) dst(%dma_wait3A_107 : memref<80x128xf32, #tpu.memory_space<hbm>>)
      tpu.yield
    }) : () -> ()
    %add3A_76 = arith.constant 240 : i32
    %add3A_77 = arith.addi %mul3A_2, %add3A_76 : i32
    "tpu.region"() ({
      %run_scoped3A = tpu.sem_alloc : memref<!tpu.dma_semaphore, #tpu.memory_space<semaphore_mem>>
      %dma_start3A_96 = arith.constant 0 : i32
      %dma_start3A_97 = tpu.memref_slice %arg16[%add3A_77, %dma_start3A_96] : memref<10240x128xf32, #tpu.memory_space<vmem_shared>> -> memref<80x128xf32, #tpu.memory_space<vmem_shared>>
      %dma_start3A_98 = arith.constant 0 : i32
      %dma_start3A_99 = tpu.memref_slice %arg16[%add3A_77, %dma_start3A_98] : memref<10240x128xf32, #tpu.memory_space<vmem_shared>> -> memref<80x128xf32, #tpu.memory_space<vmem_shared>>
      tpu.enqueue_dma source(%dma_start3A_99 : memref<80x128xf32, #tpu.memory_space<vmem_shared>>) target(%arg12 : memref<80x128xf32, #tpu.memory_space<vmem>>) target_semaphore(%run_scoped3A : memref<!tpu.dma_semaphore, #tpu.memory_space<semaphore_mem>>)
      %dma_wait3A_100 = arith.constant 0 : i32
      %dma_wait3A_101 = tpu.memref_slice %arg16[%add3A_77, %dma_wait3A_100] : memref<10240x128xf32, #tpu.memory_space<vmem_shared>> -> memref<80x128xf32, #tpu.memory_space<vmem_shared>>
      %dma_wait3A_102 = arith.constant 0 : i32
      %dma_wait3A_103 = tpu.memref_slice %arg16[%add3A_77, %dma_wait3A_102] : memref<10240x128xf32, #tpu.memory_space<vmem_shared>> -> memref<80x128xf32, #tpu.memory_space<vmem_shared>>
      tpu.wait_dma2 semaphore(%run_scoped3A : memref<!tpu.dma_semaphore, #tpu.memory_space<semaphore_mem>>) src(%dma_wait3A_103 : memref<80x128xf32, #tpu.memory_space<vmem_shared>>) dst(%arg12 : memref<80x128xf32, #tpu.memory_space<vmem>>)
      tpu.yield
    }) : () -> ()
    %add3A_78 = arith.constant 240 : i32
    %add3A_79 = arith.addi %mul3A_2, %add3A_78 : i32
    "tpu.region"() ({
      %run_scoped3A = tpu.sem_alloc : memref<!tpu.dma_semaphore, #tpu.memory_space<semaphore_mem>>
      %dma_start3A_96 = arith.constant 0 : i32
      %dma_start3A_97 = tpu.memref_slice %arg7[%arg0, %add3A_79, %dma_start3A_96] : memref<2x10240x128xf32, #tpu.memory_space<hbm>> -> memref<1x80x128xf32, #tpu.memory_space<hbm>>
      %dma_start3A_98 = tpu.memref_squeeze %dma_start3A_97 : memref<1x80x128xf32, #tpu.memory_space<hbm>> -> memref<80x128xf32, #tpu.memory_space<hbm>>
      %dma_start3A_99 = arith.constant 0 : i32
      %dma_start3A_100 = tpu.memref_slice %arg7[%arg0, %add3A_79, %dma_start3A_99] : memref<2x10240x128xf32, #tpu.memory_space<hbm>> -> memref<1x80x128xf32, #tpu.memory_space<hbm>>
      %dma_start3A_101 = tpu.memref_squeeze %dma_start3A_100 : memref<1x80x128xf32, #tpu.memory_space<hbm>> -> memref<80x128xf32, #tpu.memory_space<hbm>>
      tpu.enqueue_dma source(%arg12 : memref<80x128xf32, #tpu.memory_space<vmem>>) target(%dma_start3A_101 : memref<80x128xf32, #tpu.memory_space<hbm>>) target_semaphore(%run_scoped3A : memref<!tpu.dma_semaphore, #tpu.memory_space<semaphore_mem>>)
      %dma_wait3A_102 = arith.constant 0 : i32
      %dma_wait3A_103 = tpu.memref_slice %arg7[%arg0, %add3A_79, %dma_wait3A_102] : memref<2x10240x128xf32, #tpu.memory_space<hbm>> -> memref<1x80x128xf32, #tpu.memory_space<hbm>>
      %dma_wait3A_104 = tpu.memref_squeeze %dma_wait3A_103 : memref<1x80x128xf32, #tpu.memory_space<hbm>> -> memref<80x128xf32, #tpu.memory_space<hbm>>
      %dma_wait3A_105 = arith.constant 0 : i32
      %dma_wait3A_106 = tpu.memref_slice %arg7[%arg0, %add3A_79, %dma_wait3A_105] : memref<2x10240x128xf32, #tpu.memory_space<hbm>> -> memref<1x80x128xf32, #tpu.memory_space<hbm>>
      %dma_wait3A_107 = tpu.memref_squeeze %dma_wait3A_106 : memref<1x80x128xf32, #tpu.memory_space<hbm>> -> memref<80x128xf32, #tpu.memory_space<hbm>>
      tpu.wait_dma2 semaphore(%run_scoped3A : memref<!tpu.dma_semaphore, #tpu.memory_space<semaphore_mem>>) src(%arg12 : memref<80x128xf32, #tpu.memory_space<vmem>>) dst(%dma_wait3A_107 : memref<80x128xf32, #tpu.memory_space<hbm>>)
      tpu.yield
    }) : () -> ()
    %add3A_80 = arith.constant 320 : i32
    %add3A_81 = arith.addi %mul3A_2, %add3A_80 : i32
    "tpu.region"() ({
      %run_scoped3A = tpu.sem_alloc : memref<!tpu.dma_semaphore, #tpu.memory_space<semaphore_mem>>
      %dma_start3A_96 = arith.constant 0 : i32
      %dma_start3A_97 = tpu.memref_slice %arg16[%add3A_81, %dma_start3A_96] : memref<10240x128xf32, #tpu.memory_space<vmem_shared>> -> memref<80x128xf32, #tpu.memory_space<vmem_shared>>
      %dma_start3A_98 = arith.constant 0 : i32
      %dma_start3A_99 = tpu.memref_slice %arg16[%add3A_81, %dma_start3A_98] : memref<10240x128xf32, #tpu.memory_space<vmem_shared>> -> memref<80x128xf32, #tpu.memory_space<vmem_shared>>
      tpu.enqueue_dma source(%dma_start3A_99 : memref<80x128xf32, #tpu.memory_space<vmem_shared>>) target(%arg12 : memref<80x128xf32, #tpu.memory_space<vmem>>) target_semaphore(%run_scoped3A : memref<!tpu.dma_semaphore, #tpu.memory_space<semaphore_mem>>)
      %dma_wait3A_100 = arith.constant 0 : i32
      %dma_wait3A_101 = tpu.memref_slice %arg16[%add3A_81, %dma_wait3A_100] : memref<10240x128xf32, #tpu.memory_space<vmem_shared>> -> memref<80x128xf32, #tpu.memory_space<vmem_shared>>
      %dma_wait3A_102 = arith.constant 0 : i32
      %dma_wait3A_103 = tpu.memref_slice %arg16[%add3A_81, %dma_wait3A_102] : memref<10240x128xf32, #tpu.memory_space<vmem_shared>> -> memref<80x128xf32, #tpu.memory_space<vmem_shared>>
      tpu.wait_dma2 semaphore(%run_scoped3A : memref<!tpu.dma_semaphore, #tpu.memory_space<semaphore_mem>>) src(%dma_wait3A_103 : memref<80x128xf32, #tpu.memory_space<vmem_shared>>) dst(%arg12 : memref<80x128xf32, #tpu.memory_space<vmem>>)
      tpu.yield
    }) : () -> ()
    %add3A_82 = arith.constant 320 : i32
    %add3A_83 = arith.addi %mul3A_2, %add3A_82 : i32
    "tpu.region"() ({
      %run_scoped3A = tpu.sem_alloc : memref<!tpu.dma_semaphore, #tpu.memory_space<semaphore_mem>>
      %dma_start3A_96 = arith.constant 0 : i32
      %dma_start3A_97 = tpu.memref_slice %arg7[%arg0, %add3A_83, %dma_start3A_96] : memref<2x10240x128xf32, #tpu.memory_space<hbm>> -> memref<1x80x128xf32, #tpu.memory_space<hbm>>
      %dma_start3A_98 = tpu.memref_squeeze %dma_start3A_97 : memref<1x80x128xf32, #tpu.memory_space<hbm>> -> memref<80x128xf32, #tpu.memory_space<hbm>>
      %dma_start3A_99 = arith.constant 0 : i32
      %dma_start3A_100 = tpu.memref_slice %arg7[%arg0, %add3A_83, %dma_start3A_99] : memref<2x10240x128xf32, #tpu.memory_space<hbm>> -> memref<1x80x128xf32, #tpu.memory_space<hbm>>
      %dma_start3A_101 = tpu.memref_squeeze %dma_start3A_100 : memref<1x80x128xf32, #tpu.memory_space<hbm>> -> memref<80x128xf32, #tpu.memory_space<hbm>>
      tpu.enqueue_dma source(%arg12 : memref<80x128xf32, #tpu.memory_space<vmem>>) target(%dma_start3A_101 : memref<80x128xf32, #tpu.memory_space<hbm>>) target_semaphore(%run_scoped3A : memref<!tpu.dma_semaphore, #tpu.memory_space<semaphore_mem>>)
      %dma_wait3A_102 = arith.constant 0 : i32
      %dma_wait3A_103 = tpu.memref_slice %arg7[%arg0, %add3A_83, %dma_wait3A_102] : memref<2x10240x128xf32, #tpu.memory_space<hbm>> -> memref<1x80x128xf32, #tpu.memory_space<hbm>>
      %dma_wait3A_104 = tpu.memref_squeeze %dma_wait3A_103 : memref<1x80x128xf32, #tpu.memory_space<hbm>> -> memref<80x128xf32, #tpu.memory_space<hbm>>
      %dma_wait3A_105 = arith.constant 0 : i32
      %dma_wait3A_106 = tpu.memref_slice %arg7[%arg0, %add3A_83, %dma_wait3A_105] : memref<2x10240x128xf32, #tpu.memory_space<hbm>> -> memref<1x80x128xf32, #tpu.memory_space<hbm>>
      %dma_wait3A_107 = tpu.memref_squeeze %dma_wait3A_106 : memref<1x80x128xf32, #tpu.memory_space<hbm>> -> memref<80x128xf32, #tpu.memory_space<hbm>>
      tpu.wait_dma2 semaphore(%run_scoped3A : memref<!tpu.dma_semaphore, #tpu.memory_space<semaphore_mem>>) src(%arg12 : memref<80x128xf32, #tpu.memory_space<vmem>>) dst(%dma_wait3A_107 : memref<80x128xf32, #tpu.memory_space<hbm>>)
      tpu.yield
    }) : () -> ()
    %add3A_84 = arith.constant 400 : i32
    %add3A_85 = arith.addi %mul3A_2, %add3A_84 : i32
    "tpu.region"() ({
      %run_scoped3A = tpu.sem_alloc : memref<!tpu.dma_semaphore, #tpu.memory_space<semaphore_mem>>
      %dma_start3A_96 = arith.constant 0 : i32
      %dma_start3A_97 = tpu.memref_slice %arg16[%add3A_85, %dma_start3A_96] : memref<10240x128xf32, #tpu.memory_space<vmem_shared>> -> memref<80x128xf32, #tpu.memory_space<vmem_shared>>
      %dma_start3A_98 = arith.constant 0 : i32
      %dma_start3A_99 = tpu.memref_slice %arg16[%add3A_85, %dma_start3A_98] : memref<10240x128xf32, #tpu.memory_space<vmem_shared>> -> memref<80x128xf32, #tpu.memory_space<vmem_shared>>
      tpu.enqueue_dma source(%dma_start3A_99 : memref<80x128xf32, #tpu.memory_space<vmem_shared>>) target(%arg12 : memref<80x128xf32, #tpu.memory_space<vmem>>) target_semaphore(%run_scoped3A : memref<!tpu.dma_semaphore, #tpu.memory_space<semaphore_mem>>)
      %dma_wait3A_100 = arith.constant 0 : i32
      %dma_wait3A_101 = tpu.memref_slice %arg16[%add3A_85, %dma_wait3A_100] : memref<10240x128xf32, #tpu.memory_space<vmem_shared>> -> memref<80x128xf32, #tpu.memory_space<vmem_shared>>
      %dma_wait3A_102 = arith.constant 0 : i32
      %dma_wait3A_103 = tpu.memref_slice %arg16[%add3A_85, %dma_wait3A_102] : memref<10240x128xf32, #tpu.memory_space<vmem_shared>> -> memref<80x128xf32, #tpu.memory_space<vmem_shared>>
      tpu.wait_dma2 semaphore(%run_scoped3A : memref<!tpu.dma_semaphore, #tpu.memory_space<semaphore_mem>>) src(%dma_wait3A_103 : memref<80x128xf32, #tpu.memory_space<vmem_shared>>) dst(%arg12 : memref<80x128xf32, #tpu.memory_space<vmem>>)
      tpu.yield
    }) : () -> ()
    %add3A_86 = arith.constant 400 : i32
    %add3A_87 = arith.addi %mul3A_2, %add3A_86 : i32
    "tpu.region"() ({
      %run_scoped3A = tpu.sem_alloc : memref<!tpu.dma_semaphore, #tpu.memory_space<semaphore_mem>>
      %dma_start3A_96 = arith.constant 0 : i32
      %dma_start3A_97 = tpu.memref_slice %arg7[%arg0, %add3A_87, %dma_start3A_96] : memref<2x10240x128xf32, #tpu.memory_space<hbm>> -> memref<1x80x128xf32, #tpu.memory_space<hbm>>
      %dma_start3A_98 = tpu.memref_squeeze %dma_start3A_97 : memref<1x80x128xf32, #tpu.memory_space<hbm>> -> memref<80x128xf32, #tpu.memory_space<hbm>>
      %dma_start3A_99 = arith.constant 0 : i32
      %dma_start3A_100 = tpu.memref_slice %arg7[%arg0, %add3A_87, %dma_start3A_99] : memref<2x10240x128xf32, #tpu.memory_space<hbm>> -> memref<1x80x128xf32, #tpu.memory_space<hbm>>
      %dma_start3A_101 = tpu.memref_squeeze %dma_start3A_100 : memref<1x80x128xf32, #tpu.memory_space<hbm>> -> memref<80x128xf32, #tpu.memory_space<hbm>>
      tpu.enqueue_dma source(%arg12 : memref<80x128xf32, #tpu.memory_space<vmem>>) target(%dma_start3A_101 : memref<80x128xf32, #tpu.memory_space<hbm>>) target_semaphore(%run_scoped3A : memref<!tpu.dma_semaphore, #tpu.memory_space<semaphore_mem>>)
      %dma_wait3A_102 = arith.constant 0 : i32
      %dma_wait3A_103 = tpu.memref_slice %arg7[%arg0, %add3A_87, %dma_wait3A_102] : memref<2x10240x128xf32, #tpu.memory_space<hbm>> -> memref<1x80x128xf32, #tpu.memory_space<hbm>>
      %dma_wait3A_104 = tpu.memref_squeeze %dma_wait3A_103 : memref<1x80x128xf32, #tpu.memory_space<hbm>> -> memref<80x128xf32, #tpu.memory_space<hbm>>
      %dma_wait3A_105 = arith.constant 0 : i32
      %dma_wait3A_106 = tpu.memref_slice %arg7[%arg0, %add3A_87, %dma_wait3A_105] : memref<2x10240x128xf32, #tpu.memory_space<hbm>> -> memref<1x80x128xf32, #tpu.memory_space<hbm>>
      %dma_wait3A_107 = tpu.memref_squeeze %dma_wait3A_106 : memref<1x80x128xf32, #tpu.memory_space<hbm>> -> memref<80x128xf32, #tpu.memory_space<hbm>>
      tpu.wait_dma2 semaphore(%run_scoped3A : memref<!tpu.dma_semaphore, #tpu.memory_space<semaphore_mem>>) src(%arg12 : memref<80x128xf32, #tpu.memory_space<vmem>>) dst(%dma_wait3A_107 : memref<80x128xf32, #tpu.memory_space<hbm>>)
      tpu.yield
    }) : () -> ()
    %add3A_88 = arith.constant 480 : i32
    %add3A_89 = arith.addi %mul3A_2, %add3A_88 : i32
    "tpu.region"() ({
      %run_scoped3A = tpu.sem_alloc : memref<!tpu.dma_semaphore, #tpu.memory_space<semaphore_mem>>
      %dma_start3A_96 = arith.constant 0 : i32
      %dma_start3A_97 = tpu.memref_slice %arg16[%add3A_89, %dma_start3A_96] : memref<10240x128xf32, #tpu.memory_space<vmem_shared>> -> memref<80x128xf32, #tpu.memory_space<vmem_shared>>
      %dma_start3A_98 = arith.constant 0 : i32
      %dma_start3A_99 = tpu.memref_slice %arg16[%add3A_89, %dma_start3A_98] : memref<10240x128xf32, #tpu.memory_space<vmem_shared>> -> memref<80x128xf32, #tpu.memory_space<vmem_shared>>
      tpu.enqueue_dma source(%dma_start3A_99 : memref<80x128xf32, #tpu.memory_space<vmem_shared>>) target(%arg12 : memref<80x128xf32, #tpu.memory_space<vmem>>) target_semaphore(%run_scoped3A : memref<!tpu.dma_semaphore, #tpu.memory_space<semaphore_mem>>)
      %dma_wait3A_100 = arith.constant 0 : i32
      %dma_wait3A_101 = tpu.memref_slice %arg16[%add3A_89, %dma_wait3A_100] : memref<10240x128xf32, #tpu.memory_space<vmem_shared>> -> memref<80x128xf32, #tpu.memory_space<vmem_shared>>
      %dma_wait3A_102 = arith.constant 0 : i32
      %dma_wait3A_103 = tpu.memref_slice %arg16[%add3A_89, %dma_wait3A_102] : memref<10240x128xf32, #tpu.memory_space<vmem_shared>> -> memref<80x128xf32, #tpu.memory_space<vmem_shared>>
      tpu.wait_dma2 semaphore(%run_scoped3A : memref<!tpu.dma_semaphore, #tpu.memory_space<semaphore_mem>>) src(%dma_wait3A_103 : memref<80x128xf32, #tpu.memory_space<vmem_shared>>) dst(%arg12 : memref<80x128xf32, #tpu.memory_space<vmem>>)
      tpu.yield
    }) : () -> ()
    %add3A_90 = arith.constant 480 : i32
    %add3A_91 = arith.addi %mul3A_2, %add3A_90 : i32
    "tpu.region"() ({
      %run_scoped3A = tpu.sem_alloc : memref<!tpu.dma_semaphore, #tpu.memory_space<semaphore_mem>>
      %dma_start3A_96 = arith.constant 0 : i32
      %dma_start3A_97 = tpu.memref_slice %arg7[%arg0, %add3A_91, %dma_start3A_96] : memref<2x10240x128xf32, #tpu.memory_space<hbm>> -> memref<1x80x128xf32, #tpu.memory_space<hbm>>
      %dma_start3A_98 = tpu.memref_squeeze %dma_start3A_97 : memref<1x80x128xf32, #tpu.memory_space<hbm>> -> memref<80x128xf32, #tpu.memory_space<hbm>>
      %dma_start3A_99 = arith.constant 0 : i32
      %dma_start3A_100 = tpu.memref_slice %arg7[%arg0, %add3A_91, %dma_start3A_99] : memref<2x10240x128xf32, #tpu.memory_space<hbm>> -> memref<1x80x128xf32, #tpu.memory_space<hbm>>
      %dma_start3A_101 = tpu.memref_squeeze %dma_start3A_100 : memref<1x80x128xf32, #tpu.memory_space<hbm>> -> memref<80x128xf32, #tpu.memory_space<hbm>>
      tpu.enqueue_dma source(%arg12 : memref<80x128xf32, #tpu.memory_space<vmem>>) target(%dma_start3A_101 : memref<80x128xf32, #tpu.memory_space<hbm>>) target_semaphore(%run_scoped3A : memref<!tpu.dma_semaphore, #tpu.memory_space<semaphore_mem>>)
      %dma_wait3A_102 = arith.constant 0 : i32
      %dma_wait3A_103 = tpu.memref_slice %arg7[%arg0, %add3A_91, %dma_wait3A_102] : memref<2x10240x128xf32, #tpu.memory_space<hbm>> -> memref<1x80x128xf32, #tpu.memory_space<hbm>>
      %dma_wait3A_104 = tpu.memref_squeeze %dma_wait3A_103 : memref<1x80x128xf32, #tpu.memory_space<hbm>> -> memref<80x128xf32, #tpu.memory_space<hbm>>
      %dma_wait3A_105 = arith.constant 0 : i32
      %dma_wait3A_106 = tpu.memref_slice %arg7[%arg0, %add3A_91, %dma_wait3A_105] : memref<2x10240x128xf32, #tpu.memory_space<hbm>> -> memref<1x80x128xf32, #tpu.memory_space<hbm>>
      %dma_wait3A_107 = tpu.memref_squeeze %dma_wait3A_106 : memref<1x80x128xf32, #tpu.memory_space<hbm>> -> memref<80x128xf32, #tpu.memory_space<hbm>>
      tpu.wait_dma2 semaphore(%run_scoped3A : memref<!tpu.dma_semaphore, #tpu.memory_space<semaphore_mem>>) src(%arg12 : memref<80x128xf32, #tpu.memory_space<vmem>>) dst(%dma_wait3A_107 : memref<80x128xf32, #tpu.memory_space<hbm>>)
      tpu.yield
    }) : () -> ()
    %add3A_92 = arith.constant 560 : i32
    %add3A_93 = arith.addi %mul3A_2, %add3A_92 : i32
    "tpu.region"() ({
      %run_scoped3A = tpu.sem_alloc : memref<!tpu.dma_semaphore, #tpu.memory_space<semaphore_mem>>
      %dma_start3A_96 = arith.constant 0 : i32
      %dma_start3A_97 = tpu.memref_slice %arg16[%add3A_93, %dma_start3A_96] : memref<10240x128xf32, #tpu.memory_space<vmem_shared>> -> memref<80x128xf32, #tpu.memory_space<vmem_shared>>
      %dma_start3A_98 = arith.constant 0 : i32
      %dma_start3A_99 = tpu.memref_slice %arg16[%add3A_93, %dma_start3A_98] : memref<10240x128xf32, #tpu.memory_space<vmem_shared>> -> memref<80x128xf32, #tpu.memory_space<vmem_shared>>
      tpu.enqueue_dma source(%dma_start3A_99 : memref<80x128xf32, #tpu.memory_space<vmem_shared>>) target(%arg12 : memref<80x128xf32, #tpu.memory_space<vmem>>) target_semaphore(%run_scoped3A : memref<!tpu.dma_semaphore, #tpu.memory_space<semaphore_mem>>)
      %dma_wait3A_100 = arith.constant 0 : i32
      %dma_wait3A_101 = tpu.memref_slice %arg16[%add3A_93, %dma_wait3A_100] : memref<10240x128xf32, #tpu.memory_space<vmem_shared>> -> memref<80x128xf32, #tpu.memory_space<vmem_shared>>
      %dma_wait3A_102 = arith.constant 0 : i32
      %dma_wait3A_103 = tpu.memref_slice %arg16[%add3A_93, %dma_wait3A_102] : memref<10240x128xf32, #tpu.memory_space<vmem_shared>> -> memref<80x128xf32, #tpu.memory_space<vmem_shared>>
      tpu.wait_dma2 semaphore(%run_scoped3A : memref<!tpu.dma_semaphore, #tpu.memory_space<semaphore_mem>>) src(%dma_wait3A_103 : memref<80x128xf32, #tpu.memory_space<vmem_shared>>) dst(%arg12 : memref<80x128xf32, #tpu.memory_space<vmem>>)
      tpu.yield
    }) : () -> ()
    %add3A_94 = arith.constant 560 : i32
    %add3A_95 = arith.addi %mul3A_2, %add3A_94 : i32
    "tpu.region"() ({
      %run_scoped3A = tpu.sem_alloc : memref<!tpu.dma_semaphore, #tpu.memory_space<semaphore_mem>>
      %dma_start3A_96 = arith.constant 0 : i32
      %dma_start3A_97 = tpu.memref_slice %arg7[%arg0, %add3A_95, %dma_start3A_96] : memref<2x10240x128xf32, #tpu.memory_space<hbm>> -> memref<1x80x128xf32, #tpu.memory_space<hbm>>
      %dma_start3A_98 = tpu.memref_squeeze %dma_start3A_97 : memref<1x80x128xf32, #tpu.memory_space<hbm>> -> memref<80x128xf32, #tpu.memory_space<hbm>>
      %dma_start3A_99 = arith.constant 0 : i32
      %dma_start3A_100 = tpu.memref_slice %arg7[%arg0, %add3A_95, %dma_start3A_99] : memref<2x10240x128xf32, #tpu.memory_space<hbm>> -> memref<1x80x128xf32, #tpu.memory_space<hbm>>
      %dma_start3A_101 = tpu.memref_squeeze %dma_start3A_100 : memref<1x80x128xf32, #tpu.memory_space<hbm>> -> memref<80x128xf32, #tpu.memory_space<hbm>>
      tpu.enqueue_dma source(%arg12 : memref<80x128xf32, #tpu.memory_space<vmem>>) target(%dma_start3A_101 : memref<80x128xf32, #tpu.memory_space<hbm>>) target_semaphore(%run_scoped3A : memref<!tpu.dma_semaphore, #tpu.memory_space<semaphore_mem>>)
      %dma_wait3A_102 = arith.constant 0 : i32
      %dma_wait3A_103 = tpu.memref_slice %arg7[%arg0, %add3A_95, %dma_wait3A_102] : memref<2x10240x128xf32, #tpu.memory_space<hbm>> -> memref<1x80x128xf32, #tpu.memory_space<hbm>>
      %dma_wait3A_104 = tpu.memref_squeeze %dma_wait3A_103 : memref<1x80x128xf32, #tpu.memory_space<hbm>> -> memref<80x128xf32, #tpu.memory_space<hbm>>
      %dma_wait3A_105 = arith.constant 0 : i32
      %dma_wait3A_106 = tpu.memref_slice %arg7[%arg0, %add3A_95, %dma_wait3A_105] : memref<2x10240x128xf32, #tpu.memory_space<hbm>> -> memref<1x80x128xf32, #tpu.memory_space<hbm>>
      %dma_wait3A_107 = tpu.memref_squeeze %dma_wait3A_106 : memref<1x80x128xf32, #tpu.memory_space<hbm>> -> memref<80x128xf32, #tpu.memory_space<hbm>>
      tpu.wait_dma2 semaphore(%run_scoped3A : memref<!tpu.dma_semaphore, #tpu.memory_space<semaphore_mem>>) src(%arg12 : memref<80x128xf32, #tpu.memory_space<vmem>>) dst(%dma_wait3A_107 : memref<80x128xf32, #tpu.memory_space<hbm>>)
      tpu.yield
    }) : () -> ()
    return
  }
}

#map = affine_map<(d0, d1) -> (0)>
#map1 = affine_map<(d0, d1) -> (0, 0)>
#map2 = affine_map<(d0, d1) -> (0, 0, 0)>
module attributes {stable_mosaic.version = 14 : i64} {
  func.func @_sc_count_body(%arg0: i32, %arg1: i32, %arg2: memref<320000xi32, #tpu.memory_space<hbm>>, %arg3: memref<80x128xf32, #tpu.memory_space<hbm>>, %arg4: memref<80x128xf32, #tpu.memory_space<hbm>>, %arg5: memref<2x10240x128xf32, #tpu.memory_space<hbm>>, %arg6: memref<80xi32, #tpu.memory_space<vmem>>, %arg7: memref<80xi32, #tpu.memory_space<vmem>>, %arg8: memref<80x128xf32, #tpu.memory_space<vmem>>, %arg9: memref<80x128xf32, #tpu.memory_space<vmem>>, %arg10: memref<10240x128xf32, #tpu.memory_space<vmem_shared>>, %arg11: memref<!tpu.dma_semaphore, #tpu.memory_space<semaphore_mem>>, %arg12: memref<!tpu.dma_semaphore, #tpu.memory_space<semaphore_mem>>) attributes {dimension_semantics = [#tpu.dimension_semantics<core_parallel>, #tpu.dimension_semantics<subcore_parallel>], iteration_bounds = array<i64: 2, 16>, scalar_prefetch = 0 : i64, scratch_operands = 7 : i64, tpu.core_type = #tpu.core_type<sc_vector_subcore>, window_params = [{transform_indices = #map}, {transform_indices = #map1}, {transform_indices = #map1}, {transform_indices = #map2}]} {
    %mul3A = arith.constant 2 : i32
    %mul3A_0 = arith.muli %arg1, %mul3A : i32
    %add3A = arith.addi %mul3A_0, %arg0 : i32
    %mul3A_1 = arith.constant 640 : i32
    %mul3A_2 = arith.muli %arg1, %mul3A_1 : i32
    "tpu.region"() ({
      %run_scoped3A = tpu.sem_alloc : memref<!tpu.dma_semaphore, #tpu.memory_space<semaphore_mem>>
      tpu.enqueue_dma source(%arg4 : memref<80x128xf32, #tpu.memory_space<hbm>>) target(%arg9 : memref<80x128xf32, #tpu.memory_space<vmem>>) target_semaphore(%run_scoped3A : memref<!tpu.dma_semaphore, #tpu.memory_space<semaphore_mem>>)
      tpu.wait_dma2 semaphore(%run_scoped3A : memref<!tpu.dma_semaphore, #tpu.memory_space<semaphore_mem>>) src(%arg4 : memref<80x128xf32, #tpu.memory_space<hbm>>) dst(%arg9 : memref<80x128xf32, #tpu.memory_space<vmem>>)
      tpu.yield
    }) : () -> ()
    %add3A_3 = arith.constant 0 : i32
    %add3A_4 = arith.addi %mul3A_2, %add3A_3 : i32
    "tpu.region"() ({
      %run_scoped3A = tpu.sem_alloc : memref<!tpu.dma_semaphore, #tpu.memory_space<semaphore_mem>>
      %dma_start3A_63 = arith.constant 0 : i32
      %dma_start3A_64 = tpu.memref_slice %arg10[%add3A_4, %dma_start3A_63] : memref<10240x128xf32, #tpu.memory_space<vmem_shared>> -> memref<80x128xf32, #tpu.memory_space<vmem_shared>>
      %dma_start3A_65 = arith.constant 0 : i32
      %dma_start3A_66 = tpu.memref_slice %arg10[%add3A_4, %dma_start3A_65] : memref<10240x128xf32, #tpu.memory_space<vmem_shared>> -> memref<80x128xf32, #tpu.memory_space<vmem_shared>>
      tpu.enqueue_dma source(%arg9 : memref<80x128xf32, #tpu.memory_space<vmem>>) target(%dma_start3A_66 : memref<80x128xf32, #tpu.memory_space<vmem_shared>>) target_semaphore(%run_scoped3A : memref<!tpu.dma_semaphore, #tpu.memory_space<semaphore_mem>>)
      %dma_wait3A_67 = arith.constant 0 : i32
      %dma_wait3A_68 = tpu.memref_slice %arg10[%add3A_4, %dma_wait3A_67] : memref<10240x128xf32, #tpu.memory_space<vmem_shared>> -> memref<80x128xf32, #tpu.memory_space<vmem_shared>>
      %dma_wait3A_69 = arith.constant 0 : i32
      %dma_wait3A_70 = tpu.memref_slice %arg10[%add3A_4, %dma_wait3A_69] : memref<10240x128xf32, #tpu.memory_space<vmem_shared>> -> memref<80x128xf32, #tpu.memory_space<vmem_shared>>
      tpu.wait_dma2 semaphore(%run_scoped3A : memref<!tpu.dma_semaphore, #tpu.memory_space<semaphore_mem>>) src(%arg9 : memref<80x128xf32, #tpu.memory_space<vmem>>) dst(%dma_wait3A_70 : memref<80x128xf32, #tpu.memory_space<vmem_shared>>)
      tpu.yield
    }) : () -> ()
    %add3A_5 = arith.constant 80 : i32
    %add3A_6 = arith.addi %mul3A_2, %add3A_5 : i32
    "tpu.region"() ({
      %run_scoped3A = tpu.sem_alloc : memref<!tpu.dma_semaphore, #tpu.memory_space<semaphore_mem>>
      %dma_start3A_63 = arith.constant 0 : i32
      %dma_start3A_64 = tpu.memref_slice %arg10[%add3A_6, %dma_start3A_63] : memref<10240x128xf32, #tpu.memory_space<vmem_shared>> -> memref<80x128xf32, #tpu.memory_space<vmem_shared>>
      %dma_start3A_65 = arith.constant 0 : i32
      %dma_start3A_66 = tpu.memref_slice %arg10[%add3A_6, %dma_start3A_65] : memref<10240x128xf32, #tpu.memory_space<vmem_shared>> -> memref<80x128xf32, #tpu.memory_space<vmem_shared>>
      tpu.enqueue_dma source(%arg9 : memref<80x128xf32, #tpu.memory_space<vmem>>) target(%dma_start3A_66 : memref<80x128xf32, #tpu.memory_space<vmem_shared>>) target_semaphore(%run_scoped3A : memref<!tpu.dma_semaphore, #tpu.memory_space<semaphore_mem>>)
      %dma_wait3A_67 = arith.constant 0 : i32
      %dma_wait3A_68 = tpu.memref_slice %arg10[%add3A_6, %dma_wait3A_67] : memref<10240x128xf32, #tpu.memory_space<vmem_shared>> -> memref<80x128xf32, #tpu.memory_space<vmem_shared>>
      %dma_wait3A_69 = arith.constant 0 : i32
      %dma_wait3A_70 = tpu.memref_slice %arg10[%add3A_6, %dma_wait3A_69] : memref<10240x128xf32, #tpu.memory_space<vmem_shared>> -> memref<80x128xf32, #tpu.memory_space<vmem_shared>>
      tpu.wait_dma2 semaphore(%run_scoped3A : memref<!tpu.dma_semaphore, #tpu.memory_space<semaphore_mem>>) src(%arg9 : memref<80x128xf32, #tpu.memory_space<vmem>>) dst(%dma_wait3A_70 : memref<80x128xf32, #tpu.memory_space<vmem_shared>>)
      tpu.yield
    }) : () -> ()
    %add3A_7 = arith.constant 160 : i32
    %add3A_8 = arith.addi %mul3A_2, %add3A_7 : i32
    "tpu.region"() ({
      %run_scoped3A = tpu.sem_alloc : memref<!tpu.dma_semaphore, #tpu.memory_space<semaphore_mem>>
      %dma_start3A_63 = arith.constant 0 : i32
      %dma_start3A_64 = tpu.memref_slice %arg10[%add3A_8, %dma_start3A_63] : memref<10240x128xf32, #tpu.memory_space<vmem_shared>> -> memref<80x128xf32, #tpu.memory_space<vmem_shared>>
      %dma_start3A_65 = arith.constant 0 : i32
      %dma_start3A_66 = tpu.memref_slice %arg10[%add3A_8, %dma_start3A_65] : memref<10240x128xf32, #tpu.memory_space<vmem_shared>> -> memref<80x128xf32, #tpu.memory_space<vmem_shared>>
      tpu.enqueue_dma source(%arg9 : memref<80x128xf32, #tpu.memory_space<vmem>>) target(%dma_start3A_66 : memref<80x128xf32, #tpu.memory_space<vmem_shared>>) target_semaphore(%run_scoped3A : memref<!tpu.dma_semaphore, #tpu.memory_space<semaphore_mem>>)
      %dma_wait3A_67 = arith.constant 0 : i32
      %dma_wait3A_68 = tpu.memref_slice %arg10[%add3A_8, %dma_wait3A_67] : memref<10240x128xf32, #tpu.memory_space<vmem_shared>> -> memref<80x128xf32, #tpu.memory_space<vmem_shared>>
      %dma_wait3A_69 = arith.constant 0 : i32
      %dma_wait3A_70 = tpu.memref_slice %arg10[%add3A_8, %dma_wait3A_69] : memref<10240x128xf32, #tpu.memory_space<vmem_shared>> -> memref<80x128xf32, #tpu.memory_space<vmem_shared>>
      tpu.wait_dma2 semaphore(%run_scoped3A : memref<!tpu.dma_semaphore, #tpu.memory_space<semaphore_mem>>) src(%arg9 : memref<80x128xf32, #tpu.memory_space<vmem>>) dst(%dma_wait3A_70 : memref<80x128xf32, #tpu.memory_space<vmem_shared>>)
      tpu.yield
    }) : () -> ()
    %add3A_9 = arith.constant 240 : i32
    %add3A_10 = arith.addi %mul3A_2, %add3A_9 : i32
    "tpu.region"() ({
      %run_scoped3A = tpu.sem_alloc : memref<!tpu.dma_semaphore, #tpu.memory_space<semaphore_mem>>
      %dma_start3A_63 = arith.constant 0 : i32
      %dma_start3A_64 = tpu.memref_slice %arg10[%add3A_10, %dma_start3A_63] : memref<10240x128xf32, #tpu.memory_space<vmem_shared>> -> memref<80x128xf32, #tpu.memory_space<vmem_shared>>
      %dma_start3A_65 = arith.constant 0 : i32
      %dma_start3A_66 = tpu.memref_slice %arg10[%add3A_10, %dma_start3A_65] : memref<10240x128xf32, #tpu.memory_space<vmem_shared>> -> memref<80x128xf32, #tpu.memory_space<vmem_shared>>
      tpu.enqueue_dma source(%arg9 : memref<80x128xf32, #tpu.memory_space<vmem>>) target(%dma_start3A_66 : memref<80x128xf32, #tpu.memory_space<vmem_shared>>) target_semaphore(%run_scoped3A : memref<!tpu.dma_semaphore, #tpu.memory_space<semaphore_mem>>)
      %dma_wait3A_67 = arith.constant 0 : i32
      %dma_wait3A_68 = tpu.memref_slice %arg10[%add3A_10, %dma_wait3A_67] : memref<10240x128xf32, #tpu.memory_space<vmem_shared>> -> memref<80x128xf32, #tpu.memory_space<vmem_shared>>
      %dma_wait3A_69 = arith.constant 0 : i32
      %dma_wait3A_70 = tpu.memref_slice %arg10[%add3A_10, %dma_wait3A_69] : memref<10240x128xf32, #tpu.memory_space<vmem_shared>> -> memref<80x128xf32, #tpu.memory_space<vmem_shared>>
      tpu.wait_dma2 semaphore(%run_scoped3A : memref<!tpu.dma_semaphore, #tpu.memory_space<semaphore_mem>>) src(%arg9 : memref<80x128xf32, #tpu.memory_space<vmem>>) dst(%dma_wait3A_70 : memref<80x128xf32, #tpu.memory_space<vmem_shared>>)
      tpu.yield
    }) : () -> ()
    %add3A_11 = arith.constant 320 : i32
    %add3A_12 = arith.addi %mul3A_2, %add3A_11 : i32
    "tpu.region"() ({
      %run_scoped3A = tpu.sem_alloc : memref<!tpu.dma_semaphore, #tpu.memory_space<semaphore_mem>>
      %dma_start3A_63 = arith.constant 0 : i32
      %dma_start3A_64 = tpu.memref_slice %arg10[%add3A_12, %dma_start3A_63] : memref<10240x128xf32, #tpu.memory_space<vmem_shared>> -> memref<80x128xf32, #tpu.memory_space<vmem_shared>>
      %dma_start3A_65 = arith.constant 0 : i32
      %dma_start3A_66 = tpu.memref_slice %arg10[%add3A_12, %dma_start3A_65] : memref<10240x128xf32, #tpu.memory_space<vmem_shared>> -> memref<80x128xf32, #tpu.memory_space<vmem_shared>>
      tpu.enqueue_dma source(%arg9 : memref<80x128xf32, #tpu.memory_space<vmem>>) target(%dma_start3A_66 : memref<80x128xf32, #tpu.memory_space<vmem_shared>>) target_semaphore(%run_scoped3A : memref<!tpu.dma_semaphore, #tpu.memory_space<semaphore_mem>>)
      %dma_wait3A_67 = arith.constant 0 : i32
      %dma_wait3A_68 = tpu.memref_slice %arg10[%add3A_12, %dma_wait3A_67] : memref<10240x128xf32, #tpu.memory_space<vmem_shared>> -> memref<80x128xf32, #tpu.memory_space<vmem_shared>>
      %dma_wait3A_69 = arith.constant 0 : i32
      %dma_wait3A_70 = tpu.memref_slice %arg10[%add3A_12, %dma_wait3A_69] : memref<10240x128xf32, #tpu.memory_space<vmem_shared>> -> memref<80x128xf32, #tpu.memory_space<vmem_shared>>
      tpu.wait_dma2 semaphore(%run_scoped3A : memref<!tpu.dma_semaphore, #tpu.memory_space<semaphore_mem>>) src(%arg9 : memref<80x128xf32, #tpu.memory_space<vmem>>) dst(%dma_wait3A_70 : memref<80x128xf32, #tpu.memory_space<vmem_shared>>)
      tpu.yield
    }) : () -> ()
    %add3A_13 = arith.constant 400 : i32
    %add3A_14 = arith.addi %mul3A_2, %add3A_13 : i32
    "tpu.region"() ({
      %run_scoped3A = tpu.sem_alloc : memref<!tpu.dma_semaphore, #tpu.memory_space<semaphore_mem>>
      %dma_start3A_63 = arith.constant 0 : i32
      %dma_start3A_64 = tpu.memref_slice %arg10[%add3A_14, %dma_start3A_63] : memref<10240x128xf32, #tpu.memory_space<vmem_shared>> -> memref<80x128xf32, #tpu.memory_space<vmem_shared>>
      %dma_start3A_65 = arith.constant 0 : i32
      %dma_start3A_66 = tpu.memref_slice %arg10[%add3A_14, %dma_start3A_65] : memref<10240x128xf32, #tpu.memory_space<vmem_shared>> -> memref<80x128xf32, #tpu.memory_space<vmem_shared>>
      tpu.enqueue_dma source(%arg9 : memref<80x128xf32, #tpu.memory_space<vmem>>) target(%dma_start3A_66 : memref<80x128xf32, #tpu.memory_space<vmem_shared>>) target_semaphore(%run_scoped3A : memref<!tpu.dma_semaphore, #tpu.memory_space<semaphore_mem>>)
      %dma_wait3A_67 = arith.constant 0 : i32
      %dma_wait3A_68 = tpu.memref_slice %arg10[%add3A_14, %dma_wait3A_67] : memref<10240x128xf32, #tpu.memory_space<vmem_shared>> -> memref<80x128xf32, #tpu.memory_space<vmem_shared>>
      %dma_wait3A_69 = arith.constant 0 : i32
      %dma_wait3A_70 = tpu.memref_slice %arg10[%add3A_14, %dma_wait3A_69] : memref<10240x128xf32, #tpu.memory_space<vmem_shared>> -> memref<80x128xf32, #tpu.memory_space<vmem_shared>>
      tpu.wait_dma2 semaphore(%run_scoped3A : memref<!tpu.dma_semaphore, #tpu.memory_space<semaphore_mem>>) src(%arg9 : memref<80x128xf32, #tpu.memory_space<vmem>>) dst(%dma_wait3A_70 : memref<80x128xf32, #tpu.memory_space<vmem_shared>>)
      tpu.yield
    }) : () -> ()
    %add3A_15 = arith.constant 480 : i32
    %add3A_16 = arith.addi %mul3A_2, %add3A_15 : i32
    "tpu.region"() ({
      %run_scoped3A = tpu.sem_alloc : memref<!tpu.dma_semaphore, #tpu.memory_space<semaphore_mem>>
      %dma_start3A_63 = arith.constant 0 : i32
      %dma_start3A_64 = tpu.memref_slice %arg10[%add3A_16, %dma_start3A_63] : memref<10240x128xf32, #tpu.memory_space<vmem_shared>> -> memref<80x128xf32, #tpu.memory_space<vmem_shared>>
      %dma_start3A_65 = arith.constant 0 : i32
      %dma_start3A_66 = tpu.memref_slice %arg10[%add3A_16, %dma_start3A_65] : memref<10240x128xf32, #tpu.memory_space<vmem_shared>> -> memref<80x128xf32, #tpu.memory_space<vmem_shared>>
      tpu.enqueue_dma source(%arg9 : memref<80x128xf32, #tpu.memory_space<vmem>>) target(%dma_start3A_66 : memref<80x128xf32, #tpu.memory_space<vmem_shared>>) target_semaphore(%run_scoped3A : memref<!tpu.dma_semaphore, #tpu.memory_space<semaphore_mem>>)
      %dma_wait3A_67 = arith.constant 0 : i32
      %dma_wait3A_68 = tpu.memref_slice %arg10[%add3A_16, %dma_wait3A_67] : memref<10240x128xf32, #tpu.memory_space<vmem_shared>> -> memref<80x128xf32, #tpu.memory_space<vmem_shared>>
      %dma_wait3A_69 = arith.constant 0 : i32
      %dma_wait3A_70 = tpu.memref_slice %arg10[%add3A_16, %dma_wait3A_69] : memref<10240x128xf32, #tpu.memory_space<vmem_shared>> -> memref<80x128xf32, #tpu.memory_space<vmem_shared>>
      tpu.wait_dma2 semaphore(%run_scoped3A : memref<!tpu.dma_semaphore, #tpu.memory_space<semaphore_mem>>) src(%arg9 : memref<80x128xf32, #tpu.memory_space<vmem>>) dst(%dma_wait3A_70 : memref<80x128xf32, #tpu.memory_space<vmem_shared>>)
      tpu.yield
    }) : () -> ()
    %add3A_17 = arith.constant 560 : i32
    %add3A_18 = arith.addi %mul3A_2, %add3A_17 : i32
    "tpu.region"() ({
      %run_scoped3A = tpu.sem_alloc : memref<!tpu.dma_semaphore, #tpu.memory_space<semaphore_mem>>
      %dma_start3A_63 = arith.constant 0 : i32
      %dma_start3A_64 = tpu.memref_slice %arg10[%add3A_18, %dma_start3A_63] : memref<10240x128xf32, #tpu.memory_space<vmem_shared>> -> memref<80x128xf32, #tpu.memory_space<vmem_shared>>
      %dma_start3A_65 = arith.constant 0 : i32
      %dma_start3A_66 = tpu.memref_slice %arg10[%add3A_18, %dma_start3A_65] : memref<10240x128xf32, #tpu.memory_space<vmem_shared>> -> memref<80x128xf32, #tpu.memory_space<vmem_shared>>
      tpu.enqueue_dma source(%arg9 : memref<80x128xf32, #tpu.memory_space<vmem>>) target(%dma_start3A_66 : memref<80x128xf32, #tpu.memory_space<vmem_shared>>) target_semaphore(%run_scoped3A : memref<!tpu.dma_semaphore, #tpu.memory_space<semaphore_mem>>)
      %dma_wait3A_67 = arith.constant 0 : i32
      %dma_wait3A_68 = tpu.memref_slice %arg10[%add3A_18, %dma_wait3A_67] : memref<10240x128xf32, #tpu.memory_space<vmem_shared>> -> memref<80x128xf32, #tpu.memory_space<vmem_shared>>
      %dma_wait3A_69 = arith.constant 0 : i32
      %dma_wait3A_70 = tpu.memref_slice %arg10[%add3A_18, %dma_wait3A_69] : memref<10240x128xf32, #tpu.memory_space<vmem_shared>> -> memref<80x128xf32, #tpu.memory_space<vmem_shared>>
      tpu.wait_dma2 semaphore(%run_scoped3A : memref<!tpu.dma_semaphore, #tpu.memory_space<semaphore_mem>>) src(%arg9 : memref<80x128xf32, #tpu.memory_space<vmem>>) dst(%dma_wait3A_70 : memref<80x128xf32, #tpu.memory_space<vmem_shared>>)
      tpu.yield
    }) : () -> ()
    "tpu.region"() ({
      %run_scoped3A = tpu.sem_alloc : memref<!tpu.dma_semaphore, #tpu.memory_space<semaphore_mem>>
      tpu.enqueue_dma source(%arg3 : memref<80x128xf32, #tpu.memory_space<hbm>>) target(%arg8 : memref<80x128xf32, #tpu.memory_space<vmem>>) target_semaphore(%run_scoped3A : memref<!tpu.dma_semaphore, #tpu.memory_space<semaphore_mem>>)
      tpu.wait_dma2 semaphore(%run_scoped3A : memref<!tpu.dma_semaphore, #tpu.memory_space<semaphore_mem>>) src(%arg3 : memref<80x128xf32, #tpu.memory_space<hbm>>) dst(%arg8 : memref<80x128xf32, #tpu.memory_space<vmem>>)
      tpu.yield
    }) : () -> ()
    %barrier3A = arith.constant 0 : index
    tpu.barrier barrier_id(%barrier3A)
    %mul3A_19 = arith.constant 10000 : i32
    %mul3A_20 = arith.muli %add3A, %mul3A_19 : i32
    %dma_start3A = tpu.memref_slice %arg2[%mul3A_20] : memref<320000xi32, #tpu.memory_space<hbm>> -> memref<80xi32, #tpu.memory_space<hbm>>
    %dma_start3A_21 = tpu.memref_slice %arg2[%mul3A_20] : memref<320000xi32, #tpu.memory_space<hbm>> -> memref<80xi32, #tpu.memory_space<hbm>>
    tpu.enqueue_dma source(%dma_start3A_21 : memref<80xi32, #tpu.memory_space<hbm>>) target(%arg6 : memref<80xi32, #tpu.memory_space<vmem>>) target_semaphore(%arg11 : memref<!tpu.dma_semaphore, #tpu.memory_space<semaphore_mem>>)
    %scan3A = arith.constant 0 : i32
    %scan3A_22 = arith.constant 0 : i32
    %scan3A_23 = arith.constant 62 : i32
    %scan3A_24 = arith.addi %scan3A_22, %scan3A_23 : i32
    %scan3A_25 = arith.constant 1 : i32
    scf.for %scan3A_63 = %scan3A_22 to %scan3A_24 step %scan3A_25  : i32 {
      %mul3A_64 = arith.constant 2 : i32
      %mul3A_65 = arith.muli %mul3A_64, %scan3A_63 : i32
      %add3A_66 = arith.constant 0 : i32
      %add3A_67 = arith.addi %mul3A_65, %add3A_66 : i32
      %dma_wait3A_68 = arith.constant 0 : i32
      %dma_wait3A_69 = tpu.memref_slice %arg2[%dma_wait3A_68] : memref<320000xi32, #tpu.memory_space<hbm>> -> memref<80xi32, #tpu.memory_space<hbm>>
      %dma_wait3A_70 = arith.constant 0 : i32
      %dma_wait3A_71 = tpu.memref_slice %arg2[%dma_wait3A_70] : memref<320000xi32, #tpu.memory_space<hbm>> -> memref<80xi32, #tpu.memory_space<hbm>>
      tpu.wait_dma2 semaphore(%arg11 : memref<!tpu.dma_semaphore, #tpu.memory_space<semaphore_mem>>) src(%dma_wait3A_71 : memref<80xi32, #tpu.memory_space<hbm>>) dst(%arg6 : memref<80xi32, #tpu.memory_space<vmem>>)
      %mul3A_72 = arith.constant 10000 : i32
      %mul3A_73 = arith.muli %add3A, %mul3A_72 : i32
      %add3A_74 = arith.constant 1 : i32
      %add3A_75 = arith.addi %add3A_67, %add3A_74 : i32
      %mul3A_76 = arith.constant 80 : i32
      %mul3A_77 = arith.muli %add3A_75, %mul3A_76 : i32
      %add3A_78 = arith.addi %mul3A_73, %mul3A_77 : i32
      %dma_start3A_79 = tpu.memref_slice %arg2[%add3A_78] : memref<320000xi32, #tpu.memory_space<hbm>> -> memref<80xi32, #tpu.memory_space<hbm>>
      %dma_start3A_80 = tpu.memref_slice %arg2[%add3A_78] : memref<320000xi32, #tpu.memory_space<hbm>> -> memref<80xi32, #tpu.memory_space<hbm>>
      tpu.enqueue_dma source(%dma_start3A_80 : memref<80xi32, #tpu.memory_space<hbm>>) target(%arg7 : memref<80xi32, #tpu.memory_space<vmem>>) target_semaphore(%arg12 : memref<!tpu.dma_semaphore, #tpu.memory_space<semaphore_mem>>)
      "tpu.region"() ({
        %run_scoped3A = tpu.sem_alloc : memref<!tpu.dma_semaphore, #tpu.memory_space<semaphore_mem>>
        %dma_start3A_98 = arith.constant 0 : i32
        %dma_start3A_99 = arith.constant 0 : i32
        %dma_start3A_100 = tpu.memref_slice %arg10[%dma_start3A_98, %dma_start3A_99] : memref<10240x128xf32, #tpu.memory_space<vmem_shared>> -> memref<10240x128xf32, #tpu.memory_space<vmem_shared>>
        tpu.enqueue_indirect_dma source(%arg8 : memref<80x128xf32, #tpu.memory_space<vmem>>) target(%dma_start3A_100 : memref<10240x128xf32, #tpu.memory_space<vmem_shared>>) offsets(%arg6 : memref<80xi32, #tpu.memory_space<vmem>>) semaphore(%run_scoped3A : memref<!tpu.dma_semaphore, #tpu.memory_space<semaphore_mem>>) {add = true}
        %dma_wait3A_101 = arith.constant 0 : i32
        %dma_wait3A_102 = arith.constant 0 : i32
        %dma_wait3A_103 = tpu.memref_slice %arg10[%dma_wait3A_101, %dma_wait3A_102] : memref<10240x128xf32, #tpu.memory_space<vmem_shared>> -> memref<10240x128xf32, #tpu.memory_space<vmem_shared>>
        tpu.wait_indirect_dma semaphore(%run_scoped3A : memref<!tpu.dma_semaphore, #tpu.memory_space<semaphore_mem>>) src(%arg8 : memref<80x128xf32, #tpu.memory_space<vmem>>) dst(%dma_wait3A_103 : memref<10240x128xf32, #tpu.memory_space<vmem_shared>>)
        tpu.yield
      }) : () -> ()
      %mul3A_81 = arith.constant 2 : i32
      %mul3A_82 = arith.muli %mul3A_81, %scan3A_63 : i32
      %add3A_83 = arith.constant 1 : i32
      %add3A_84 = arith.addi %mul3A_82, %add3A_83 : i32
      %dma_wait3A_85 = arith.constant 0 : i32
      %dma_wait3A_86 = tpu.memref_slice %arg2[%dma_wait3A_85] : memref<320000xi32, #tpu.memory_space<hbm>> -> memref<80xi32, #tpu.memory_space<hbm>>
      %dma_wait3A_87 = arith.constant 0 : i32
      %dma_wait3A_88 = tpu.memref_slice %arg2[%dma_wait3A_87] : memref<320000xi32, #tpu.memory_space<hbm>> -> memref<80xi32, #tpu.memory_space<hbm>>
      tpu.wait_dma2 semaphore(%arg12 : memref<!tpu.dma_semaphore, #tpu.memory_space<semaphore_mem>>) src(%dma_wait3A_88 : memref<80xi32, #tpu.memory_space<hbm>>) dst(%arg7 : memref<80xi32, #tpu.memory_space<vmem>>)
      %mul3A_89 = arith.constant 10000 : i32
      %mul3A_90 = arith.muli %add3A, %mul3A_89 : i32
      %add3A_91 = arith.constant 1 : i32
      %add3A_92 = arith.addi %add3A_84, %add3A_91 : i32
      %mul3A_93 = arith.constant 80 : i32
      %mul3A_94 = arith.muli %add3A_92, %mul3A_93 : i32
      %add3A_95 = arith.addi %mul3A_90, %mul3A_94 : i32
      %dma_start3A_96 = tpu.memref_slice %arg2[%add3A_95] : memref<320000xi32, #tpu.memory_space<hbm>> -> memref<80xi32, #tpu.memory_space<hbm>>
      %dma_start3A_97 = tpu.memref_slice %arg2[%add3A_95] : memref<320000xi32, #tpu.memory_space<hbm>> -> memref<80xi32, #tpu.memory_space<hbm>>
      tpu.enqueue_dma source(%dma_start3A_97 : memref<80xi32, #tpu.memory_space<hbm>>) target(%arg6 : memref<80xi32, #tpu.memory_space<vmem>>) target_semaphore(%arg11 : memref<!tpu.dma_semaphore, #tpu.memory_space<semaphore_mem>>)
      "tpu.region"() ({
        %run_scoped3A = tpu.sem_alloc : memref<!tpu.dma_semaphore, #tpu.memory_space<semaphore_mem>>
        %dma_start3A_98 = arith.constant 0 : i32
        %dma_start3A_99 = arith.constant 0 : i32
        %dma_start3A_100 = tpu.memref_slice %arg10[%dma_start3A_98, %dma_start3A_99] : memref<10240x128xf32, #tpu.memory_space<vmem_shared>> -> memref<10240x128xf32, #tpu.memory_space<vmem_shared>>
        tpu.enqueue_indirect_dma source(%arg8 : memref<80x128xf32, #tpu.memory_space<vmem>>) target(%dma_start3A_100 : memref<10240x128xf32, #tpu.memory_space<vmem_shared>>) offsets(%arg7 : memref<80xi32, #tpu.memory_space<vmem>>) semaphore(%run_scoped3A : memref<!tpu.dma_semaphore, #tpu.memory_space<semaphore_mem>>) {add = true}
        %dma_wait3A_101 = arith.constant 0 : i32
        %dma_wait3A_102 = arith.constant 0 : i32
        %dma_wait3A_103 = tpu.memref_slice %arg10[%dma_wait3A_101, %dma_wait3A_102] : memref<10240x128xf32, #tpu.memory_space<vmem_shared>> -> memref<10240x128xf32, #tpu.memory_space<vmem_shared>>
        tpu.wait_indirect_dma semaphore(%run_scoped3A : memref<!tpu.dma_semaphore, #tpu.memory_space<semaphore_mem>>) src(%arg8 : memref<80x128xf32, #tpu.memory_space<vmem>>) dst(%dma_wait3A_103 : memref<10240x128xf32, #tpu.memory_space<vmem_shared>>)
        tpu.yield
      }) : () -> ()
    }
    %scan3A_26 = arith.constant 62 : i32
    %dma_wait3A = arith.constant 0 : i32
    %dma_wait3A_27 = tpu.memref_slice %arg2[%dma_wait3A] : memref<320000xi32, #tpu.memory_space<hbm>> -> memref<80xi32, #tpu.memory_space<hbm>>
    %dma_wait3A_28 = arith.constant 0 : i32
    %dma_wait3A_29 = tpu.memref_slice %arg2[%dma_wait3A_28] : memref<320000xi32, #tpu.memory_space<hbm>> -> memref<80xi32, #tpu.memory_space<hbm>>
    tpu.wait_dma2 semaphore(%arg11 : memref<!tpu.dma_semaphore, #tpu.memory_space<semaphore_mem>>) src(%dma_wait3A_29 : memref<80xi32, #tpu.memory_space<hbm>>) dst(%arg6 : memref<80xi32, #tpu.memory_space<vmem>>)
    "tpu.region"() ({
      %run_scoped3A = tpu.sem_alloc : memref<!tpu.dma_semaphore, #tpu.memory_space<semaphore_mem>>
      %dma_start3A_63 = arith.constant 0 : i32
      %dma_start3A_64 = arith.constant 0 : i32
      %dma_start3A_65 = tpu.memref_slice %arg10[%dma_start3A_63, %dma_start3A_64] : memref<10240x128xf32, #tpu.memory_space<vmem_shared>> -> memref<10240x128xf32, #tpu.memory_space<vmem_shared>>
      tpu.enqueue_indirect_dma source(%arg8 : memref<80x128xf32, #tpu.memory_space<vmem>>) target(%dma_start3A_65 : memref<10240x128xf32, #tpu.memory_space<vmem_shared>>) offsets(%arg6 : memref<80xi32, #tpu.memory_space<vmem>>) semaphore(%run_scoped3A : memref<!tpu.dma_semaphore, #tpu.memory_space<semaphore_mem>>) {add = true}
      %dma_wait3A_66 = arith.constant 0 : i32
      %dma_wait3A_67 = arith.constant 0 : i32
      %dma_wait3A_68 = tpu.memref_slice %arg10[%dma_wait3A_66, %dma_wait3A_67] : memref<10240x128xf32, #tpu.memory_space<vmem_shared>> -> memref<10240x128xf32, #tpu.memory_space<vmem_shared>>
      tpu.wait_indirect_dma semaphore(%run_scoped3A : memref<!tpu.dma_semaphore, #tpu.memory_space<semaphore_mem>>) src(%arg8 : memref<80x128xf32, #tpu.memory_space<vmem>>) dst(%dma_wait3A_68 : memref<10240x128xf32, #tpu.memory_space<vmem_shared>>)
      tpu.yield
    }) : () -> ()
    %barrier3A_30 = arith.constant 0 : index
    tpu.barrier barrier_id(%barrier3A_30)
    %add3A_31 = arith.constant 0 : i32
    %add3A_32 = arith.addi %mul3A_2, %add3A_31 : i32
    "tpu.region"() ({
      %run_scoped3A = tpu.sem_alloc : memref<!tpu.dma_semaphore, #tpu.memory_space<semaphore_mem>>
      %dma_start3A_63 = arith.constant 0 : i32
      %dma_start3A_64 = tpu.memref_slice %arg10[%add3A_32, %dma_start3A_63] : memref<10240x128xf32, #tpu.memory_space<vmem_shared>> -> memref<80x128xf32, #tpu.memory_space<vmem_shared>>
      %dma_start3A_65 = arith.constant 0 : i32
      %dma_start3A_66 = tpu.memref_slice %arg10[%add3A_32, %dma_start3A_65] : memref<10240x128xf32, #tpu.memory_space<vmem_shared>> -> memref<80x128xf32, #tpu.memory_space<vmem_shared>>
      tpu.enqueue_dma source(%dma_start3A_66 : memref<80x128xf32, #tpu.memory_space<vmem_shared>>) target(%arg9 : memref<80x128xf32, #tpu.memory_space<vmem>>) target_semaphore(%run_scoped3A : memref<!tpu.dma_semaphore, #tpu.memory_space<semaphore_mem>>)
      %dma_wait3A_67 = arith.constant 0 : i32
      %dma_wait3A_68 = tpu.memref_slice %arg10[%add3A_32, %dma_wait3A_67] : memref<10240x128xf32, #tpu.memory_space<vmem_shared>> -> memref<80x128xf32, #tpu.memory_space<vmem_shared>>
      %dma_wait3A_69 = arith.constant 0 : i32
      %dma_wait3A_70 = tpu.memref_slice %arg10[%add3A_32, %dma_wait3A_69] : memref<10240x128xf32, #tpu.memory_space<vmem_shared>> -> memref<80x128xf32, #tpu.memory_space<vmem_shared>>
      tpu.wait_dma2 semaphore(%run_scoped3A : memref<!tpu.dma_semaphore, #tpu.memory_space<semaphore_mem>>) src(%dma_wait3A_70 : memref<80x128xf32, #tpu.memory_space<vmem_shared>>) dst(%arg9 : memref<80x128xf32, #tpu.memory_space<vmem>>)
      tpu.yield
    }) : () -> ()
    %add3A_33 = arith.constant 0 : i32
    %add3A_34 = arith.addi %mul3A_2, %add3A_33 : i32
    "tpu.region"() ({
      %run_scoped3A = tpu.sem_alloc : memref<!tpu.dma_semaphore, #tpu.memory_space<semaphore_mem>>
      %dma_start3A_63 = arith.constant 0 : i32
      %dma_start3A_64 = tpu.memref_slice %arg5[%arg0, %add3A_34, %dma_start3A_63] : memref<2x10240x128xf32, #tpu.memory_space<hbm>> -> memref<1x80x128xf32, #tpu.memory_space<hbm>>
      %dma_start3A_65 = tpu.memref_squeeze %dma_start3A_64 : memref<1x80x128xf32, #tpu.memory_space<hbm>> -> memref<80x128xf32, #tpu.memory_space<hbm>>
      %dma_start3A_66 = arith.constant 0 : i32
      %dma_start3A_67 = tpu.memref_slice %arg5[%arg0, %add3A_34, %dma_start3A_66] : memref<2x10240x128xf32, #tpu.memory_space<hbm>> -> memref<1x80x128xf32, #tpu.memory_space<hbm>>
      %dma_start3A_68 = tpu.memref_squeeze %dma_start3A_67 : memref<1x80x128xf32, #tpu.memory_space<hbm>> -> memref<80x128xf32, #tpu.memory_space<hbm>>
      tpu.enqueue_dma source(%arg9 : memref<80x128xf32, #tpu.memory_space<vmem>>) target(%dma_start3A_68 : memref<80x128xf32, #tpu.memory_space<hbm>>) target_semaphore(%run_scoped3A : memref<!tpu.dma_semaphore, #tpu.memory_space<semaphore_mem>>)
      %dma_wait3A_69 = arith.constant 0 : i32
      %dma_wait3A_70 = tpu.memref_slice %arg5[%arg0, %add3A_34, %dma_wait3A_69] : memref<2x10240x128xf32, #tpu.memory_space<hbm>> -> memref<1x80x128xf32, #tpu.memory_space<hbm>>
      %dma_wait3A_71 = tpu.memref_squeeze %dma_wait3A_70 : memref<1x80x128xf32, #tpu.memory_space<hbm>> -> memref<80x128xf32, #tpu.memory_space<hbm>>
      %dma_wait3A_72 = arith.constant 0 : i32
      %dma_wait3A_73 = tpu.memref_slice %arg5[%arg0, %add3A_34, %dma_wait3A_72] : memref<2x10240x128xf32, #tpu.memory_space<hbm>> -> memref<1x80x128xf32, #tpu.memory_space<hbm>>
      %dma_wait3A_74 = tpu.memref_squeeze %dma_wait3A_73 : memref<1x80x128xf32, #tpu.memory_space<hbm>> -> memref<80x128xf32, #tpu.memory_space<hbm>>
      tpu.wait_dma2 semaphore(%run_scoped3A : memref<!tpu.dma_semaphore, #tpu.memory_space<semaphore_mem>>) src(%arg9 : memref<80x128xf32, #tpu.memory_space<vmem>>) dst(%dma_wait3A_74 : memref<80x128xf32, #tpu.memory_space<hbm>>)
      tpu.yield
    }) : () -> ()
    %add3A_35 = arith.constant 80 : i32
    %add3A_36 = arith.addi %mul3A_2, %add3A_35 : i32
    "tpu.region"() ({
      %run_scoped3A = tpu.sem_alloc : memref<!tpu.dma_semaphore, #tpu.memory_space<semaphore_mem>>
      %dma_start3A_63 = arith.constant 0 : i32
      %dma_start3A_64 = tpu.memref_slice %arg10[%add3A_36, %dma_start3A_63] : memref<10240x128xf32, #tpu.memory_space<vmem_shared>> -> memref<80x128xf32, #tpu.memory_space<vmem_shared>>
      %dma_start3A_65 = arith.constant 0 : i32
      %dma_start3A_66 = tpu.memref_slice %arg10[%add3A_36, %dma_start3A_65] : memref<10240x128xf32, #tpu.memory_space<vmem_shared>> -> memref<80x128xf32, #tpu.memory_space<vmem_shared>>
      tpu.enqueue_dma source(%dma_start3A_66 : memref<80x128xf32, #tpu.memory_space<vmem_shared>>) target(%arg9 : memref<80x128xf32, #tpu.memory_space<vmem>>) target_semaphore(%run_scoped3A : memref<!tpu.dma_semaphore, #tpu.memory_space<semaphore_mem>>)
      %dma_wait3A_67 = arith.constant 0 : i32
      %dma_wait3A_68 = tpu.memref_slice %arg10[%add3A_36, %dma_wait3A_67] : memref<10240x128xf32, #tpu.memory_space<vmem_shared>> -> memref<80x128xf32, #tpu.memory_space<vmem_shared>>
      %dma_wait3A_69 = arith.constant 0 : i32
      %dma_wait3A_70 = tpu.memref_slice %arg10[%add3A_36, %dma_wait3A_69] : memref<10240x128xf32, #tpu.memory_space<vmem_shared>> -> memref<80x128xf32, #tpu.memory_space<vmem_shared>>
      tpu.wait_dma2 semaphore(%run_scoped3A : memref<!tpu.dma_semaphore, #tpu.memory_space<semaphore_mem>>) src(%dma_wait3A_70 : memref<80x128xf32, #tpu.memory_space<vmem_shared>>) dst(%arg9 : memref<80x128xf32, #tpu.memory_space<vmem>>)
      tpu.yield
    }) : () -> ()
    %add3A_37 = arith.constant 80 : i32
    %add3A_38 = arith.addi %mul3A_2, %add3A_37 : i32
    "tpu.region"() ({
      %run_scoped3A = tpu.sem_alloc : memref<!tpu.dma_semaphore, #tpu.memory_space<semaphore_mem>>
      %dma_start3A_63 = arith.constant 0 : i32
      %dma_start3A_64 = tpu.memref_slice %arg5[%arg0, %add3A_38, %dma_start3A_63] : memref<2x10240x128xf32, #tpu.memory_space<hbm>> -> memref<1x80x128xf32, #tpu.memory_space<hbm>>
      %dma_start3A_65 = tpu.memref_squeeze %dma_start3A_64 : memref<1x80x128xf32, #tpu.memory_space<hbm>> -> memref<80x128xf32, #tpu.memory_space<hbm>>
      %dma_start3A_66 = arith.constant 0 : i32
      %dma_start3A_67 = tpu.memref_slice %arg5[%arg0, %add3A_38, %dma_start3A_66] : memref<2x10240x128xf32, #tpu.memory_space<hbm>> -> memref<1x80x128xf32, #tpu.memory_space<hbm>>
      %dma_start3A_68 = tpu.memref_squeeze %dma_start3A_67 : memref<1x80x128xf32, #tpu.memory_space<hbm>> -> memref<80x128xf32, #tpu.memory_space<hbm>>
      tpu.enqueue_dma source(%arg9 : memref<80x128xf32, #tpu.memory_space<vmem>>) target(%dma_start3A_68 : memref<80x128xf32, #tpu.memory_space<hbm>>) target_semaphore(%run_scoped3A : memref<!tpu.dma_semaphore, #tpu.memory_space<semaphore_mem>>)
      %dma_wait3A_69 = arith.constant 0 : i32
      %dma_wait3A_70 = tpu.memref_slice %arg5[%arg0, %add3A_38, %dma_wait3A_69] : memref<2x10240x128xf32, #tpu.memory_space<hbm>> -> memref<1x80x128xf32, #tpu.memory_space<hbm>>
      %dma_wait3A_71 = tpu.memref_squeeze %dma_wait3A_70 : memref<1x80x128xf32, #tpu.memory_space<hbm>> -> memref<80x128xf32, #tpu.memory_space<hbm>>
      %dma_wait3A_72 = arith.constant 0 : i32
      %dma_wait3A_73 = tpu.memref_slice %arg5[%arg0, %add3A_38, %dma_wait3A_72] : memref<2x10240x128xf32, #tpu.memory_space<hbm>> -> memref<1x80x128xf32, #tpu.memory_space<hbm>>
      %dma_wait3A_74 = tpu.memref_squeeze %dma_wait3A_73 : memref<1x80x128xf32, #tpu.memory_space<hbm>> -> memref<80x128xf32, #tpu.memory_space<hbm>>
      tpu.wait_dma2 semaphore(%run_scoped3A : memref<!tpu.dma_semaphore, #tpu.memory_space<semaphore_mem>>) src(%arg9 : memref<80x128xf32, #tpu.memory_space<vmem>>) dst(%dma_wait3A_74 : memref<80x128xf32, #tpu.memory_space<hbm>>)
      tpu.yield
    }) : () -> ()
    %add3A_39 = arith.constant 160 : i32
    %add3A_40 = arith.addi %mul3A_2, %add3A_39 : i32
    "tpu.region"() ({
      %run_scoped3A = tpu.sem_alloc : memref<!tpu.dma_semaphore, #tpu.memory_space<semaphore_mem>>
      %dma_start3A_63 = arith.constant 0 : i32
      %dma_start3A_64 = tpu.memref_slice %arg10[%add3A_40, %dma_start3A_63] : memref<10240x128xf32, #tpu.memory_space<vmem_shared>> -> memref<80x128xf32, #tpu.memory_space<vmem_shared>>
      %dma_start3A_65 = arith.constant 0 : i32
      %dma_start3A_66 = tpu.memref_slice %arg10[%add3A_40, %dma_start3A_65] : memref<10240x128xf32, #tpu.memory_space<vmem_shared>> -> memref<80x128xf32, #tpu.memory_space<vmem_shared>>
      tpu.enqueue_dma source(%dma_start3A_66 : memref<80x128xf32, #tpu.memory_space<vmem_shared>>) target(%arg9 : memref<80x128xf32, #tpu.memory_space<vmem>>) target_semaphore(%run_scoped3A : memref<!tpu.dma_semaphore, #tpu.memory_space<semaphore_mem>>)
      %dma_wait3A_67 = arith.constant 0 : i32
      %dma_wait3A_68 = tpu.memref_slice %arg10[%add3A_40, %dma_wait3A_67] : memref<10240x128xf32, #tpu.memory_space<vmem_shared>> -> memref<80x128xf32, #tpu.memory_space<vmem_shared>>
      %dma_wait3A_69 = arith.constant 0 : i32
      %dma_wait3A_70 = tpu.memref_slice %arg10[%add3A_40, %dma_wait3A_69] : memref<10240x128xf32, #tpu.memory_space<vmem_shared>> -> memref<80x128xf32, #tpu.memory_space<vmem_shared>>
      tpu.wait_dma2 semaphore(%run_scoped3A : memref<!tpu.dma_semaphore, #tpu.memory_space<semaphore_mem>>) src(%dma_wait3A_70 : memref<80x128xf32, #tpu.memory_space<vmem_shared>>) dst(%arg9 : memref<80x128xf32, #tpu.memory_space<vmem>>)
      tpu.yield
    }) : () -> ()
    %add3A_41 = arith.constant 160 : i32
    %add3A_42 = arith.addi %mul3A_2, %add3A_41 : i32
    "tpu.region"() ({
      %run_scoped3A = tpu.sem_alloc : memref<!tpu.dma_semaphore, #tpu.memory_space<semaphore_mem>>
      %dma_start3A_63 = arith.constant 0 : i32
      %dma_start3A_64 = tpu.memref_slice %arg5[%arg0, %add3A_42, %dma_start3A_63] : memref<2x10240x128xf32, #tpu.memory_space<hbm>> -> memref<1x80x128xf32, #tpu.memory_space<hbm>>
      %dma_start3A_65 = tpu.memref_squeeze %dma_start3A_64 : memref<1x80x128xf32, #tpu.memory_space<hbm>> -> memref<80x128xf32, #tpu.memory_space<hbm>>
      %dma_start3A_66 = arith.constant 0 : i32
      %dma_start3A_67 = tpu.memref_slice %arg5[%arg0, %add3A_42, %dma_start3A_66] : memref<2x10240x128xf32, #tpu.memory_space<hbm>> -> memref<1x80x128xf32, #tpu.memory_space<hbm>>
      %dma_start3A_68 = tpu.memref_squeeze %dma_start3A_67 : memref<1x80x128xf32, #tpu.memory_space<hbm>> -> memref<80x128xf32, #tpu.memory_space<hbm>>
      tpu.enqueue_dma source(%arg9 : memref<80x128xf32, #tpu.memory_space<vmem>>) target(%dma_start3A_68 : memref<80x128xf32, #tpu.memory_space<hbm>>) target_semaphore(%run_scoped3A : memref<!tpu.dma_semaphore, #tpu.memory_space<semaphore_mem>>)
      %dma_wait3A_69 = arith.constant 0 : i32
      %dma_wait3A_70 = tpu.memref_slice %arg5[%arg0, %add3A_42, %dma_wait3A_69] : memref<2x10240x128xf32, #tpu.memory_space<hbm>> -> memref<1x80x128xf32, #tpu.memory_space<hbm>>
      %dma_wait3A_71 = tpu.memref_squeeze %dma_wait3A_70 : memref<1x80x128xf32, #tpu.memory_space<hbm>> -> memref<80x128xf32, #tpu.memory_space<hbm>>
      %dma_wait3A_72 = arith.constant 0 : i32
      %dma_wait3A_73 = tpu.memref_slice %arg5[%arg0, %add3A_42, %dma_wait3A_72] : memref<2x10240x128xf32, #tpu.memory_space<hbm>> -> memref<1x80x128xf32, #tpu.memory_space<hbm>>
      %dma_wait3A_74 = tpu.memref_squeeze %dma_wait3A_73 : memref<1x80x128xf32, #tpu.memory_space<hbm>> -> memref<80x128xf32, #tpu.memory_space<hbm>>
      tpu.wait_dma2 semaphore(%run_scoped3A : memref<!tpu.dma_semaphore, #tpu.memory_space<semaphore_mem>>) src(%arg9 : memref<80x128xf32, #tpu.memory_space<vmem>>) dst(%dma_wait3A_74 : memref<80x128xf32, #tpu.memory_space<hbm>>)
      tpu.yield
    }) : () -> ()
    %add3A_43 = arith.constant 240 : i32
    %add3A_44 = arith.addi %mul3A_2, %add3A_43 : i32
    "tpu.region"() ({
      %run_scoped3A = tpu.sem_alloc : memref<!tpu.dma_semaphore, #tpu.memory_space<semaphore_mem>>
      %dma_start3A_63 = arith.constant 0 : i32
      %dma_start3A_64 = tpu.memref_slice %arg10[%add3A_44, %dma_start3A_63] : memref<10240x128xf32, #tpu.memory_space<vmem_shared>> -> memref<80x128xf32, #tpu.memory_space<vmem_shared>>
      %dma_start3A_65 = arith.constant 0 : i32
      %dma_start3A_66 = tpu.memref_slice %arg10[%add3A_44, %dma_start3A_65] : memref<10240x128xf32, #tpu.memory_space<vmem_shared>> -> memref<80x128xf32, #tpu.memory_space<vmem_shared>>
      tpu.enqueue_dma source(%dma_start3A_66 : memref<80x128xf32, #tpu.memory_space<vmem_shared>>) target(%arg9 : memref<80x128xf32, #tpu.memory_space<vmem>>) target_semaphore(%run_scoped3A : memref<!tpu.dma_semaphore, #tpu.memory_space<semaphore_mem>>)
      %dma_wait3A_67 = arith.constant 0 : i32
      %dma_wait3A_68 = tpu.memref_slice %arg10[%add3A_44, %dma_wait3A_67] : memref<10240x128xf32, #tpu.memory_space<vmem_shared>> -> memref<80x128xf32, #tpu.memory_space<vmem_shared>>
      %dma_wait3A_69 = arith.constant 0 : i32
      %dma_wait3A_70 = tpu.memref_slice %arg10[%add3A_44, %dma_wait3A_69] : memref<10240x128xf32, #tpu.memory_space<vmem_shared>> -> memref<80x128xf32, #tpu.memory_space<vmem_shared>>
      tpu.wait_dma2 semaphore(%run_scoped3A : memref<!tpu.dma_semaphore, #tpu.memory_space<semaphore_mem>>) src(%dma_wait3A_70 : memref<80x128xf32, #tpu.memory_space<vmem_shared>>) dst(%arg9 : memref<80x128xf32, #tpu.memory_space<vmem>>)
      tpu.yield
    }) : () -> ()
    %add3A_45 = arith.constant 240 : i32
    %add3A_46 = arith.addi %mul3A_2, %add3A_45 : i32
    "tpu.region"() ({
      %run_scoped3A = tpu.sem_alloc : memref<!tpu.dma_semaphore, #tpu.memory_space<semaphore_mem>>
      %dma_start3A_63 = arith.constant 0 : i32
      %dma_start3A_64 = tpu.memref_slice %arg5[%arg0, %add3A_46, %dma_start3A_63] : memref<2x10240x128xf32, #tpu.memory_space<hbm>> -> memref<1x80x128xf32, #tpu.memory_space<hbm>>
      %dma_start3A_65 = tpu.memref_squeeze %dma_start3A_64 : memref<1x80x128xf32, #tpu.memory_space<hbm>> -> memref<80x128xf32, #tpu.memory_space<hbm>>
      %dma_start3A_66 = arith.constant 0 : i32
      %dma_start3A_67 = tpu.memref_slice %arg5[%arg0, %add3A_46, %dma_start3A_66] : memref<2x10240x128xf32, #tpu.memory_space<hbm>> -> memref<1x80x128xf32, #tpu.memory_space<hbm>>
      %dma_start3A_68 = tpu.memref_squeeze %dma_start3A_67 : memref<1x80x128xf32, #tpu.memory_space<hbm>> -> memref<80x128xf32, #tpu.memory_space<hbm>>
      tpu.enqueue_dma source(%arg9 : memref<80x128xf32, #tpu.memory_space<vmem>>) target(%dma_start3A_68 : memref<80x128xf32, #tpu.memory_space<hbm>>) target_semaphore(%run_scoped3A : memref<!tpu.dma_semaphore, #tpu.memory_space<semaphore_mem>>)
      %dma_wait3A_69 = arith.constant 0 : i32
      %dma_wait3A_70 = tpu.memref_slice %arg5[%arg0, %add3A_46, %dma_wait3A_69] : memref<2x10240x128xf32, #tpu.memory_space<hbm>> -> memref<1x80x128xf32, #tpu.memory_space<hbm>>
      %dma_wait3A_71 = tpu.memref_squeeze %dma_wait3A_70 : memref<1x80x128xf32, #tpu.memory_space<hbm>> -> memref<80x128xf32, #tpu.memory_space<hbm>>
      %dma_wait3A_72 = arith.constant 0 : i32
      %dma_wait3A_73 = tpu.memref_slice %arg5[%arg0, %add3A_46, %dma_wait3A_72] : memref<2x10240x128xf32, #tpu.memory_space<hbm>> -> memref<1x80x128xf32, #tpu.memory_space<hbm>>
      %dma_wait3A_74 = tpu.memref_squeeze %dma_wait3A_73 : memref<1x80x128xf32, #tpu.memory_space<hbm>> -> memref<80x128xf32, #tpu.memory_space<hbm>>
      tpu.wait_dma2 semaphore(%run_scoped3A : memref<!tpu.dma_semaphore, #tpu.memory_space<semaphore_mem>>) src(%arg9 : memref<80x128xf32, #tpu.memory_space<vmem>>) dst(%dma_wait3A_74 : memref<80x128xf32, #tpu.memory_space<hbm>>)
      tpu.yield
    }) : () -> ()
    %add3A_47 = arith.constant 320 : i32
    %add3A_48 = arith.addi %mul3A_2, %add3A_47 : i32
    "tpu.region"() ({
      %run_scoped3A = tpu.sem_alloc : memref<!tpu.dma_semaphore, #tpu.memory_space<semaphore_mem>>
      %dma_start3A_63 = arith.constant 0 : i32
      %dma_start3A_64 = tpu.memref_slice %arg10[%add3A_48, %dma_start3A_63] : memref<10240x128xf32, #tpu.memory_space<vmem_shared>> -> memref<80x128xf32, #tpu.memory_space<vmem_shared>>
      %dma_start3A_65 = arith.constant 0 : i32
      %dma_start3A_66 = tpu.memref_slice %arg10[%add3A_48, %dma_start3A_65] : memref<10240x128xf32, #tpu.memory_space<vmem_shared>> -> memref<80x128xf32, #tpu.memory_space<vmem_shared>>
      tpu.enqueue_dma source(%dma_start3A_66 : memref<80x128xf32, #tpu.memory_space<vmem_shared>>) target(%arg9 : memref<80x128xf32, #tpu.memory_space<vmem>>) target_semaphore(%run_scoped3A : memref<!tpu.dma_semaphore, #tpu.memory_space<semaphore_mem>>)
      %dma_wait3A_67 = arith.constant 0 : i32
      %dma_wait3A_68 = tpu.memref_slice %arg10[%add3A_48, %dma_wait3A_67] : memref<10240x128xf32, #tpu.memory_space<vmem_shared>> -> memref<80x128xf32, #tpu.memory_space<vmem_shared>>
      %dma_wait3A_69 = arith.constant 0 : i32
      %dma_wait3A_70 = tpu.memref_slice %arg10[%add3A_48, %dma_wait3A_69] : memref<10240x128xf32, #tpu.memory_space<vmem_shared>> -> memref<80x128xf32, #tpu.memory_space<vmem_shared>>
      tpu.wait_dma2 semaphore(%run_scoped3A : memref<!tpu.dma_semaphore, #tpu.memory_space<semaphore_mem>>) src(%dma_wait3A_70 : memref<80x128xf32, #tpu.memory_space<vmem_shared>>) dst(%arg9 : memref<80x128xf32, #tpu.memory_space<vmem>>)
      tpu.yield
    }) : () -> ()
    %add3A_49 = arith.constant 320 : i32
    %add3A_50 = arith.addi %mul3A_2, %add3A_49 : i32
    "tpu.region"() ({
      %run_scoped3A = tpu.sem_alloc : memref<!tpu.dma_semaphore, #tpu.memory_space<semaphore_mem>>
      %dma_start3A_63 = arith.constant 0 : i32
      %dma_start3A_64 = tpu.memref_slice %arg5[%arg0, %add3A_50, %dma_start3A_63] : memref<2x10240x128xf32, #tpu.memory_space<hbm>> -> memref<1x80x128xf32, #tpu.memory_space<hbm>>
      %dma_start3A_65 = tpu.memref_squeeze %dma_start3A_64 : memref<1x80x128xf32, #tpu.memory_space<hbm>> -> memref<80x128xf32, #tpu.memory_space<hbm>>
      %dma_start3A_66 = arith.constant 0 : i32
      %dma_start3A_67 = tpu.memref_slice %arg5[%arg0, %add3A_50, %dma_start3A_66] : memref<2x10240x128xf32, #tpu.memory_space<hbm>> -> memref<1x80x128xf32, #tpu.memory_space<hbm>>
      %dma_start3A_68 = tpu.memref_squeeze %dma_start3A_67 : memref<1x80x128xf32, #tpu.memory_space<hbm>> -> memref<80x128xf32, #tpu.memory_space<hbm>>
      tpu.enqueue_dma source(%arg9 : memref<80x128xf32, #tpu.memory_space<vmem>>) target(%dma_start3A_68 : memref<80x128xf32, #tpu.memory_space<hbm>>) target_semaphore(%run_scoped3A : memref<!tpu.dma_semaphore, #tpu.memory_space<semaphore_mem>>)
      %dma_wait3A_69 = arith.constant 0 : i32
      %dma_wait3A_70 = tpu.memref_slice %arg5[%arg0, %add3A_50, %dma_wait3A_69] : memref<2x10240x128xf32, #tpu.memory_space<hbm>> -> memref<1x80x128xf32, #tpu.memory_space<hbm>>
      %dma_wait3A_71 = tpu.memref_squeeze %dma_wait3A_70 : memref<1x80x128xf32, #tpu.memory_space<hbm>> -> memref<80x128xf32, #tpu.memory_space<hbm>>
      %dma_wait3A_72 = arith.constant 0 : i32
      %dma_wait3A_73 = tpu.memref_slice %arg5[%arg0, %add3A_50, %dma_wait3A_72] : memref<2x10240x128xf32, #tpu.memory_space<hbm>> -> memref<1x80x128xf32, #tpu.memory_space<hbm>>
      %dma_wait3A_74 = tpu.memref_squeeze %dma_wait3A_73 : memref<1x80x128xf32, #tpu.memory_space<hbm>> -> memref<80x128xf32, #tpu.memory_space<hbm>>
      tpu.wait_dma2 semaphore(%run_scoped3A : memref<!tpu.dma_semaphore, #tpu.memory_space<semaphore_mem>>) src(%arg9 : memref<80x128xf32, #tpu.memory_space<vmem>>) dst(%dma_wait3A_74 : memref<80x128xf32, #tpu.memory_space<hbm>>)
      tpu.yield
    }) : () -> ()
    %add3A_51 = arith.constant 400 : i32
    %add3A_52 = arith.addi %mul3A_2, %add3A_51 : i32
    "tpu.region"() ({
      %run_scoped3A = tpu.sem_alloc : memref<!tpu.dma_semaphore, #tpu.memory_space<semaphore_mem>>
      %dma_start3A_63 = arith.constant 0 : i32
      %dma_start3A_64 = tpu.memref_slice %arg10[%add3A_52, %dma_start3A_63] : memref<10240x128xf32, #tpu.memory_space<vmem_shared>> -> memref<80x128xf32, #tpu.memory_space<vmem_shared>>
      %dma_start3A_65 = arith.constant 0 : i32
      %dma_start3A_66 = tpu.memref_slice %arg10[%add3A_52, %dma_start3A_65] : memref<10240x128xf32, #tpu.memory_space<vmem_shared>> -> memref<80x128xf32, #tpu.memory_space<vmem_shared>>
      tpu.enqueue_dma source(%dma_start3A_66 : memref<80x128xf32, #tpu.memory_space<vmem_shared>>) target(%arg9 : memref<80x128xf32, #tpu.memory_space<vmem>>) target_semaphore(%run_scoped3A : memref<!tpu.dma_semaphore, #tpu.memory_space<semaphore_mem>>)
      %dma_wait3A_67 = arith.constant 0 : i32
      %dma_wait3A_68 = tpu.memref_slice %arg10[%add3A_52, %dma_wait3A_67] : memref<10240x128xf32, #tpu.memory_space<vmem_shared>> -> memref<80x128xf32, #tpu.memory_space<vmem_shared>>
      %dma_wait3A_69 = arith.constant 0 : i32
      %dma_wait3A_70 = tpu.memref_slice %arg10[%add3A_52, %dma_wait3A_69] : memref<10240x128xf32, #tpu.memory_space<vmem_shared>> -> memref<80x128xf32, #tpu.memory_space<vmem_shared>>
      tpu.wait_dma2 semaphore(%run_scoped3A : memref<!tpu.dma_semaphore, #tpu.memory_space<semaphore_mem>>) src(%dma_wait3A_70 : memref<80x128xf32, #tpu.memory_space<vmem_shared>>) dst(%arg9 : memref<80x128xf32, #tpu.memory_space<vmem>>)
      tpu.yield
    }) : () -> ()
    %add3A_53 = arith.constant 400 : i32
    %add3A_54 = arith.addi %mul3A_2, %add3A_53 : i32
    "tpu.region"() ({
      %run_scoped3A = tpu.sem_alloc : memref<!tpu.dma_semaphore, #tpu.memory_space<semaphore_mem>>
      %dma_start3A_63 = arith.constant 0 : i32
      %dma_start3A_64 = tpu.memref_slice %arg5[%arg0, %add3A_54, %dma_start3A_63] : memref<2x10240x128xf32, #tpu.memory_space<hbm>> -> memref<1x80x128xf32, #tpu.memory_space<hbm>>
      %dma_start3A_65 = tpu.memref_squeeze %dma_start3A_64 : memref<1x80x128xf32, #tpu.memory_space<hbm>> -> memref<80x128xf32, #tpu.memory_space<hbm>>
      %dma_start3A_66 = arith.constant 0 : i32
      %dma_start3A_67 = tpu.memref_slice %arg5[%arg0, %add3A_54, %dma_start3A_66] : memref<2x10240x128xf32, #tpu.memory_space<hbm>> -> memref<1x80x128xf32, #tpu.memory_space<hbm>>
      %dma_start3A_68 = tpu.memref_squeeze %dma_start3A_67 : memref<1x80x128xf32, #tpu.memory_space<hbm>> -> memref<80x128xf32, #tpu.memory_space<hbm>>
      tpu.enqueue_dma source(%arg9 : memref<80x128xf32, #tpu.memory_space<vmem>>) target(%dma_start3A_68 : memref<80x128xf32, #tpu.memory_space<hbm>>) target_semaphore(%run_scoped3A : memref<!tpu.dma_semaphore, #tpu.memory_space<semaphore_mem>>)
      %dma_wait3A_69 = arith.constant 0 : i32
      %dma_wait3A_70 = tpu.memref_slice %arg5[%arg0, %add3A_54, %dma_wait3A_69] : memref<2x10240x128xf32, #tpu.memory_space<hbm>> -> memref<1x80x128xf32, #tpu.memory_space<hbm>>
      %dma_wait3A_71 = tpu.memref_squeeze %dma_wait3A_70 : memref<1x80x128xf32, #tpu.memory_space<hbm>> -> memref<80x128xf32, #tpu.memory_space<hbm>>
      %dma_wait3A_72 = arith.constant 0 : i32
      %dma_wait3A_73 = tpu.memref_slice %arg5[%arg0, %add3A_54, %dma_wait3A_72] : memref<2x10240x128xf32, #tpu.memory_space<hbm>> -> memref<1x80x128xf32, #tpu.memory_space<hbm>>
      %dma_wait3A_74 = tpu.memref_squeeze %dma_wait3A_73 : memref<1x80x128xf32, #tpu.memory_space<hbm>> -> memref<80x128xf32, #tpu.memory_space<hbm>>
      tpu.wait_dma2 semaphore(%run_scoped3A : memref<!tpu.dma_semaphore, #tpu.memory_space<semaphore_mem>>) src(%arg9 : memref<80x128xf32, #tpu.memory_space<vmem>>) dst(%dma_wait3A_74 : memref<80x128xf32, #tpu.memory_space<hbm>>)
      tpu.yield
    }) : () -> ()
    %add3A_55 = arith.constant 480 : i32
    %add3A_56 = arith.addi %mul3A_2, %add3A_55 : i32
    "tpu.region"() ({
      %run_scoped3A = tpu.sem_alloc : memref<!tpu.dma_semaphore, #tpu.memory_space<semaphore_mem>>
      %dma_start3A_63 = arith.constant 0 : i32
      %dma_start3A_64 = tpu.memref_slice %arg10[%add3A_56, %dma_start3A_63] : memref<10240x128xf32, #tpu.memory_space<vmem_shared>> -> memref<80x128xf32, #tpu.memory_space<vmem_shared>>
      %dma_start3A_65 = arith.constant 0 : i32
      %dma_start3A_66 = tpu.memref_slice %arg10[%add3A_56, %dma_start3A_65] : memref<10240x128xf32, #tpu.memory_space<vmem_shared>> -> memref<80x128xf32, #tpu.memory_space<vmem_shared>>
      tpu.enqueue_dma source(%dma_start3A_66 : memref<80x128xf32, #tpu.memory_space<vmem_shared>>) target(%arg9 : memref<80x128xf32, #tpu.memory_space<vmem>>) target_semaphore(%run_scoped3A : memref<!tpu.dma_semaphore, #tpu.memory_space<semaphore_mem>>)
      %dma_wait3A_67 = arith.constant 0 : i32
      %dma_wait3A_68 = tpu.memref_slice %arg10[%add3A_56, %dma_wait3A_67] : memref<10240x128xf32, #tpu.memory_space<vmem_shared>> -> memref<80x128xf32, #tpu.memory_space<vmem_shared>>
      %dma_wait3A_69 = arith.constant 0 : i32
      %dma_wait3A_70 = tpu.memref_slice %arg10[%add3A_56, %dma_wait3A_69] : memref<10240x128xf32, #tpu.memory_space<vmem_shared>> -> memref<80x128xf32, #tpu.memory_space<vmem_shared>>
      tpu.wait_dma2 semaphore(%run_scoped3A : memref<!tpu.dma_semaphore, #tpu.memory_space<semaphore_mem>>) src(%dma_wait3A_70 : memref<80x128xf32, #tpu.memory_space<vmem_shared>>) dst(%arg9 : memref<80x128xf32, #tpu.memory_space<vmem>>)
      tpu.yield
    }) : () -> ()
    %add3A_57 = arith.constant 480 : i32
    %add3A_58 = arith.addi %mul3A_2, %add3A_57 : i32
    "tpu.region"() ({
      %run_scoped3A = tpu.sem_alloc : memref<!tpu.dma_semaphore, #tpu.memory_space<semaphore_mem>>
      %dma_start3A_63 = arith.constant 0 : i32
      %dma_start3A_64 = tpu.memref_slice %arg5[%arg0, %add3A_58, %dma_start3A_63] : memref<2x10240x128xf32, #tpu.memory_space<hbm>> -> memref<1x80x128xf32, #tpu.memory_space<hbm>>
      %dma_start3A_65 = tpu.memref_squeeze %dma_start3A_64 : memref<1x80x128xf32, #tpu.memory_space<hbm>> -> memref<80x128xf32, #tpu.memory_space<hbm>>
      %dma_start3A_66 = arith.constant 0 : i32
      %dma_start3A_67 = tpu.memref_slice %arg5[%arg0, %add3A_58, %dma_start3A_66] : memref<2x10240x128xf32, #tpu.memory_space<hbm>> -> memref<1x80x128xf32, #tpu.memory_space<hbm>>
      %dma_start3A_68 = tpu.memref_squeeze %dma_start3A_67 : memref<1x80x128xf32, #tpu.memory_space<hbm>> -> memref<80x128xf32, #tpu.memory_space<hbm>>
      tpu.enqueue_dma source(%arg9 : memref<80x128xf32, #tpu.memory_space<vmem>>) target(%dma_start3A_68 : memref<80x128xf32, #tpu.memory_space<hbm>>) target_semaphore(%run_scoped3A : memref<!tpu.dma_semaphore, #tpu.memory_space<semaphore_mem>>)
      %dma_wait3A_69 = arith.constant 0 : i32
      %dma_wait3A_70 = tpu.memref_slice %arg5[%arg0, %add3A_58, %dma_wait3A_69] : memref<2x10240x128xf32, #tpu.memory_space<hbm>> -> memref<1x80x128xf32, #tpu.memory_space<hbm>>
      %dma_wait3A_71 = tpu.memref_squeeze %dma_wait3A_70 : memref<1x80x128xf32, #tpu.memory_space<hbm>> -> memref<80x128xf32, #tpu.memory_space<hbm>>
      %dma_wait3A_72 = arith.constant 0 : i32
      %dma_wait3A_73 = tpu.memref_slice %arg5[%arg0, %add3A_58, %dma_wait3A_72] : memref<2x10240x128xf32, #tpu.memory_space<hbm>> -> memref<1x80x128xf32, #tpu.memory_space<hbm>>
      %dma_wait3A_74 = tpu.memref_squeeze %dma_wait3A_73 : memref<1x80x128xf32, #tpu.memory_space<hbm>> -> memref<80x128xf32, #tpu.memory_space<hbm>>
      tpu.wait_dma2 semaphore(%run_scoped3A : memref<!tpu.dma_semaphore, #tpu.memory_space<semaphore_mem>>) src(%arg9 : memref<80x128xf32, #tpu.memory_space<vmem>>) dst(%dma_wait3A_74 : memref<80x128xf32, #tpu.memory_space<hbm>>)
      tpu.yield
    }) : () -> ()
    %add3A_59 = arith.constant 560 : i32
    %add3A_60 = arith.addi %mul3A_2, %add3A_59 : i32
    "tpu.region"() ({
      %run_scoped3A = tpu.sem_alloc : memref<!tpu.dma_semaphore, #tpu.memory_space<semaphore_mem>>
      %dma_start3A_63 = arith.constant 0 : i32
      %dma_start3A_64 = tpu.memref_slice %arg10[%add3A_60, %dma_start3A_63] : memref<10240x128xf32, #tpu.memory_space<vmem_shared>> -> memref<80x128xf32, #tpu.memory_space<vmem_shared>>
      %dma_start3A_65 = arith.constant 0 : i32
      %dma_start3A_66 = tpu.memref_slice %arg10[%add3A_60, %dma_start3A_65] : memref<10240x128xf32, #tpu.memory_space<vmem_shared>> -> memref<80x128xf32, #tpu.memory_space<vmem_shared>>
      tpu.enqueue_dma source(%dma_start3A_66 : memref<80x128xf32, #tpu.memory_space<vmem_shared>>) target(%arg9 : memref<80x128xf32, #tpu.memory_space<vmem>>) target_semaphore(%run_scoped3A : memref<!tpu.dma_semaphore, #tpu.memory_space<semaphore_mem>>)
      %dma_wait3A_67 = arith.constant 0 : i32
      %dma_wait3A_68 = tpu.memref_slice %arg10[%add3A_60, %dma_wait3A_67] : memref<10240x128xf32, #tpu.memory_space<vmem_shared>> -> memref<80x128xf32, #tpu.memory_space<vmem_shared>>
      %dma_wait3A_69 = arith.constant 0 : i32
      %dma_wait3A_70 = tpu.memref_slice %arg10[%add3A_60, %dma_wait3A_69] : memref<10240x128xf32, #tpu.memory_space<vmem_shared>> -> memref<80x128xf32, #tpu.memory_space<vmem_shared>>
      tpu.wait_dma2 semaphore(%run_scoped3A : memref<!tpu.dma_semaphore, #tpu.memory_space<semaphore_mem>>) src(%dma_wait3A_70 : memref<80x128xf32, #tpu.memory_space<vmem_shared>>) dst(%arg9 : memref<80x128xf32, #tpu.memory_space<vmem>>)
      tpu.yield
    }) : () -> ()
    %add3A_61 = arith.constant 560 : i32
    %add3A_62 = arith.addi %mul3A_2, %add3A_61 : i32
    "tpu.region"() ({
      %run_scoped3A = tpu.sem_alloc : memref<!tpu.dma_semaphore, #tpu.memory_space<semaphore_mem>>
      %dma_start3A_63 = arith.constant 0 : i32
      %dma_start3A_64 = tpu.memref_slice %arg5[%arg0, %add3A_62, %dma_start3A_63] : memref<2x10240x128xf32, #tpu.memory_space<hbm>> -> memref<1x80x128xf32, #tpu.memory_space<hbm>>
      %dma_start3A_65 = tpu.memref_squeeze %dma_start3A_64 : memref<1x80x128xf32, #tpu.memory_space<hbm>> -> memref<80x128xf32, #tpu.memory_space<hbm>>
      %dma_start3A_66 = arith.constant 0 : i32
      %dma_start3A_67 = tpu.memref_slice %arg5[%arg0, %add3A_62, %dma_start3A_66] : memref<2x10240x128xf32, #tpu.memory_space<hbm>> -> memref<1x80x128xf32, #tpu.memory_space<hbm>>
      %dma_start3A_68 = tpu.memref_squeeze %dma_start3A_67 : memref<1x80x128xf32, #tpu.memory_space<hbm>> -> memref<80x128xf32, #tpu.memory_space<hbm>>
      tpu.enqueue_dma source(%arg9 : memref<80x128xf32, #tpu.memory_space<vmem>>) target(%dma_start3A_68 : memref<80x128xf32, #tpu.memory_space<hbm>>) target_semaphore(%run_scoped3A : memref<!tpu.dma_semaphore, #tpu.memory_space<semaphore_mem>>)
      %dma_wait3A_69 = arith.constant 0 : i32
      %dma_wait3A_70 = tpu.memref_slice %arg5[%arg0, %add3A_62, %dma_wait3A_69] : memref<2x10240x128xf32, #tpu.memory_space<hbm>> -> memref<1x80x128xf32, #tpu.memory_space<hbm>>
      %dma_wait3A_71 = tpu.memref_squeeze %dma_wait3A_70 : memref<1x80x128xf32, #tpu.memory_space<hbm>> -> memref<80x128xf32, #tpu.memory_space<hbm>>
      %dma_wait3A_72 = arith.constant 0 : i32
      %dma_wait3A_73 = tpu.memref_slice %arg5[%arg0, %add3A_62, %dma_wait3A_72] : memref<2x10240x128xf32, #tpu.memory_space<hbm>> -> memref<1x80x128xf32, #tpu.memory_space<hbm>>
      %dma_wait3A_74 = tpu.memref_squeeze %dma_wait3A_73 : memref<1x80x128xf32, #tpu.memory_space<hbm>> -> memref<80x128xf32, #tpu.memory_space<hbm>>
      tpu.wait_dma2 semaphore(%run_scoped3A : memref<!tpu.dma_semaphore, #tpu.memory_space<semaphore_mem>>) src(%arg9 : memref<80x128xf32, #tpu.memory_space<vmem>>) dst(%dma_wait3A_74 : memref<80x128xf32, #tpu.memory_space<hbm>>)
      tpu.yield
    }) : () -> ()
    return
  }
}

module attributes {stable_mosaic.version = 14 : i64} {
  func.func @_tc_body(%arg0: memref<10000x128xf32, #tpu.memory_space<vmem>>, %arg1: memref<2x10240x128xf32, #tpu.memory_space<vmem>>, %arg2: memref<2x10240x128xf32, #tpu.memory_space<vmem>>, %arg3: memref<1x1xf32, #tpu.memory_space<vmem>>, %arg4: memref<256x128xf32, #tpu.memory_space<vmem>>, %arg5: memref<1x256xf32, #tpu.memory_space<vmem>>, %arg6: memref<1x256xf32, #tpu.memory_space<vmem>>, %arg7: memref<1x256xf32, #tpu.memory_space<vmem>>, %arg8: memref<128x256xf32, #tpu.memory_space<vmem>>, %arg9: memref<1x128xf32, #tpu.memory_space<vmem>>, %arg10: memref<1x128xf32, #tpu.memory_space<vmem>>, %arg11: memref<1x128xf32, #tpu.memory_space<vmem>>, %arg12: memref<10000x128xf32, #tpu.memory_space<vmem>>) attributes {dimension_semantics = [], scalar_prefetch = 0 : i64, scratch_operands = 0 : i64, tpu.core_type = #tpu.core_type<tc>} {
    %get3A = arith.constant 0 : index
    %get3A_0 = arith.constant 0 : index
    %get3A_1 = arith.constant 0 : index
    %get3A_2 = vector.load %arg1[%get3A, %get3A_0, %get3A_1] : memref<2x10240x128xf32, #tpu.memory_space<vmem>>, vector<1x10000x128xf32>
    %get3A_3 = vector.shape_cast %get3A_2 : vector<1x10000x128xf32> to vector<10000x128xf32>
    %get3A_4 = arith.constant 1 : index
    %get3A_5 = arith.constant 0 : index
    %get3A_6 = arith.constant 0 : index
    %get3A_7 = vector.load %arg1[%get3A_4, %get3A_5, %get3A_6] : memref<2x10240x128xf32, #tpu.memory_space<vmem>>, vector<1x10000x128xf32>
    %get3A_8 = vector.shape_cast %get3A_7 : vector<1x10000x128xf32> to vector<10000x128xf32>
    %add3A = arith.addf %get3A_3, %get3A_8 : vector<10000x128xf32>
    %get3A_9 = arith.constant 0 : index
    %get3A_10 = arith.constant 0 : index
    %get3A_11 = arith.constant 0 : index
    %get3A_12 = vector.load %arg2[%get3A_9, %get3A_10, %get3A_11] : memref<2x10240x128xf32, #tpu.memory_space<vmem>>, vector<1x10000x1xf32>
    %get3A_13 = vector.shape_cast %get3A_12 : vector<1x10000x1xf32> to vector<10000x1xf32>
    %get3A_14 = arith.constant 1 : index
    %get3A_15 = arith.constant 0 : index
    %get3A_16 = arith.constant 0 : index
    %get3A_17 = vector.load %arg2[%get3A_14, %get3A_15, %get3A_16] : memref<2x10240x128xf32, #tpu.memory_space<vmem>>, vector<1x10000x1xf32>
    %get3A_18 = vector.shape_cast %get3A_17 : vector<1x10000x1xf32> to vector<10000x1xf32>
    %add3A_19 = arith.addf %get3A_13, %get3A_18 : vector<10000x1xf32>
    %max3A = arith.constant 1.000000e+00 : f32
    %max3A_20 = vector.broadcast %max3A : f32 to vector<10000x1xf32>
    %max3A_21 = arith.maximumf %add3A_19, %max3A_20 : vector<10000x1xf32>
    %div3A = vector.broadcast %max3A_21 : vector<10000x1xf32> to vector<10000x128xf32>
    %div3A_22 = arith.divf %add3A, %div3A : vector<10000x128xf32>
    %get3A_23 = arith.constant 0 : index
    %get3A_24 = arith.constant 0 : index
    %get3A_25 = vector.load %arg3[%get3A_23, %get3A_24] : memref<1x1xf32, #tpu.memory_space<vmem>>, vector<1x1xf32>
    %get3A_26 = vector.extract %get3A_25[0, 0] : f32 from vector<1x1xf32>
    %add3A_27 = arith.constant 1.000000e+00 : f32
    %add3A_28 = arith.addf %add3A_27, %get3A_26 : f32
    %get3A_29 = arith.constant 0 : index
    %get3A_30 = arith.constant 0 : index
    %get3A_31 = vector.load %arg0[%get3A_29, %get3A_30] : memref<10000x128xf32, #tpu.memory_space<vmem>>, vector<10000x128xf32>
    %mul3A = vector.broadcast %add3A_28 : f32 to vector<10000x128xf32>
    %mul3A_32 = arith.mulf %mul3A, %get3A_31 : vector<10000x128xf32>
    %add3A_33 = arith.addf %mul3A_32, %div3A_22 : vector<10000x128xf32>
    %get3A_34 = arith.constant 0 : index
    %get3A_35 = arith.constant 0 : index
    %get3A_36 = vector.load %arg4[%get3A_34, %get3A_35] : memref<256x128xf32, #tpu.memory_space<vmem>>, vector<256x128xf32>
    %dot_general3A = arith.constant dense<0.000000e+00> : vector<10000x256xf32>
    %dot_general3A_37 = tpu.matmul %add3A_33, %get3A_36, %dot_general3A {dimension_numbers = #tpu.dot_dimension_numbers<[1], [1], [0], [0], [0, 0, 1, 0], [], []>, precision = #tpu.contract_precision<fp32>, transpose_lhs_hint = false} : vector<10000x128xf32>, vector<256x128xf32>, vector<10000x256xf32> -> vector<10000x256xf32>
    %get3A_38 = arith.constant 0 : index
    %get3A_39 = arith.constant 0 : index
    %get3A_40 = vector.load %arg5[%get3A_38, %get3A_39] : memref<1x256xf32, #tpu.memory_space<vmem>>, vector<1x256xf32>
    %add3A_41 = vector.broadcast %get3A_40 : vector<1x256xf32> to vector<10000x256xf32>
    %add3A_42 = arith.addf %dot_general3A_37, %add3A_41 : vector<10000x256xf32>
    %reduce_sum3A = arith.constant dense<0.000000e+00> : vector<256xf32>
    %reduce_sum3A_43 = vector.multi_reduction <add>, %add3A_42, %reduce_sum3A [0] : vector<10000x256xf32> to vector<256xf32>
    %broadcast_in_dim3A = vector.shape_cast %reduce_sum3A_43 : vector<256xf32> to vector<1x256xf32>
    %div3A_44 = arith.constant 1.000000e+04 : f32
    %div3A_45 = vector.broadcast %div3A_44 : f32 to vector<1x256xf32>
    %div3A_46 = arith.divf %broadcast_in_dim3A, %div3A_45 : vector<1x256xf32>
    %sub3A = vector.broadcast %div3A_46 : vector<1x256xf32> to vector<10000x256xf32>
    %sub3A_47 = arith.subf %add3A_42, %sub3A : vector<10000x256xf32>
    %mul3A_48 = arith.mulf %sub3A_47, %sub3A_47 : vector<10000x256xf32>
    %reduce_sum3A_49 = arith.constant dense<0.000000e+00> : vector<256xf32>
    %reduce_sum3A_50 = vector.multi_reduction <add>, %mul3A_48, %reduce_sum3A_49 [0] : vector<10000x256xf32> to vector<256xf32>
    %broadcast_in_dim3A_51 = vector.shape_cast %reduce_sum3A_50 : vector<256xf32> to vector<1x256xf32>
    %div3A_52 = arith.constant 1.000000e+04 : f32
    %div3A_53 = vector.broadcast %div3A_52 : f32 to vector<1x256xf32>
    %div3A_54 = arith.divf %broadcast_in_dim3A_51, %div3A_53 : vector<1x256xf32>
    %get3A_55 = arith.constant 0 : index
    %get3A_56 = arith.constant 0 : index
    %get3A_57 = vector.load %arg6[%get3A_55, %get3A_56] : memref<1x256xf32, #tpu.memory_space<vmem>>, vector<1x256xf32>
    %add3A_58 = arith.constant 9.99999974E-6 : f32
    %add3A_59 = vector.broadcast %add3A_58 : f32 to vector<1x256xf32>
    %add3A_60 = arith.addf %div3A_54, %add3A_59 : vector<1x256xf32>
    %rsqrt3A = math.rsqrt %add3A_60 : vector<1x256xf32>
    %mul3A_61 = vector.broadcast %rsqrt3A : vector<1x256xf32> to vector<10000x256xf32>
    %mul3A_62 = arith.mulf %sub3A_47, %mul3A_61 : vector<10000x256xf32>
    %mul3A_63 = vector.broadcast %get3A_57 : vector<1x256xf32> to vector<10000x256xf32>
    %mul3A_64 = arith.mulf %mul3A_63, %mul3A_62 : vector<10000x256xf32>
    %get3A_65 = arith.constant 0 : index
    %get3A_66 = arith.constant 0 : index
    %get3A_67 = vector.load %arg7[%get3A_65, %get3A_66] : memref<1x256xf32, #tpu.memory_space<vmem>>, vector<1x256xf32>
    %add3A_68 = vector.broadcast %get3A_67 : vector<1x256xf32> to vector<10000x256xf32>
    %add3A_69 = arith.addf %mul3A_64, %add3A_68 : vector<10000x256xf32>
    %max3A_70 = arith.constant 0.000000e+00 : f32
    %max3A_71 = vector.broadcast %max3A_70 : f32 to vector<10000x256xf32>
    %max3A_72 = arith.maximumf %add3A_69, %max3A_71 : vector<10000x256xf32>
    %get3A_73 = arith.constant 0 : index
    %get3A_74 = arith.constant 0 : index
    %get3A_75 = vector.load %arg8[%get3A_73, %get3A_74] : memref<128x256xf32, #tpu.memory_space<vmem>>, vector<128x256xf32>
    %dot_general3A_76 = arith.constant dense<0.000000e+00> : vector<10000x128xf32>
    %dot_general3A_77 = tpu.matmul %max3A_72, %get3A_75, %dot_general3A_76 {dimension_numbers = #tpu.dot_dimension_numbers<[1], [1], [0], [0], [0, 0, 1, 0], [], []>, precision = #tpu.contract_precision<fp32>, transpose_lhs_hint = false} : vector<10000x256xf32>, vector<128x256xf32>, vector<10000x128xf32> -> vector<10000x128xf32>
    %get3A_78 = arith.constant 0 : index
    %get3A_79 = arith.constant 0 : index
    %get3A_80 = vector.load %arg9[%get3A_78, %get3A_79] : memref<1x128xf32, #tpu.memory_space<vmem>>, vector<1x128xf32>
    %add3A_81 = vector.broadcast %get3A_80 : vector<1x128xf32> to vector<10000x128xf32>
    %add3A_82 = arith.addf %dot_general3A_77, %add3A_81 : vector<10000x128xf32>
    %reduce_sum3A_83 = arith.constant dense<0.000000e+00> : vector<128xf32>
    %reduce_sum3A_84 = vector.multi_reduction <add>, %add3A_82, %reduce_sum3A_83 [0] : vector<10000x128xf32> to vector<128xf32>
    %broadcast_in_dim3A_85 = vector.shape_cast %reduce_sum3A_84 : vector<128xf32> to vector<1x128xf32>
    %div3A_86 = arith.constant 1.000000e+04 : f32
    %div3A_87 = vector.broadcast %div3A_86 : f32 to vector<1x128xf32>
    %div3A_88 = arith.divf %broadcast_in_dim3A_85, %div3A_87 : vector<1x128xf32>
    %sub3A_89 = vector.broadcast %div3A_88 : vector<1x128xf32> to vector<10000x128xf32>
    %sub3A_90 = arith.subf %add3A_82, %sub3A_89 : vector<10000x128xf32>
    %mul3A_91 = arith.mulf %sub3A_90, %sub3A_90 : vector<10000x128xf32>
    %reduce_sum3A_92 = arith.constant dense<0.000000e+00> : vector<128xf32>
    %reduce_sum3A_93 = vector.multi_reduction <add>, %mul3A_91, %reduce_sum3A_92 [0] : vector<10000x128xf32> to vector<128xf32>
    %broadcast_in_dim3A_94 = vector.shape_cast %reduce_sum3A_93 : vector<128xf32> to vector<1x128xf32>
    %div3A_95 = arith.constant 1.000000e+04 : f32
    %div3A_96 = vector.broadcast %div3A_95 : f32 to vector<1x128xf32>
    %div3A_97 = arith.divf %broadcast_in_dim3A_94, %div3A_96 : vector<1x128xf32>
    %get3A_98 = arith.constant 0 : index
    %get3A_99 = arith.constant 0 : index
    %get3A_100 = vector.load %arg10[%get3A_98, %get3A_99] : memref<1x128xf32, #tpu.memory_space<vmem>>, vector<1x128xf32>
    %add3A_101 = arith.constant 9.99999974E-6 : f32
    %add3A_102 = vector.broadcast %add3A_101 : f32 to vector<1x128xf32>
    %add3A_103 = arith.addf %div3A_97, %add3A_102 : vector<1x128xf32>
    %rsqrt3A_104 = math.rsqrt %add3A_103 : vector<1x128xf32>
    %mul3A_105 = vector.broadcast %rsqrt3A_104 : vector<1x128xf32> to vector<10000x128xf32>
    %mul3A_106 = arith.mulf %sub3A_90, %mul3A_105 : vector<10000x128xf32>
    %mul3A_107 = vector.broadcast %get3A_100 : vector<1x128xf32> to vector<10000x128xf32>
    %mul3A_108 = arith.mulf %mul3A_107, %mul3A_106 : vector<10000x128xf32>
    %get3A_109 = arith.constant 0 : index
    %get3A_110 = arith.constant 0 : index
    %get3A_111 = vector.load %arg11[%get3A_109, %get3A_110] : memref<1x128xf32, #tpu.memory_space<vmem>>, vector<1x128xf32>
    %add3A_112 = vector.broadcast %get3A_111 : vector<1x128xf32> to vector<10000x128xf32>
    %add3A_113 = arith.addf %mul3A_108, %add3A_112 : vector<10000x128xf32>
    %max3A_114 = arith.constant 0.000000e+00 : f32
    %max3A_115 = vector.broadcast %max3A_114 : f32 to vector<10000x128xf32>
    %max3A_116 = arith.maximumf %add3A_113, %max3A_115 : vector<10000x128xf32>
    %swap3A = arith.constant 0 : index
    %swap3A_117 = arith.constant 0 : index
    %swap3A_118 = vector.load %arg12[%swap3A, %swap3A_117] : memref<10000x128xf32, #tpu.memory_space<vmem>>, vector<10000x128xf32>
    tpu.vector_store %arg12[%swap3A, %swap3A_117], %max3A_116 {strides = array<i32>} : memref<10000x128xf32, #tpu.memory_space<vmem>>, vector<10000x128xf32>,
    return
  }
}

</mosaic_0001>

<sc_bundles>
// kernel: kernel.5.cloned.1.call-start
scs
__scs_entry_jumppad:
0x0: {  	(pc) =	sbr.rel $0x88, $3  }
0x1: {  	(tag) =	ssettag $0x0;
	lr =	simm.s32 $0x1  }
0x2: {  	[smem:$0x3F95] =	sst lr;
	_ =	strace $0xD0000000  }
0x3: {  	_ = 	snop  }
0x4: {  	_ = 	snop  }
0x5: {  	_ = 	snop  }
0x6: {  	_ = 	snop  }
0x7: {  	_ = 	snop  }
__scs_overlays_trampoline_lowered:
0x8: {  	[smem:$0x3FA4] =	sst s0  }
0x9: {  	[smem:$0x3FA5] =	sst s1  }
0xa: {  	[smem:$0x3FA6] =	sst s2  }
0xb: {  	[smem:$0x3FA7] =	sst s3  }
0xc: {  	[smem:$0x3FA8] =	sst s4  }
0xd: {  	[smem:$0x3FA9] =	sst s5  }
0xe: {  	[smem:$0x3FAA] =	sst s6  }
0xf: {  	[smem:$0x3FAB] =	sst s7  }
0x10: {  	[smem:$0x3FAC] =	sst s8  }
0x11: {  	[smem:$0x3FAD] =	sst s9;
	s0 =	simm.s32 @!p0 $0x0  }
0x12: {  	s1 =	sld [smem:$0x3F93];
	s0 =	simm.s32 @p0 $0x1  }
0x13: {  	[smem:$0x3FAE] =	sst s0;
	s0 =	simm.s32 @!p1 $0x0  }
0x14: {  	s2 =	sld [smem:$0x3F92];
	s0 =	simm.s32 @p1 $0x1  }
0x15: {  	[smem:$0x3FAF] =	sst s0;
	s0 =	simm.s32 @!p2 $0x0  }
0x16: {  	s3 =	sld [smem:$0x3FDB];
	s0 =	simm.s32 @p2 $0x1  }
0x17: {  	s4 =	simm.s32 $0x1BF5;
	[smem:$0x3FB1] =	sst s0  }
0x18: {  	s0 =	sld [smem:$0x3F94];
	_ =	swait.ge [sflag:s4], $0x0  }
0x19: {  	s7 =	sld [smem:$0x3F95]  }
0x1a: {  	s8 =	sadd.s32 $0xFFFFE003, lr  }
0x1b: {  	s9 =	sadd.s32 $0xFFFFFEF7, lr;
	s5 =	simm.s32 $0xFFFFFFFF;
	p2 =	slt.u32 s8, $0xFFFFF086  }
0x1c: {  	p1 =	slt.u32 s9, $0xF7A;
	s5 =	simm.s32 @!p2 $0x0  }
0x1d: {  	s5 =	simm.s32 @p1 $0x1;
	p0 =	seq.s32 s7, s2  }
0x1e: {  	s7 =	smul.u32 @!p0 $0xF7A, s2;
	p2 =	seq.s32 @!p0 s5, $0x0  }
0x1f: {  	s9 =	smul.u32 $0xF7A, s1;
	s8 =	simm.s32 @!p0 $0x1BF5;
	p2 =	por !p2, p0  }
0x20: {  	[sflag:s8] =	ssyncset.s32 @!p0 $0xFFFFF086;
	s6 =	sadd.s32 @!p0 s3, s7;
	s7 =	simm.s32 @!p0 $0x108  }
0x21: {  	s3 =	sadd.s32 s3, s9;
	s6 =	sadd.s32 @!p0 $0x88, s6;
	s7 =	simm.s32 @p2 $0x1082  }
0x22: {  	[simem:s7], [sflag:s8] =	dma.local @!p0 [hbm:s6], $0xF7A  }
0x23: {  	s9 =	sor.u32 $0xD0000000, s2;
	s6 =	simm.s32 $0x108;
	_ =	swait.ge @!p0 [sflag:s8], $0x0  }
0x24: {  	s3 =	sadd.s32 $0x88, s3;
	s6 =	simm.s32 @!p1 $0x1082;
	[sflag:s4] =	ssyncset.s32 $0xFFFFF086  }
0x25: {  	[simem:s6], [sflag:s4] =	dma.local [hbm:s3], $0xF7A  }
0x26: {  	[smem:$0x3F95] =	sst s1;
	(tag) =	ssettag s2;
	_ =	strace s9  }
0x27: {  	s1 =	sld [smem:$0x3FA5]  }
0x28: {  	s2 =	sld [smem:$0x3FA6]  }
0x29: {  	s4 =	sld [smem:$0x3FA8]  }
0x2a: {  	p0 =	seq.s32 s5, $0x0;
	s5 =	sld [smem:$0x3FA9]  }
0x2b: {  	s6 =	sld [smem:$0x3FAA]  }
0x2c: {  	s7 =	sld [smem:$0x3FAB]  }
0x2d: {  	s3 =	simm.s32 $0x108;
	s8 =	sld [smem:$0x3FAC]  }
0x2e: {  	s3 =	simm.s32 @!p0 $0x1082;
	s9 =	sld [smem:$0x3FAD]  }
0x2f: {  	lr =	sadd.s32 s0, s3;
	s0 =	sld [smem:$0x3FA4]  }
0x30: {  	s3 =	sld [smem:$0x3FA7]  }
0x31: {  	[smem:$0x3FB0] =	sst s10  }
0x32: {  	s10 =	sld [smem:$0x3FAE];
	_ =	sdelay $0x3  }
0x33: {  	p0 =	seq.s32 s10, $0x1;
	s10 =	sld [smem:$0x3FB0];
	_ =	sdelay $0x3  }
0x34: {  	[smem:$0x3FB0] =	sst s10  }
0x35: {  	s10 =	sld [smem:$0x3FAF];
	_ =	sdelay $0x3  }
0x36: {  	p1 =	seq.s32 s10, $0x1;
	s10 =	sld [smem:$0x3FB0];
	_ =	sdelay $0x3  }
0x37: {  	[smem:$0x3FB0] =	sst s10  }
0x38: {  	s10 =	sld [smem:$0x3FB1]  }
0x39: {  	_ = 	snop;
	(pc) =	sbr.ind lr, $3  }
0x3a: {  	_ = 	snop  }
0x3b: {  	_ = 	snop  }
0x3c: {  	p2 =	seq.s32 s10, $0x1;
	s10 =	sld [smem:$0x3FB0]  }
0x3d: {  	_ =	shalt  }
0x3e: {  	_ =	shalt  }
0x3f: {  	_ =	shalt  }
0x40: {  	_ =	shalt  }
0x41: {  	_ =	shalt  }
0x42: {  	_ =	shalt  }
0x43: {  	_ =	shalt  }
0x44: {  	_ =	shalt  }
0x45: {  	_ =	shalt  }
0x46: {  	_ =	shalt  }
0x47: {  	_ =	shalt  }
0x48: {  	_ =	shalt  }
0x49: {  	_ =	shalt  }
0x4a: {  	_ =	shalt  }
0x4b: {  	_ =	shalt  }
0x4c: {  	_ =	shalt  }
0x4d: {  	_ =	shalt  }
0x4e: {  	_ =	shalt  }
0x4f: {  	_ =	shalt  }
0x50: {  	_ =	shalt  }
0x51: {  	_ =	shalt  }
0x52: {  	_ =	shalt  }
0x53: {  	_ =	shalt  }
0x54: {  	_ =	shalt  }
0x55: {  	_ =	shalt  }
0x56: {  	_ =	shalt  }
0x57: {  	_ =	shalt  }
0x58: {  	_ =	shalt  }
0x59: {  	_ =	shalt  }
0x5a: {  	_ =	shalt  }
0x5b: {  	_ =	shalt  }
0x5c: {  	_ =	shalt  }
0x5d: {  	_ =	shalt  }
0x5e: {  	_ =	shalt  }
0x5f: {  	_ =	shalt  }
0x60: {  	_ =	shalt  }
0x61: {  	_ =	shalt  }
0x62: {  	_ =	shalt  }
0x63: {  	_ =	shalt  }
0x64: {  	_ =	shalt  }
0x65: {  	_ =	shalt  }
0x66: {  	_ =	shalt  }
0x67: {  	_ =	shalt  }
0x68: {  	_ =	shalt  }
0x69: {  	_ =	shalt  }
0x6a: {  	_ =	shalt  }
0x6b: {  	_ =	shalt  }
0x6c: {  	_ =	shalt  }
0x6d: {  	_ =	shalt  }
0x6e: {  	_ =	shalt  }
0x6f: {  	_ =	shalt  }
0x70: {  	_ =	shalt  }
0x71: {  	_ =	shalt  }
0x72: {  	_ =	shalt  }
0x73: {  	_ =	shalt  }
0x74: {  	_ =	shalt  }
0x75: {  	_ =	shalt  }
0x76: {  	_ =	shalt  }
0x77: {  	_ =	shalt  }
0x78: {  	_ =	shalt  }
0x79: {  	_ =	shalt  }
0x7a: {  	_ =	shalt  }
0x7b: {  	_ =	shalt  }
0x7c: {  	_ =	shalt  }
0x7d: {  	_ =	shalt  }
0x7e: {  	_ =	shalt  }
0x7f: {  	_ =	shalt  }
0x80: {  	_ =	shalt  }
0x81: {  	_ =	shalt  }
0x82: {  	_ =	shalt  }
0x83: {  	_ =	shalt  }
0x84: {  	_ =	shalt  }
0x85: {  	_ =	shalt  }
0x86: {  	_ =	shalt  }
0x87: {  	_ =	shalt  }
.Lfunc_end0:
.L_simem_size_0:
called_computation_lowered:
.L_overlay_start_0:
0x88: {  	s2 =	sld [smem:$0x3FD9]  }
0x89: {  	s3 =	sld [smem:$0x3FFE];
	_ =	sdelay $0x1  }
0x8a: {  	s1 =	srdreg.scid  }
0x8b: {  	s0 =	sand.u32 $0x1, s1  }
0x8c: {  	s17 =	sshll.u32 s0, $0xA;
	s2 =	sadd.s32 s3, s2  }
0x8d: {  	s2 =	sadd.s32 s2, s17  }
0x8e: {  	[smem:$0x3FBC] =	sst s2  }
0x8f: {  	_ = 	snop  }
0x90: {  	s2 =	sld [smem:$0x3FC8]  }
0x91: {  	s18 =	sld [smem:$0x3FC7]  }
0x92: {  	s4 =	sld [smem:$0x3FD0];
	(tm) =	ssettm $0x1  }
0x93: {  	s5 =	sld [smem:$0x3FFB];
	_ =	sdelay $0x3  }
0x94: {  	_ =	strace s5  }
0x95: {  	s5 =	sld [smem:$0x3FFC];
	_ =	sdelay $0x3  }
0x96: {  	_ =	strace s5  }
0x97: {  	s5 =	sld [smem:$0x3FFD];
	_ =	sdelay $0x3  }
0x98: {  	_ =	strace s5  }
0x99: {  	_ =	strace $0x8FFFFFFF  }
0x9a: {  	s19 =	sld [smem:$0x3FDB];
	_ =	sdelay $0x1  }
0x9b: {  	s6 =	simm.s32 $_scs_section_size  }
0x9c: {  	s7 =	simm.s32 $_size__tile_overlayer_lowered;
	s8 =	simm.s32 $_tile_overlayer_lowered  }
0x9d: {  	s22 =	simm.s32 $0x1BFF;
	s21 =	sshll.u32 s8, $0x1;
	s5 =	sadd.s32 s6, s19  }
0x9e: {  	s9 =	simm.s32 $0x0;
	s20 =	sshll.u32 s7, $0x1;
	s7 =	sadd.s32 s21, s5  }
0x9f: {  	[timem:s9], [sflag:s22] =	dma.local [hbm:s7], s20  }
0xa0: {  	_ =	swait.ge [sflag:s22], s20  }
0xa1: {  	s6 =	ssub.s32 $0x0, s20;
	[sflag:s22] =	ssyncset.done $0x0  }
0xa2: {  	[sflag:s22] =	ssyncadd.s32 s6;
	_ =	sdelay $0x1  }
0xa3: {  	s23 =	simm.s32 $0x1B8B  }
0xa4: {  	_ =	swait.ge [sflag:s23], $0x1  }
0xa5: {  	[sflag:s23] =	ssyncset.done $0x0  }
0xa6: {  	s25 =	simm.s32 $0x1B8E;
	s24 =	sld [smem:$0x3FFE];
	[sflag:s23] =	ssyncadd.s32 $0xFFFFFFFF  }
0xa7: {  	s26 =	simm.s32 $execute0_lowered;
	[smem:$0x3FD2] =	sst s25  }
0xa8: {  	s7 =	sshll.u32 s26, $0x1;
	_ =	strace $0x80000046;
	[dreg:$0x1] =	wrdreg $0xFFFFFFFF  }
0xa9: {  	s28 =	simm.s32 $_size_execute0_lowered;
	s5 =	sadd.s32 s5, s7;
	[dreg:$0x0] =	wrdreg $0x0  }
0xaa: {  	s7 =	sshll.u32 s28, $0x1;
	[dreg:$0x2] =	wrdreg s5  }
0xab: {  	[dreg:$0x3] =	wrdreg s7  }
0xac: {  	[dreg:$0x4] =	wrdreg $0xC0  }
0xad: {  	_ =	task [dreg:s9], $0x5FFFF  }
0xae: {  	[dreg:$0x1] =	wrdreg $0xFFFFFFFF  }
0xaf: {  	[dreg:$0x0] =	wrdreg $0x60  }
0xb0: {  	[dreg:$0x2] =	wrdreg s24  }
0xb1: {  	[dreg:$0x3] =	wrdreg s4  }
0xb2: {  	[dreg:$0x4] =	wrdreg s2  }
0xb3: {  	[dreg:$0x5] =	wrdreg s18  }
0xb4: {  	[dreg:$0x6] =	wrdreg $0xA2000  }
0xb5: {  	[dreg:$0x7] =	wrdreg $0x9  }
0xb6: {  	_ =	task.clear_ibuf [dreg:s9], $0x8FFFF;
	_ =	strace $0x90000046  }
0xb7: {  	s29 =	simm.s32 $0x9;
	_ =	strace $0x80000048  }
0xb8: {  	_ =	swait.ge [sflag:s29], $0x1  }
0xb9: {  	[sflag:s29] =	ssyncadd.s32 $0xFFFFFFFF  }
0xba: {  	_ =	strace $0x90000048  }
0xbb: {  	_ =	sfence  }
0xbc: {  	s30 =	sld [smem:$0x0];
	_ =	sdelay $0x2  }
0xbd: {  	s31 =	sshll.u32 s1, $0xD;
	s1 =	sshrl.u32 s1, $0x2  }
0xbe: {  	s3 =	sand.u32 $0x4000, s31;
	s1 =	sadd.s32 s1, s30  }
0xbf: {  	s0 =	sor.u32 s3, s0;
	s1 =	sshll.u32 s1, $0x11  }
0xc0: {  	s0 =	sor.u32 s1, s0  }
0xc1: {  	s0 =	sadd.s32 $0x8F2B, s0  }
0xc2: {  	[sflag:s0] =	ssyncadd.remote.s32 $0x1  }
0xc3: {  	_ =	sfence.sel $0xFFFF  }
0xc4: {  	[dreg:$0x0] =	wrdreg $0xFFFFFFFF;
	(pc) =	sbr.abs _section_cstart, $3  }
0xc5: {  	[dreg:$0x1] =	wrdreg $0xFFFFFFFF  }
0xc6: {  	_ =	task.clear_ibuf [dreg:s9], $0x2FFFF;
	_ =	strace $0x9FFFFFFF  }
0xc7: {  	(tm) =	ssettm $0x7FFFFFFF  }
tec
execute0_lowered:
.L_overlay_start_1:
0x0: {  	(tag) =	ssettag $0x1  }
0x1: {  	s0 =	rddreg [dreg:$0x0]  }
0x2: {  	s1 =	rddreg [dreg:$0x1]  }
0x3: {  	s2 =	srdreg.scid;
	s20 =	stileid.u32  }
0x4: {  	s4 =	rddreg [dreg:$0x3];
	s3 =	simm.s32 $0x0;
	s8 =	smul.u32 $0x14000, s20  }
0x5: {  	s5 =	sand.u32 $0x1, s2;
	[smem:$0x7FF] =	sst s3;
	s28 =	smul.u32 $0x4E200, s20  }
0x6: {  	s7 =	sshll.u32 s20, $0x1;
	s2 =	ssub.s32 $0x2, s5;
	s11 =	smul.u32 $0x140000, s5  }
0x7: {  	s9 =	sadd.s32 $0xA400, s0;
	s31 =	smul.u32 $0x27100, s5;
	s6 =	sshrl.u32 s2, $0x1  }
0x8: {  	s10 =	sadd.s32 $0x5000, s8;
	s12 =	sadd.s32 $0x7800, s8;
	s15 =	sadd.s32 $0xA000, s8  }
0x9: {  	s16 =	sadd.s32 $0xC800, s8;
	s17 =	sadd.s32 $0xF000, s8;
	s2 =	ssub.s32 s2, s6  }
0xa: {  	s6 =	sor.u32 s5, s7;
	s7 =	sor.u32 $0x2800, s8;
	s14 =	sadd.s32 s8, s11  }
0xb: {  	s8 =	sadd.s32 $0x11800, s8;
	s22 =	sadd.s32 s11, s10;
	s18 =	sadd.s32 s11, s12  }
0xc: {  	s25 =	sadd.s32 s11, s15;
	s26 =	sadd.s32 s11, s16;
	s30 =	sadd.s32 s11, s17  }
0xd: {  	s5 =	smul.u32 $0x2710, s5;
	s19 =	sshrl.u32 s14, $0x3;
	s14 =	sshrl.u32 s22, $0x3  }
0xe: {  	s13 =	smul.u32 $0x27100, s6;
	s21 =	sadd.s32 s11, s7;
	s23 =	sadd.s32 s9, s14  }
0xf: {  	s24 =	sshrl.u32 s18, $0x3;
	s14 =	sshrl.u32 s26, $0x3;
	[dreg:$0xa] =	wrdreg s23  }
0x10: {  	s13 =	sadd.s32 s4, s13;
	s29 =	sadd.s32 s9, s14;
	s14 =	rddreg [dreg:$0x4]  }
0x11: {  	s11 =	sadd.s32 s11, s8;
	[dreg:$0x7] =	wrdreg s13;
	s13 =	sadd.s32 s9, s19  }
0x12: {  	s2 =	smax.u32 s2, $0x1;
	[dreg:$0x8] =	wrdreg s13;
	s13 =	sshrl.u32 s21, $0x3  }
0x13: {  	s11 =	sshrl.u32 s11, $0x3;
	[dreg:$0xd] =	wrdreg s29;
	s13 =	sadd.s32 s9, s13  }
0x14: {  	s4 =	sadd.s32 s28, s4;
	[dreg:$0x9] =	wrdreg s13;
	s13 =	sadd.s32 s9, s24  }
0x15: {  	s19 =	smul.u32 $0x50000, s20;
	[dreg:$0xb] =	wrdreg s13;
	s13 =	sshrl.u32 s25, $0x3  }
0x16: {  	s20 =	smul.u32 $0x4E20, s20;
	s4 =	sadd.s32 s31, s4;
	s13 =	sadd.s32 s9, s13  }
0x17: {  	s22 =	sadd.s32 s15, s14;
	[dreg:$0xc] =	wrdreg s13;
	s13 =	sshrl.u32 s30, $0x3  }
0x18: {  	s23 =	sadd.s32 s16, s14;
	s17 =	sadd.s32 s17, s14;
	s13 =	sadd.s32 s9, s13  }
0x19: {  	s31 =	sadd.s32 $0x9E00, s0;
	s25 =	smul.u32 $0x2710, s6;
	[dreg:$0xe] =	wrdreg s13  }
0x1a: {  	s15 =	simm.s32 $0x2A00;
	s9 =	sadd.s32 s9, s11;
	s13 =	rddreg [dreg:$0x2]  }
0x1b: {  	s11 =	sadd.s32 s5, s20;
	s5 =	sshrl.u32 s25, $0x3;
	[dreg:$0xf] =	wrdreg s9  }
0x1c: {  	s26 =	sadd.s32 s0, s5;
	_ =	strace $0x80000047;
	[dreg:$0x6] =	wrdreg s4  }
0x1d: {  	s21 =	sadd.s32 s12, s14;
	s5 =	sadd.s32 s1, s5;
	[dreg:$0x15] =	wrdreg s26  }
0x1e: {  	s12 =	simm.s32 $0x200;
	s24 =	sshrl.u32 s19, $0x2;
	[dreg:$0x16] =	wrdreg s5  }
0x1f: {  	s19 =	sadd.s32 s7, s14;
	s7 =	simm.s32 $0x50;
	[dreg:$0x17] =	wrdreg s2  }
0x20: {  	s18 =	sadd.s32 s24, s14;
	s6 =	simm.s32 $0x1;
	[dreg:$0x1b] =	wrdreg s31  }
0x21: {  	s24 =	simm.s32 $0x3;
	s20 =	sadd.s32 s10, s14;
	[dreg:$0x10] =	wrdreg s21  }
0x22: {  	s25 =	sadd.s32 s8, s14;
	s8 =	simm.s32 $0x80;
	[dreg:$0x11] =	wrdreg s22  }
0x23: {  	s10 =	simm.s32 $0x7A00;
	s28 =	sadd.s32 $0x50, s11;
	[dreg:$0x12] =	wrdreg s23  }
0x24: {  	s9 =	simm.s32 $0x180;
	s29 =	sshrl.u32 s28, $0x3;
	[dreg:$0x13] =	wrdreg s17  }
0x25: {  	s4 =	sadd.s32 $0xA0, s11;
	s5 =	simm.s32 $0x5200;
	[dreg:$0x14] =	wrdreg s25  }
0x26: {  	s11 =	simm.s32 $0x2;
	[dreg:$0x18] =	wrdreg s4;
	s30 =	sadd.s32 s29, s1  }
0x27: {  	s26 =	simm.s32 $0x0;
	s2 =	sadd.s32 s29, s0;
	[dreg:$0x19] =	wrdreg s30  }
0x28: {  	s4 =	simm.s32 $0x100;
	[dreg:$0x1a] =	wrdreg s2;
	s2 =	simm.s32 $0x5  }
.LBB2_1:
0x29: {  	s16 =	rddreg [dreg:$0x1b]  }
0x2a: {  	[tilespmem:s12], [sflag:$0x5] =	stream.linear.gather [hbm4b:s16+s3], $0x2800, $0x38;
	[tilespmem:$0x1E200] =	vst v63  }
0x2b: {  	_ =	swait.ge [sflag:s2], $0x2800  }
0x2c: {  	[sflag:s2] =	ssyncset.done $0x0  }
0x2d: {  	[sflag:s2] =	ssyncadd.s32 $0xFFFFD800  }
0x2e: {  	[spmem:s18] =	stream.linear.scatter [tilespmem:s12], [sflag:$0x5], $0x2800, $0x38;
	[tilespmem:$0x1E200] =	vst v63  }
0x2f: {  	_ =	swait.ge [sflag:s2], $0x2800  }
0x30: {  	[sflag:s2] =	ssyncset.done $0x0  }
0x31: {  	[sflag:s2] =	ssyncadd.s32 $0xFFFFD800  }
0x32: {  	[spmem:s19] =	stream.linear.scatter [tilespmem:s12], [sflag:$0x5], $0x2800, $0x38;
	[tilespmem:$0x1E200] =	vst v63  }
0x33: {  	_ =	swait.ge [sflag:s2], $0x2800  }
0x34: {  	[sflag:s2] =	ssyncset.done $0x0  }
0x35: {  	[sflag:s2] =	ssyncadd.s32 $0xFFFFD800  }
0x36: {  	[spmem:s20] =	stream.linear.scatter [tilespmem:s12], [sflag:$0x5], $0x2800, $0x38;
	[tilespmem:$0x1E200] =	vst v63  }
0x37: {  	_ =	swait.ge [sflag:s2], $0x2800  }
0x38: {  	[sflag:s2] =	ssyncset.done $0x0  }
0x39: {  	[sflag:s2] =	ssyncadd.s32 $0xFFFFD800  }
0x3a: {  	[spmem:s21] =	stream.linear.scatter [tilespmem:s12], [sflag:$0x5], $0x2800, $0x38;
	[tilespmem:$0x1E200] =	vst v63  }
0x3b: {  	_ =	swait.ge [sflag:s2], $0x2800  }
0x3c: {  	[sflag:s2] =	ssyncset.done $0x0  }
0x3d: {  	[sflag:s2] =	ssyncadd.s32 $0xFFFFD800  }
0x3e: {  	[spmem:s22] =	stream.linear.scatter [tilespmem:s12], [sflag:$0x5], $0x2800, $0x38;
	[tilespmem:$0x1E200] =	vst v63  }
0x3f: {  	_ =	swait.ge [sflag:s2], $0x2800  }
0x40: {  	[sflag:s2] =	ssyncset.done $0x0  }
0x41: {  	[sflag:s2] =	ssyncadd.s32 $0xFFFFD800  }
0x42: {  	[spmem:s23] =	stream.linear.scatter [tilespmem:s12], [sflag:$0x5], $0x2800, $0x38;
	[tilespmem:$0x1E200] =	vst v63  }
0x43: {  	_ =	swait.ge [sflag:s2], $0x2800  }
0x44: {  	[sflag:s2] =	ssyncset.done $0x0  }
0x45: {  	[sflag:s2] =	ssyncadd.s32 $0xFFFFD800  }
0x46: {  	[spmem:s17] =	stream.linear.scatter [tilespmem:s12], [sflag:$0x5], $0x2800, $0x38;
	[tilespmem:$0x1E200] =	vst v63  }
0x47: {  	_ =	swait.ge [sflag:s2], $0x2800  }
0x48: {  	[sflag:s2] =	ssyncset.done $0x0  }
0x49: {  	[sflag:s2] =	ssyncadd.s32 $0xFFFFD800  }
0x4a: {  	[spmem:s25] =	stream.linear.scatter [tilespmem:s12], [sflag:$0x5], $0x2800, $0x38;
	[tilespmem:$0x1E200] =	vst v63  }
0x4b: {  	_ =	swait.ge [sflag:s2], $0x2800  }
0x4c: {  	[sflag:s2] =	ssyncset.done $0x0  }
0x4d: {  	[sflag:s2] =	ssyncadd.s32 $0xFFFFD800  }
0x4e: {  	[bflag:$0x0] =	sbarrier.arrive $0xFFFF  }
0x4f: {  	s23 =	rddreg [dreg:$0x15]  }
0x50: {  	[tilespmem:s3], [sflag:$0x1] =	stream.linear.gather [hbm4b:s23+s3], $0x50, $0x38;
	[tilespmem:$0x1E200] =	vst v63  }
0x51: {  	s25 =	rddreg [dreg:$0x16]  }
0x52: {  	[tilespmem:s4], [sflag:$0x1] =	stream.linear.gather [hbm4b:s25+s3], $0x50, $0x38;
	[tilespmem:$0x1E200] =	vst v63  }
0x53: {  	s17 =	rddreg [dreg:$0x7]  }
0x54: {  	[tilespmem:s5], [sflag:$0x1] =	stream.linear.gather [hbm4b:s17+s3], $0x2800, $0x38;
	[tilespmem:$0x1E200] =	vst v63  }
0x55: {  	_ =	swait.ge [sflag:s6], $0x50  }
0x56: {  	[sflag:s6] =	ssyncset.done $0x0  }
0x57: {  	[sflag:s6] =	ssyncadd.s32 $0xFFFFFFB0  }
0x58: {  	_ =	swait.ge [sflag:s6], $0x50  }
0x59: {  	[sflag:s6] =	ssyncset.done $0x0  }
0x5a: {  	[sflag:s6] =	ssyncadd.s32 $0xFFFFFFB0  }
0x5b: {  	_ =	swait.ge [sflag:s6], $0x2800  }
0x5c: {  	s28 =	smov.u32 s18;
	p0 =	por $0x1, $0x1;
	[sflag:s6] =	ssyncset.done $0x0  }
0x5d: {  	s29 =	smov.u32 s19;
	s16 =	simm.s32 @!p0 $0x180;
	[sflag:s6] =	ssyncadd.s32 $0xFFFFD800  }
0x5e: {  	[tilespmem:s12], [sflag:$0x3] =	stream.indirect.gather [hbm4b:s13+s7], $0x80, s3, s7, $0xb8;
	[tilespmem:$0x1E200] =	vst v63  }
0x5f: {  	s18 =	simm.s32 @!p0 $0x50;
	s19 =	simm.s32 @!p0 $0x5;
	s17 =	simm.s32 @!p0 $0x7A00  }
0x60: {  	[spmem:s14] =	stream.indirect.scatter.add.f32 @!p0 [tilespmem:s17], [sflag:$0x5], $0x80, s16, s18, $0xb8;
	[tilespmem:$0x1E200] =	vst v63  }
0x61: {  	_ =	swait.ge @!p0 [sflag:s19], $0x2800  }
0x62: {  	[sflag:s19] =	ssyncset.done @!p0 $0x0  }
0x63: {  	s17 =	simm.s32 @!p0 $0x4;
	[sflag:s19] =	ssyncadd.s32 @!p0 $0xFFFFD800  }
0x64: {  	_ =	swait.ge @!p0 [sflag:s17], $0x2800  }
0x65: {  	[sflag:s17] =	ssyncset.done @!p0 $0x0  }
0x66: {  	s25 =	simm.s32 @!p0 $0x2A00;
	[sflag:s17] =	ssyncadd.s32 @!p0 $0xFFFFD800  }
0x67: {  	[spmem:s14] =	stream.indirect.scatter.add.f32 @!p0 [tilespmem:s25], [sflag:$0x5], $0x80, s16, s18, $0xb8;
	[tilespmem:$0x1E200] =	vst v63  }
0x68: {  	_ =	swait.ge @!p0 [sflag:s19], $0x2800  }
0x69: {  	[sflag:s19] =	ssyncset.done @!p0 $0x0;
	s18 =	rddreg [dreg:$0x6]  }
0x6a: {  	s22 =	rddreg [dreg:$0x1a];
	[sflag:s19] =	ssyncadd.s32 @!p0 $0xFFFFD800  }
0x6b: {  	[tilespmem:s8], [sflag:$0x2] =	stream.linear.gather [hbm4b:s22+s3], $0x50, $0x38;
	[tilespmem:$0x1E200] =	vst v63  }
0x6c: {  	s21 =	rddreg [dreg:$0x19];
	s16 =	sadd.s32 $0x0, s18  }
0x6d: {  	[tilespmem:s9], [sflag:$0x2] =	stream.linear.gather [hbm4b:s21+s3], $0x50, $0x38;
	[tilespmem:$0x1E200] =	vst v63  }
0x6e: {  	s30 =	smov.u32 s20;
	s20 =	sadd.s32 $0x500, s16  }
0x6f: {  	[tilespmem:s10], [sflag:$0x2] =	stream.linear.gather [hbm4b:s20+s3], $0x2800, $0x38;
	[tilespmem:$0x1E200] =	vst v63  }
0x70: {  	_ =	swait.ge [sflag:s11], $0x50  }
0x71: {  	[sflag:s11] =	ssyncset.done $0x0  }
0x72: {  	[sflag:s11] =	ssyncadd.s32 $0xFFFFFFB0  }
0x73: {  	_ =	swait.ge [sflag:s11], $0x50  }
0x74: {  	[sflag:s11] =	ssyncset.done $0x0  }
0x75: {  	[sflag:s11] =	ssyncadd.s32 $0xFFFFFFB0  }
0x76: {  	_ =	swait.ge [sflag:s11], $0x2800  }
0x77: {  	[sflag:s11] =	ssyncset.done $0x0  }
0x78: {  	[sflag:s11] =	ssyncadd.s32 $0xFFFFD800  }
0x79: {  	[tilespmem:s15], [sflag:$0x4] =	stream.indirect.gather [hbm4b:s13+s7], $0x80, s8, s7, $0xb8;
	[tilespmem:$0x1E200] =	vst v63  }
0x7a: {  	_ = 	snop  }
0x7b: {  	[spmem:s14] =	stream.indirect.scatter.add.f32 [tilespmem:s5], [sflag:$0x5], $0x80, s4, s7, $0xb8;
	[tilespmem:$0x1E200] =	vst v63  }
0x7c: {  	_ =	swait.ge [sflag:s2], $0x2800  }
0x7d: {  	[sflag:s2] =	ssyncset.done $0x0  }
0x7e: {  	[sflag:s2] =	ssyncadd.s32 $0xFFFFD800  }
0x7f: {  	_ =	swait.ge [sflag:s24], $0x2800  }
0x80: {  	[sflag:s24] =	ssyncset.done $0x0  }
0x81: {  	[sflag:s24] =	ssyncadd.s32 $0xFFFFD800  }
0x82: {  	[spmem:s14] =	stream.indirect.scatter.add.f32 [tilespmem:s12], [sflag:$0x5], $0x80, s4, s7, $0xb8;
	[tilespmem:$0x1E200] =	vst v63  }
0x83: {  	_ =	swait.ge [sflag:s2], $0x2800  }
0x84: {  	s31 =	simm.s32 $0xA00;
	s20 =	rddreg [dreg:$0x18]  }
0x85: {  	s17 =	sadd.s32 $0x14, s22;
	[sflag:s2] =	ssyncset.done $0x0;
	s23 =	sshrl.u32 s20, $0x3  }
0x86: {  	s18 =	sadd.s32 $0xA00, s16;
	[sflag:s2] =	ssyncadd.s32 $0xFFFFD800;
	s25 =	sadd.s32 s0, s23  }
0x87: {  	[tilespmem:s3], [sflag:$0x1] =	stream.linear.gather [hbm4b:s25+s3], $0x50, $0x38;
	[tilespmem:$0x1E200] =	vst v63  }
0x88: {  	s16 =	sadd.s32 $0x14, s21;
	s19 =	sadd.s32 s1, s23;
	s25 =	sadd.s32 $0xA0, s20  }
.LBB2_2:
0x89: {  	[tilespmem:s4], [sflag:$0x1] =	stream.linear.gather [hbm4b:s19+s3], $0x50, $0x38;
	[tilespmem:$0x1E200] =	vst v63  }
0x8a: {  	_ = 	snop  }
0x8b: {  	[tilespmem:s5], [sflag:$0x1] =	stream.linear.gather [hbm4b:s18+s3], $0x2800, $0x38;
	[tilespmem:$0x1E200] =	vst v63  }
0x8c: {  	_ =	swait.ge [sflag:s6], $0x50  }
0x8d: {  	[sflag:s6] =	ssyncset.done $0x0  }
0x8e: {  	[sflag:s6] =	ssyncadd.s32 $0xFFFFFFB0  }
0x8f: {  	_ =	swait.ge [sflag:s6], $0x50  }
0x90: {  	[sflag:s6] =	ssyncset.done $0x0  }
0x91: {  	[sflag:s6] =	ssyncadd.s32 $0xFFFFFFB0  }
0x92: {  	s19 =	smov.u32 s31;
	_ =	swait.ge [sflag:s6], $0x2800  }
0x93: {  	p1 =	seq.s32 s19, $0x0;
	[sflag:s6] =	ssyncset.done $0x0  }
0x94: {  	s18 =	simm.s32 @!p1 $0x180;
	[sflag:s6] =	ssyncadd.s32 $0xFFFFD800  }
0x95: {  	[tilespmem:s12], [sflag:$0x3] =	stream.indirect.gather [hbm4b:s13+s7], $0x80, s3, s7, $0xb8;
	[tilespmem:$0x1E200] =	vst v63  }
0x96: {  	s20 =	simm.s32 @!p1 $0x7A00;
	s21 =	simm.s32 @!p1 $0x50;
	s22 =	simm.s32 @!p1 $0x5  }
0x97: {  	[spmem:s14] =	stream.indirect.scatter.add.f32 @!p1 [tilespmem:s20], [sflag:$0x5], $0x80, s18, s21, $0xb8;
	[tilespmem:$0x1E200] =	vst v63  }
0x98: {  	_ =	swait.ge @!p1 [sflag:s22], $0x2800  }
0x99: {  	[sflag:s22] =	ssyncset.done @!p1 $0x0  }
0x9a: {  	s20 =	simm.s32 @!p1 $0x4;
	[sflag:s22] =	ssyncadd.s32 @!p1 $0xFFFFD800  }
0x9b: {  	_ =	swait.ge @!p1 [sflag:s20], $0x2800  }
0x9c: {  	[sflag:s20] =	ssyncset.done @!p1 $0x0  }
0x9d: {  	s23 =	simm.s32 @!p1 $0x2A00;
	[sflag:s20] =	ssyncadd.s32 @!p1 $0xFFFFD800  }
0x9e: {  	[spmem:s14] =	stream.indirect.scatter.add.f32 @!p1 [tilespmem:s23], [sflag:$0x5], $0x80, s18, s21, $0xb8;
	[tilespmem:$0x1E200] =	vst v63  }
0x9f: {  	_ =	swait.ge @!p1 [sflag:s22], $0x2800  }
0xa0: {  	[sflag:s22] =	ssyncset.done @!p1 $0x0  }
0xa1: {  	s21 =	rddreg [dreg:$0x6];
	[sflag:s22] =	ssyncadd.s32 @!p1 $0xFFFFD800  }
0xa2: {  	[tilespmem:s8], [sflag:$0x2] =	stream.linear.gather [hbm4b:s17+s3], $0x50, $0x38;
	[tilespmem:$0x1E200] =	vst v63  }
0xa3: {  	s18 =	sadd.s32 s19, s21  }
0xa4: {  	[tilespmem:s9], [sflag:$0x2] =	stream.linear.gather [hbm4b:s16+s3], $0x50, $0x38;
	[tilespmem:$0x1E200] =	vst v63  }
0xa5: {  	s19 =	sadd.s32 $0x500, s18  }
0xa6: {  	[tilespmem:s10], [sflag:$0x2] =	stream.linear.gather [hbm4b:s19+s3], $0x2800, $0x38;
	[tilespmem:$0x1E200] =	vst v63  }
0xa7: {  	_ =	swait.ge [sflag:s11], $0x50  }
0xa8: {  	[sflag:s11] =	ssyncset.done $0x0  }
0xa9: {  	[sflag:s11] =	ssyncadd.s32 $0xFFFFFFB0  }
0xaa: {  	_ =	swait.ge [sflag:s11], $0x50  }
0xab: {  	[sflag:s11] =	ssyncset.done $0x0  }
0xac: {  	[sflag:s11] =	ssyncadd.s32 $0xFFFFFFB0  }
0xad: {  	_ =	swait.ge [sflag:s11], $0x2800  }
0xae: {  	[sflag:s11] =	ssyncset.done $0x0  }
0xaf: {  	[sflag:s11] =	ssyncadd.s32 $0xFFFFD800  }
0xb0: {  	[tilespmem:s15], [sflag:$0x4] =	stream.indirect.gather [hbm4b:s13+s7], $0x80, s8, s7, $0xb8;
	[tilespmem:$0x1E200] =	vst v63  }
0xb1: {  	_ = 	snop  }
0xb2: {  	[spmem:s14] =	stream.indirect.scatter.add.f32 [tilespmem:s5], [sflag:$0x5], $0x80, s4, s7, $0xb8;
	[tilespmem:$0x1E200] =	vst v63  }
0xb3: {  	_ =	swait.ge [sflag:s2], $0x2800  }
0xb4: {  	[sflag:s2] =	ssyncset.done $0x0  }
0xb5: {  	[sflag:s2] =	ssyncadd.s32 $0xFFFFD800  }
0xb6: {  	_ =	swait.ge [sflag:s24], $0x2800  }
0xb7: {  	s31 =	sadd.s32 $0xA00, s31;
	[sflag:s24] =	ssyncset.done $0x0  }
0xb8: {  	p0 =	sne.s32 s31, $0x26C00;
	[sflag:s24] =	ssyncadd.s32 $0xFFFFD800  }
0xb9: {  	[spmem:s14] =	stream.indirect.scatter.add.f32 [tilespmem:s12], [sflag:$0x5], $0x80, s4, s7, $0xb8;
	[tilespmem:$0x1E200] =	vst v63  }
.Ltmp0:
0xba: {  	s22 =	sshrl.u32 s25, $0x3;
	(pc) =	sbr.rel @p0 .LBB2_2-.Ltmp0, $4  }
0xbb: {  	s25 =	sadd.s32 $0xA0, s25;
	s18 =	sadd.s32 $0xA00, s18;
	_ =	swait.ge [sflag:s2], $0x2800  }
0xbc: {  	s23 =	sadd.s32 s0, s22;
	s17 =	sadd.s32 $0x14, s17;
	[sflag:s2] =	ssyncset.done $0x0  }
0xbd: {  	s16 =	sadd.s32 $0x14, s16;
	s19 =	sadd.s32 s1, s22;
	[sflag:s2] =	ssyncadd.s32 $0xFFFFD800  }
0xbe: {  	[tilespmem:s3], [sflag:$0x1] =	stream.linear.gather [hbm4b:s23+s3], $0x50, $0x38;
	[tilespmem:$0x1E200] =	vst v63  }
0xbf: {  	[tilespmem:s4], [sflag:$0x1] =	stream.linear.gather [hbm4b:s19+s3], $0x50, $0x38;
	[tilespmem:$0x1E200] =	vst v63  }
0xc0: {  	_ = 	snop  }
0xc1: {  	[tilespmem:s5], [sflag:$0x1] =	stream.linear.gather [hbm4b:s18+s3], $0x2800, $0x38;
	[tilespmem:$0x1E200] =	vst v63  }
0xc2: {  	_ =	swait.ge [sflag:s6], $0x50  }
0xc3: {  	[sflag:s6] =	ssyncset.done $0x0  }
0xc4: {  	[sflag:s6] =	ssyncadd.s32 $0xFFFFFFB0  }
0xc5: {  	_ =	swait.ge [sflag:s6], $0x50  }
0xc6: {  	[sflag:s6] =	ssyncset.done $0x0  }
0xc7: {  	[sflag:s6] =	ssyncadd.s32 $0xFFFFFFB0  }
0xc8: {  	_ =	swait.ge [sflag:s6], $0x2800  }
0xc9: {  	[sflag:s6] =	ssyncset.done $0x0  }
0xca: {  	[sflag:s6] =	ssyncadd.s32 $0xFFFFD800  }
0xcb: {  	[tilespmem:s12], [sflag:$0x3] =	stream.indirect.gather [hbm4b:s13+s7], $0x80, s3, s7, $0xb8;
	[tilespmem:$0x1E200] =	vst v63  }
0xcc: {  	_ = 	snop  }
0xcd: {  	[spmem:s14] =	stream.indirect.scatter.add.f32 [tilespmem:s10], [sflag:$0x5], $0x80, s9, s7, $0xb8;
	[tilespmem:$0x1E200] =	vst v63  }
0xce: {  	_ =	swait.ge [sflag:s2], $0x2800  }
0xcf: {  	[sflag:s2] =	ssyncset.done $0x0  }
0xd0: {  	s16 =	simm.s32 $0x4;
	[sflag:s2] =	ssyncadd.s32 $0xFFFFD800  }
0xd1: {  	_ =	swait.ge [sflag:s16], $0x2800  }
0xd2: {  	[sflag:s16] =	ssyncset.done $0x0  }
0xd3: {  	[sflag:s16] =	ssyncadd.s32 $0xFFFFD800  }
0xd4: {  	[spmem:s14] =	stream.indirect.scatter.add.f32 [tilespmem:s15], [sflag:$0x5], $0x80, s9, s7, $0xb8;
	[tilespmem:$0x1E200] =	vst v63  }
0xd5: {  	_ =	swait.ge [sflag:s2], $0x2800  }
0xd6: {  	[sflag:s2] =	ssyncset.done $0x0  }
0xd7: {  	[sflag:s2] =	ssyncadd.s32 $0xFFFFD800  }
0xd8: {  	[spmem:s14] =	stream.indirect.scatter.add.f32 [tilespmem:s5], [sflag:$0x5], $0x80, s4, s7, $0xb8;
	[tilespmem:$0x1E200] =	vst v63  }
0xd9: {  	_ =	swait.ge [sflag:s2], $0x2800  }
0xda: {  	[sflag:s2] =	ssyncset.done $0x0  }
0xdb: {  	[sflag:s2] =	ssyncadd.s32 $0xFFFFD800  }
0xdc: {  	_ =	swait.ge [sflag:s24], $0x2800  }
0xdd: {  	[sflag:s24] =	ssyncset.done $0x0  }
0xde: {  	[sflag:s24] =	ssyncadd.s32 $0xFFFFD800  }
0xdf: {  	[spmem:s14] =	stream.indirect.scatter.add.f32 [tilespmem:s12], [sflag:$0x5], $0x80, s4, s7, $0xb8;
	[tilespmem:$0x1E200] =	vst v63  }
0xe0: {  	_ =	swait.ge [sflag:s2], $0x2800  }
0xe1: {  	[sflag:s2] =	ssyncset.done $0x0  }
0xe2: {  	[sflag:s2] =	ssyncadd.s32 $0xFFFFD800  }
0xe3: {  	[bflag:$0x0] =	sbarrier.arrive $0xFFFF  }
0xe4: {  	[tilespmem:s12], [sflag:$0x5] =	stream.linear.gather [spmem:s28], $0x2800, $0x38;
	[tilespmem:$0x1E200] =	vst v63  }
0xe5: {  	_ =	swait.ge [sflag:s2], $0x2800  }
0xe6: {  	[sflag:s2] =	ssyncset.done $0x0  }
0xe7: {  	s20 =	rddreg [dreg:$0x8];
	[sflag:s2] =	ssyncadd.s32 $0xFFFFD800  }
0xe8: {  	[hbm4b:s20+s3] =	stream.linear.scatter [tilespmem:s12], [sflag:$0x5], $0x2800, $0x38;
	[tilespmem:$0x1E200] =	vst v63  }
0xe9: {  	_ =	swait.ge [sflag:s2], $0x2800  }
0xea: {  	[sflag:s2] =	ssyncset.done $0x0  }
0xeb: {  	[sflag:s2] =	ssyncadd.s32 $0xFFFFD800  }
0xec: {  	[tilespmem:s12], [sflag:$0x5] =	stream.linear.gather [spmem:s29], $0x2800, $0x38;
	[tilespmem:$0x1E200] =	vst v63  }
0xed: {  	_ =	swait.ge [sflag:s2], $0x2800  }
0xee: {  	[sflag:s2] =	ssyncset.done $0x0  }
0xef: {  	s21 =	rddreg [dreg:$0x9];
	[sflag:s2] =	ssyncadd.s32 $0xFFFFD800  }
0xf0: {  	[hbm4b:s21+s3] =	stream.linear.scatter [tilespmem:s12], [sflag:$0x5], $0x2800, $0x38;
	[tilespmem:$0x1E200] =	vst v63  }
0xf1: {  	_ =	swait.ge [sflag:s2], $0x2800  }
0xf2: {  	[sflag:s2] =	ssyncset.done $0x0  }
0xf3: {  	[sflag:s2] =	ssyncadd.s32 $0xFFFFD800  }
0xf4: {  	[tilespmem:s12], [sflag:$0x5] =	stream.linear.gather [spmem:s30], $0x2800, $0x38;
	[tilespmem:$0x1E200] =	vst v63  }
0xf5: {  	_ =	swait.ge [sflag:s2], $0x2800  }
0xf6: {  	[sflag:s2] =	ssyncset.done $0x0  }
0xf7: {  	s22 =	rddreg [dreg:$0xa];
	[sflag:s2] =	ssyncadd.s32 $0xFFFFD800  }
0xf8: {  	[hbm4b:s22+s3] =	stream.linear.scatter [tilespmem:s12], [sflag:$0x5], $0x2800, $0x38;
	[tilespmem:$0x1E200] =	vst v63  }
0xf9: {  	_ =	swait.ge [sflag:s2], $0x2800  }
0xfa: {  	[sflag:s2] =	ssyncset.done $0x0  }
0xfb: {  	s21 =	rddreg [dreg:$0x10];
	[sflag:s2] =	ssyncadd.s32 $0xFFFFD800  }
0xfc: {  	[tilespmem:s12], [sflag:$0x5] =	stream.linear.gather [spmem:s21], $0x2800, $0x38;
	[tilespmem:$0x1E200] =	vst v63  }
0xfd: {  	_ =	swait.ge [sflag:s2], $0x2800  }
0xfe: {  	[sflag:s2] =	ssyncset.done $0x0  }
0xff: {  	s23 =	rddreg [dreg:$0xb];
	[sflag:s2] =	ssyncadd.s32 $0xFFFFD800  }
0x100: {  	[hbm4b:s23+s3] =	stream.linear.scatter [tilespmem:s12], [sflag:$0x5], $0x2800, $0x38;
	[tilespmem:$0x1E200] =	vst v63  }
0x101: {  	_ =	swait.ge [sflag:s2], $0x2800  }
0x102: {  	[sflag:s2] =	ssyncset.done $0x0  }
0x103: {  	s22 =	rddreg [dreg:$0x11];
	[sflag:s2] =	ssyncadd.s32 $0xFFFFD800  }
0x104: {  	[tilespmem:s12], [sflag:$0x5] =	stream.linear.gather [spmem:s22], $0x2800, $0x38;
	[tilespmem:$0x1E200] =	vst v63  }
0x105: {  	_ =	swait.ge [sflag:s2], $0x2800  }
0x106: {  	[sflag:s2] =	ssyncset.done $0x0  }
0x107: {  	s25 =	rddreg [dreg:$0xc];
	[sflag:s2] =	ssyncadd.s32 $0xFFFFD800  }
0x108: {  	[hbm4b:s25+s3] =	stream.linear.scatter [tilespmem:s12], [sflag:$0x5], $0x2800, $0x38;
	[tilespmem:$0x1E200] =	vst v63  }
0x109: {  	_ =	swait.ge [sflag:s2], $0x2800  }
0x10a: {  	[sflag:s2] =	ssyncset.done $0x0  }
0x10b: {  	s23 =	rddreg [dreg:$0x12];
	[sflag:s2] =	ssyncadd.s32 $0xFFFFD800  }
0x10c: {  	[tilespmem:s12], [sflag:$0x5] =	stream.linear.gather [spmem:s23], $0x2800, $0x38;
	[tilespmem:$0x1E200] =	vst v63  }
0x10d: {  	_ =	swait.ge [sflag:s2], $0x2800  }
0x10e: {  	[sflag:s2] =	ssyncset.done $0x0  }
0x10f: {  	s18 =	smov.u32 s28;
	s28 =	rddreg [dreg:$0xd];
	[sflag:s2] =	ssyncadd.s32 $0xFFFFD800  }
0x110: {  	[hbm4b:s28+s3] =	stream.linear.scatter [tilespmem:s12], [sflag:$0x5], $0x2800, $0x38;
	[tilespmem:$0x1E200] =	vst v63  }
0x111: {  	_ =	swait.ge [sflag:s2], $0x2800  }
0x112: {  	[sflag:s2] =	ssyncset.done $0x0  }
0x113: {  	s17 =	rddreg [dreg:$0x13];
	[sflag:s2] =	ssyncadd.s32 $0xFFFFD800  }
0x114: {  	[tilespmem:s12], [sflag:$0x5] =	stream.linear.gather [spmem:s17], $0x2800, $0x38;
	[tilespmem:$0x1E200] =	vst v63  }
0x115: {  	_ =	swait.ge [sflag:s2], $0x2800  }
0x116: {  	[sflag:s2] =	ssyncset.done $0x0  }
0x117: {  	s19 =	smov.u32 s29;
	s29 =	rddreg [dreg:$0xe];
	[sflag:s2] =	ssyncadd.s32 $0xFFFFD800  }
0x118: {  	[hbm4b:s29+s3] =	stream.linear.scatter [tilespmem:s12], [sflag:$0x5], $0x2800, $0x38;
	[tilespmem:$0x1E200] =	vst v63  }
0x119: {  	_ =	swait.ge [sflag:s2], $0x2800  }
0x11a: {  	[sflag:s2] =	ssyncset.done $0x0  }
0x11b: {  	s25 =	rddreg [dreg:$0x14];
	[sflag:s2] =	ssyncadd.s32 $0xFFFFD800  }
0x11c: {  	[tilespmem:s12], [sflag:$0x5] =	stream.linear.gather [spmem:s25], $0x2800, $0x38;
	[tilespmem:$0x1E200] =	vst v63  }
0x11d: {  	_ =	swait.ge [sflag:s2], $0x2800  }
0x11e: {  	[sflag:s2] =	ssyncset.done $0x0  }
0x11f: {  	s20 =	smov.u32 s30;
	s30 =	rddreg [dreg:$0xf];
	[sflag:s2] =	ssyncadd.s32 $0xFFFFD800  }
0x120: {  	[hbm4b:s30+s3] =	stream.linear.scatter [tilespmem:s12], [sflag:$0x5], $0x2800, $0x38;
	[tilespmem:$0x1E200] =	vst v63  }
0x121: {  	_ =	swait.ge [sflag:s2], $0x2800  }
0x122: {  	s26 =	sadd.s32 $0x1, s26;
	s31 =	rddreg [dreg:$0x17]  }
0x123: {  	p0 =	sne.s32 s26, s31  }
.Ltmp1:
0x124: {  	_ = 	snop;
	(pc) =	sbr.rel @p0 .LBB2_1-.Ltmp1, $3  }
0x125: {  	_ =	sdelay $0x1  }
0x126: {  	[sflag:s2] =	ssyncset.done $0x0  }
0x127: {  	[sflag:s2] =	ssyncadd.s32 $0xFFFFD800  }
0x128: {  	_ =	sfence.sel $0x180000  }
0x129: {  	[bflag:$0x0] =	sbarrier.arrive $0xFFFF  }
0x12a: {  	_ =	strace $0x90000047  }
0x12b: {  	s0 =	stileid.u32;
	[bflag:$0x2] =	sbarrier.arrive $0xFFFF  }
0x12c: {  	p0 =	sne.s32 s0, $0x0;
	s0 =	rddreg [dreg:$0x5]  }
0x12d: {  	s0 =	sadd.s32 @!p0 $0x100000, s0  }
0x12e: {  	[sflag:s0] =	ssyncadd.tile.s32 @!p0 $0x1;
	_ =	shalt  }
.Lfunc_end2:
_tile_overlayer_lowered:
.L_overlay_start_2:
0x12f: {  	(tag) =	ssettag $0x2  }
0x130: {  	s0 =	rddreg [dreg:$0x0];
	s2 =	stileid.u32  }
0x131: {  	s1 =	rddreg [dreg:$0x1];
	p0 =	sne.s32 s2, $0x0  }
0x132: {  	s3 =	rddreg [dreg:$0x2];
	[bflag:$0x3] =	sbarrier.arrive $0xFFFF;
	s2 =	simm.s32 @!p0 $0x1C05  }
0x133: {  	[timem:s3], [sflag:s2] =	dma.local @!p0 [hbm:s0], s1  }
0x134: {  	s0 =	simm.s32 @!p0 $0x5  }
0x135: {  	_ =	swait.ge @!p0 [sflag:s0], s1  }
0x136: {  	s1 =	ssub.s32 @!p0 $0x0, s1;
	[sflag:s0] =	ssyncset.done @!p0 $0x0  }
0x137: {  	[sflag:s0] =	ssyncadd.s32 @!p0 s1  }
0x138: {  	[bflag:$0x3] =	sbarrier.arrive $0xFFFF  }
0x139: {  	_ =	shalt  }

// kernel: kernel.8.cloned.1.call-start
scs
__scs_entry_jumppad:
0x0: {  	(pc) =	sbr.rel $0x88, $3  }
0x1: {  	(tag) =	ssettag $0x0;
	lr =	simm.s32 $0x1  }
0x2: {  	[smem:$0x3F95] =	sst lr;
	_ =	strace $0xD0000000  }
0x3: {  	_ = 	snop  }
0x4: {  	_ = 	snop  }
0x5: {  	_ = 	snop  }
0x6: {  	_ = 	snop  }
0x7: {  	_ = 	snop  }
__scs_overlays_trampoline_lowered:
0x8: {  	[smem:$0x3FA4] =	sst s0  }
0x9: {  	[smem:$0x3FA5] =	sst s1  }
0xa: {  	[smem:$0x3FA6] =	sst s2  }
0xb: {  	[smem:$0x3FA7] =	sst s3  }
0xc: {  	[smem:$0x3FA8] =	sst s4  }
0xd: {  	[smem:$0x3FA9] =	sst s5  }
0xe: {  	[smem:$0x3FAA] =	sst s6  }
0xf: {  	[smem:$0x3FAB] =	sst s7  }
0x10: {  	[smem:$0x3FAC] =	sst s8  }
0x11: {  	[smem:$0x3FAD] =	sst s9;
	s0 =	simm.s32 @!p0 $0x0  }
0x12: {  	s1 =	sld [smem:$0x3F93];
	s0 =	simm.s32 @p0 $0x1  }
0x13: {  	[smem:$0x3FAE] =	sst s0;
	s0 =	simm.s32 @!p1 $0x0  }
0x14: {  	s2 =	sld [smem:$0x3F92];
	s0 =	simm.s32 @p1 $0x1  }
0x15: {  	[smem:$0x3FAF] =	sst s0;
	s0 =	simm.s32 @!p2 $0x0  }
0x16: {  	s3 =	sld [smem:$0x3FDB];
	s0 =	simm.s32 @p2 $0x1  }
0x17: {  	s4 =	simm.s32 $0x1BF5;
	[smem:$0x3FB1] =	sst s0  }
0x18: {  	s0 =	sld [smem:$0x3F94];
	_ =	swait.ge [sflag:s4], $0x0  }
0x19: {  	s7 =	sld [smem:$0x3F95]  }
0x1a: {  	s8 =	sadd.s32 $0xFFFFE003, lr  }
0x1b: {  	s9 =	sadd.s32 $0xFFFFFEF7, lr;
	s5 =	simm.s32 $0xFFFFFFFF;
	p2 =	slt.u32 s8, $0xFFFFF086  }
0x1c: {  	p1 =	slt.u32 s9, $0xF7A;
	s5 =	simm.s32 @!p2 $0x0  }
0x1d: {  	s5 =	simm.s32 @p1 $0x1;
	p0 =	seq.s32 s7, s2  }
0x1e: {  	s7 =	smul.u32 @!p0 $0xF7A, s2;
	p2 =	seq.s32 @!p0 s5, $0x0  }
0x1f: {  	s9 =	smul.u32 $0xF7A, s1;
	s8 =	simm.s32 @!p0 $0x1BF5;
	p2 =	por !p2, p0  }
0x20: {  	[sflag:s8] =	ssyncset.s32 @!p0 $0xFFFFF086;
	s6 =	sadd.s32 @!p0 s3, s7;
	s7 =	simm.s32 @!p0 $0x108  }
0x21: {  	s3 =	sadd.s32 s3, s9;
	s6 =	sadd.s32 @!p0 $0x88, s6;
	s7 =	simm.s32 @p2 $0x1082  }
0x22: {  	[simem:s7], [sflag:s8] =	dma.local @!p0 [hbm:s6], $0xF7A  }
0x23: {  	s9 =	sor.u32 $0xD0000000, s2;
	s6 =	simm.s32 $0x108;
	_ =	swait.ge @!p0 [sflag:s8], $0x0  }
0x24: {  	s3 =	sadd.s32 $0x88, s3;
	s6 =	simm.s32 @!p1 $0x1082;
	[sflag:s4] =	ssyncset.s32 $0xFFFFF086  }
0x25: {  	[simem:s6], [sflag:s4] =	dma.local [hbm:s3], $0xF7A  }
0x26: {  	[smem:$0x3F95] =	sst s1;
	(tag) =	ssettag s2;
	_ =	strace s9  }
0x27: {  	s1 =	sld [smem:$0x3FA5]  }
0x28: {  	s2 =	sld [smem:$0x3FA6]  }
0x29: {  	s4 =	sld [smem:$0x3FA8]  }
0x2a: {  	p0 =	seq.s32 s5, $0x0;
	s5 =	sld [smem:$0x3FA9]  }
0x2b: {  	s6 =	sld [smem:$0x3FAA]  }
0x2c: {  	s7 =	sld [smem:$0x3FAB]  }
0x2d: {  	s3 =	simm.s32 $0x108;
	s8 =	sld [smem:$0x3FAC]  }
0x2e: {  	s3 =	simm.s32 @!p0 $0x1082;
	s9 =	sld [smem:$0x3FAD]  }
0x2f: {  	lr =	sadd.s32 s0, s3;
	s0 =	sld [smem:$0x3FA4]  }
0x30: {  	s3 =	sld [smem:$0x3FA7]  }
0x31: {  	[smem:$0x3FB0] =	sst s10  }
0x32: {  	s10 =	sld [smem:$0x3FAE];
	_ =	sdelay $0x3  }
0x33: {  	p0 =	seq.s32 s10, $0x1;
	s10 =	sld [smem:$0x3FB0];
	_ =	sdelay $0x3  }
0x34: {  	[smem:$0x3FB0] =	sst s10  }
0x35: {  	s10 =	sld [smem:$0x3FAF];
	_ =	sdelay $0x3  }
0x36: {  	p1 =	seq.s32 s10, $0x1;
	s10 =	sld [smem:$0x3FB0];
	_ =	sdelay $0x3  }
0x37: {  	[smem:$0x3FB0] =	sst s10  }
0x38: {  	s10 =	sld [smem:$0x3FB1]  }
0x39: {  	_ = 	snop;
	(pc) =	sbr.ind lr, $3  }
0x3a: {  	_ = 	snop  }
0x3b: {  	_ = 	snop  }
0x3c: {  	p2 =	seq.s32 s10, $0x1;
	s10 =	sld [smem:$0x3FB0]  }
0x3d: {  	_ =	shalt  }
0x3e: {  	_ =	shalt  }
0x3f: {  	_ =	shalt  }
0x40: {  	_ =	shalt  }
0x41: {  	_ =	shalt  }
0x42: {  	_ =	shalt  }
0x43: {  	_ =	shalt  }
0x44: {  	_ =	shalt  }
0x45: {  	_ =	shalt  }
0x46: {  	_ =	shalt  }
0x47: {  	_ =	shalt  }
0x48: {  	_ =	shalt  }
0x49: {  	_ =	shalt  }
0x4a: {  	_ =	shalt  }
0x4b: {  	_ =	shalt  }
0x4c: {  	_ =	shalt  }
0x4d: {  	_ =	shalt  }
0x4e: {  	_ =	shalt  }
0x4f: {  	_ =	shalt  }
0x50: {  	_ =	shalt  }
0x51: {  	_ =	shalt  }
0x52: {  	_ =	shalt  }
0x53: {  	_ =	shalt  }
0x54: {  	_ =	shalt  }
0x55: {  	_ =	shalt  }
0x56: {  	_ =	shalt  }
0x57: {  	_ =	shalt  }
0x58: {  	_ =	shalt  }
0x59: {  	_ =	shalt  }
0x5a: {  	_ =	shalt  }
0x5b: {  	_ =	shalt  }
0x5c: {  	_ =	shalt  }
0x5d: {  	_ =	shalt  }
0x5e: {  	_ =	shalt  }
0x5f: {  	_ =	shalt  }
0x60: {  	_ =	shalt  }
0x61: {  	_ =	shalt  }
0x62: {  	_ =	shalt  }
0x63: {  	_ =	shalt  }
0x64: {  	_ =	shalt  }
0x65: {  	_ =	shalt  }
0x66: {  	_ =	shalt  }
0x67: {  	_ =	shalt  }
0x68: {  	_ =	shalt  }
0x69: {  	_ =	shalt  }
0x6a: {  	_ =	shalt  }
0x6b: {  	_ =	shalt  }
0x6c: {  	_ =	shalt  }
0x6d: {  	_ =	shalt  }
0x6e: {  	_ =	shalt  }
0x6f: {  	_ =	shalt  }
0x70: {  	_ =	shalt  }
0x71: {  	_ =	shalt  }
0x72: {  	_ =	shalt  }
0x73: {  	_ =	shalt  }
0x74: {  	_ =	shalt  }
0x75: {  	_ =	shalt  }
0x76: {  	_ =	shalt  }
0x77: {  	_ =	shalt  }
0x78: {  	_ =	shalt  }
0x79: {  	_ =	shalt  }
0x7a: {  	_ =	shalt  }
0x7b: {  	_ =	shalt  }
0x7c: {  	_ =	shalt  }
0x7d: {  	_ =	shalt  }
0x7e: {  	_ =	shalt  }
0x7f: {  	_ =	shalt  }
0x80: {  	_ =	shalt  }
0x81: {  	_ =	shalt  }
0x82: {  	_ =	shalt  }
0x83: {  	_ =	shalt  }
0x84: {  	_ =	shalt  }
0x85: {  	_ =	shalt  }
0x86: {  	_ =	shalt  }
0x87: {  	_ =	shalt  }
.Lfunc_end0:
.L_simem_size_0:
called_computation.1_lowered:
.L_overlay_start_0:
0x88: {  	s2 =	sld [smem:$0x3FD9]  }
0x89: {  	s3 =	sld [smem:$0x3FFE];
	_ =	sdelay $0x1  }
0x8a: {  	s1 =	srdreg.scid  }
0x8b: {  	s0 =	sand.u32 $0x1, s1  }
0x8c: {  	s17 =	sshll.u32 s0, $0xA;
	s2 =	sadd.s32 s3, s2  }
0x8d: {  	s2 =	sadd.s32 s2, s17  }
0x8e: {  	[smem:$0x3FBC] =	sst s2  }
0x8f: {  	_ = 	snop  }
0x90: {  	s18 =	sld [smem:$0x3FD0];
	(tm) =	ssettm $0x1  }
0x91: {  	s19 =	sld [smem:$0x3FFB];
	_ =	sdelay $0x3  }
0x92: {  	_ =	strace s19  }
0x93: {  	s2 =	sld [smem:$0x3FFC];
	_ =	sdelay $0x3  }
0x94: {  	_ =	strace s2  }
0x95: {  	s2 =	sld [smem:$0x3FFD];
	_ =	sdelay $0x3  }
0x96: {  	_ =	strace s2  }
0x97: {  	_ =	strace $0x8FFFFFFF  }
0x98: {  	s20 =	sld [smem:$0x3FDB];
	_ =	sdelay $0x1  }
0x99: {  	s4 =	simm.s32 $_scs_section_size  }
0x9a: {  	s5 =	simm.s32 $_size__tile_overlayer_lowered;
	s6 =	simm.s32 $_tile_overlayer_lowered  }
0x9b: {  	s7 =	simm.s32 $0x1BFF;
	s21 =	sshll.u32 s6, $0x1;
	s4 =	sadd.s32 s4, s20  }
0x9c: {  	s22 =	simm.s32 $0x0;
	s5 =	sshll.u32 s5, $0x1;
	s6 =	sadd.s32 s21, s4  }
0x9d: {  	[timem:s22], [sflag:s7] =	dma.local [hbm:s6], s5  }
0x9e: {  	_ =	swait.ge [sflag:s7], s5  }
0x9f: {  	s5 =	ssub.s32 $0x0, s5;
	[sflag:s7] =	ssyncset.done $0x0  }
0xa0: {  	[sflag:s7] =	ssyncadd.s32 s5;
	_ =	sdelay $0x1  }
0xa1: {  	s23 =	simm.s32 $0x1B8B  }
0xa2: {  	_ =	swait.ge [sflag:s23], $0x1  }
0xa3: {  	[sflag:s23] =	ssyncset.done $0x0  }
0xa4: {  	[sflag:s23] =	ssyncadd.s32 $0xFFFFFFFF  }
0xa5: {  	s5 =	sld [smem:$0x0]  }
0xa6: {  	s6 =	sand.u32 $0xFFFFFFFE, s1  }
0xa7: {  	p0 =	sne.s32 s1, s6  }
0xa8: {  	s6 =	sshll.u32 @p0 s6, $0xE  }
0xa9: {  	s6 =	sadd.s32 @p0 $0x11B8D, s6;
	s7 =	sshll.u32 @p0 s5, $0x11  }
0xaa: {  	s6 =	sor.u32 @p0 s7, s6  }
0xab: {  	[sflag:s6] =	ssyncadd.remote.s32 @p0 $0x1;
	_ =	sdelay $0x1  }
0xac: {  	s6 =	simm.s32 @p0 $0x1B8D  }
0xad: {  	_ =	swait.eq @p0 [sflag:s6], $0x1  }
0xae: {  	[sflag:s6] =	ssyncadd.s32 @p0 $0xFFFFFFFF  }
0xaf: {  	s7 =	sshll.u32 @!p0 s1, $0xE  }
0xb0: {  	s7 =	sor.u32 @!p0 $0x4000, s7;
	s6 =	simm.s32 @!p0 $0x1B8D  }
0xb1: {  	s5 =	sshll.u32 @!p0 s5, $0x11;
	s7 =	sadd.s32 @!p0 $0x11B8D, s7;
	_ =	swait.eq @!p0 [sflag:s6], $0x1  }
0xb2: {  	s5 =	sor.u32 @!p0 s5, s7;
	[sflag:s6] =	ssyncadd.s32 @!p0 $0xFFFFFFFF  }
0xb3: {  	s25 =	simm.s32 $0x1B8E;
	s24 =	sld [smem:$0x3FFE];
	[sflag:s5] =	ssyncadd.remote.s32 @!p0 $0x1  }
0xb4: {  	s26 =	simm.s32 $execute0_lowered;
	[smem:$0x3FD2] =	sst s25  }
0xb5: {  	s6 =	sshll.u32 s26, $0x1;
	_ =	strace $0x80000049;
	[dreg:$0x1] =	wrdreg $0xFFFFFFFF  }
0xb6: {  	s28 =	simm.s32 $_size_execute0_lowered;
	s4 =	sadd.s32 s4, s6;
	[dreg:$0x0] =	wrdreg $0x0  }
0xb7: {  	s6 =	sshll.u32 s28, $0x1;
	[dreg:$0x2] =	wrdreg s4  }
0xb8: {  	[dreg:$0x3] =	wrdreg s6  }
0xb9: {  	[dreg:$0x4] =	wrdreg $0xC0  }
0xba: {  	_ =	task [dreg:s22], $0x5FFFF  }
0xbb: {  	[dreg:$0x1] =	wrdreg $0xFFFFFFFF  }
0xbc: {  	[dreg:$0x0] =	wrdreg $0x60  }
0xbd: {  	[dreg:$0x2] =	wrdreg s18  }
0xbe: {  	[dreg:$0x3] =	wrdreg s24  }
0xbf: {  	[dreg:$0x4] =	wrdreg $0x51000  }
0xc0: {  	[dreg:$0x5] =	wrdreg $0xA  }
0xc1: {  	_ =	task.clear_ibuf [dreg:s22], $0x6FFFF;
	_ =	strace $0x90000049  }
0xc2: {  	s29 =	simm.s32 $0xA;
	_ =	strace $0x8000004B  }
0xc3: {  	_ =	swait.ge [sflag:s29], $0x1  }
0xc4: {  	[sflag:s29] =	ssyncadd.s32 $0xFFFFFFFF  }
0xc5: {  	_ =	strace $0x9000004B  }
0xc6: {  	_ =	sfence  }
0xc7: {  	s30 =	sld [smem:$0x0];
	_ =	sdelay $0x2  }
0xc8: {  	s31 =	sshll.u32 s1, $0xD;
	s1 =	sshrl.u32 s1, $0x2  }
0xc9: {  	s4 =	sand.u32 $0x4000, s31;
	s1 =	sadd.s32 s1, s30  }
0xca: {  	s0 =	sor.u32 s4, s0;
	s1 =	sshll.u32 s1, $0x11  }
0xcb: {  	s0 =	sor.u32 s1, s0  }
0xcc: {  	s0 =	sadd.s32 $0x8F2B, s0  }
0xcd: {  	[sflag:s0] =	ssyncadd.remote.s32 $0x1  }
0xce: {  	_ =	sfence.sel $0xFFFF  }
0xcf: {  	[dreg:$0x0] =	wrdreg $0xFFFFFFFF;
	(pc) =	sbr.abs _section_cstart, $3  }
0xd0: {  	[dreg:$0x1] =	wrdreg $0xFFFFFFFF  }
0xd1: {  	_ =	task.clear_ibuf [dreg:s22], $0x2FFFF;
	_ =	strace $0x9FFFFFFF  }
0xd2: {  	(tm) =	ssettm $0x7FFFFFFF  }
0xd3: {  	_ =	shalt  }
tec
execute0_lowered:
.L_overlay_start_1:
0x0: {  	(tag) =	ssettag $0x1  }
0x1: {  	s1 =	rddreg [dreg:$0x0]  }
0x2: {  	s0 =	rddreg [dreg:$0x1]  }
0x3: {  	s3 =	rddreg [dreg:$0x2]  }
0x4: {  	s2 =	srdreg.scid;
	s4 =	simm.s32 $0x0;
	s14 =	stileid.u32  }
0x5: {  	s28 =	simm.s32 $0x2900;
	s29 =	simm.s32 $0x3;
	s30 =	simm.s32 $0x100  }
0x6: {  	s31 =	simm.s32 $0x1;
	s2 =	sand.u32 $0x1, s2;
	[smem:$0x7FF] =	sst s4  }
0x7: {  	s6 =	smul.u32 $0x14000, s14;
	s7 =	sadd.s32 $0x5AA00, s0;
	s5 =	ssub.s32 $0x2, s2  }
0x8: {  	s9 =	sshll.u32 s14, $0x1;
	s11 =	smul.u32 $0x140000, s2;
	s8 =	sshrl.u32 s5, $0x1  }
0x9: {  	s16 =	sor.u32 $0x2800, s6;
	s17 =	sadd.s32 $0x5000, s6;
	s18 =	sadd.s32 $0x7800, s6  }
0xa: {  	s19 =	sadd.s32 $0xA000, s6;
	s20 =	sadd.s32 $0xC800, s6;
	s21 =	sadd.s32 $0xF000, s6  }
0xb: {  	s22 =	sadd.s32 $0x11800, s6;
	s5 =	ssub.s32 s5, s8;
	s8 =	sor.u32 s2, s9  }
0xc: {  	s6 =	sadd.s32 s6, s11;
	s13 =	sadd.s32 s11, s16;
	s10 =	sadd.s32 s11, s17  }
0xd: {  	s24 =	sadd.s32 s11, s18;
	s25 =	sadd.s32 s11, s19;
	s26 =	sadd.s32 s11, s20  }
0xe: {  	s2 =	smul.u32 $0x2710, s2;
	s16 =	sadd.s32 s16, s3;
	s17 =	sadd.s32 s17, s3  }
0xf: {  	s18 =	sadd.s32 s18, s3;
	s19 =	sadd.s32 s19, s3;
	s20 =	sadd.s32 s20, s3  }
0x10: {  	s6 =	sshrl.u32 s6, $0x3;
	s9 =	sshrl.u32 s13, $0x3;
	s23 =	sshrl.u32 s10, $0x3  }
0x11: {  	s13 =	sshrl.u32 s26, $0x3;
	s6 =	sadd.s32 s7, s6;
	s15 =	sadd.s32 s7, s9  }
0x12: {  	s10 =	sadd.s32 s7, s13;
	s13 =	smul.u32 $0x4E20, s14;
	[dreg:$0x4] =	wrdreg s6  }
0x13: {  	s9 =	sshrl.u32 s25, $0x3;
	s25 =	smul.u32 $0x2710, s8;
	[dreg:$0x5] =	wrdreg s15  }
0x14: {  	s6 =	sadd.s32 s7, s23;
	s12 =	sadd.s32 s7, s9;
	s15 =	sadd.s32 s11, s21  }
0x15: {  	s21 =	sadd.s32 s21, s3;
	[dreg:$0x6] =	wrdreg s6;
	s6 =	sshrl.u32 s24, $0x3  }
0x16: {  	[dreg:$0x8] =	wrdreg s12;
	s12 =	sadd.s32 s11, s22;
	s2 =	sadd.s32 s2, s13  }
0x17: {  	s13 =	sadd.s32 $0x5A400, s0;
	s22 =	sadd.s32 s22, s3;
	s6 =	sadd.s32 s7, s6  }
0x18: {  	s23 =	sshrl.u32 s12, $0x3;
	s26 =	sadd.s32 $0x50, s2;
	s8 =	sadd.s32 $0xA0, s2  }
0x19: {  	s2 =	simm.s32 $0x50;
	[dreg:$0x7] =	wrdreg s6;
	s6 =	sshrl.u32 s15, $0x3  }
0x1a: {  	s15 =	smul.u32 $0x50000, s14;
	s12 =	sadd.s32 s7, s23;
	s14 =	sadd.s32 $0x9E00, s0  }
0x1b: {  	s0 =	sshrl.u32 s25, $0x3;
	s11 =	sadd.s32 s7, s6;
	_ =	strace $0x8000004A  }
0x1c: {  	s23 =	sadd.s32 s1, s0;
	s0 =	sshrl.u32 s26, $0x3;
	s6 =	simm.s32 $0x0  }
0x1d: {  	s24 =	sshrl.u32 s15, $0x2;
	s26 =	sadd.s32 s0, s1;
	s0 =	simm.s32 $0x80  }
0x1e: {  	s15 =	sadd.s32 s24, s3;
	s24 =	smax.u32 s5, $0x1;
	s5 =	simm.s32 $0x2  }
.LBB2_1:
0x1f: {  	[tilespmem:s28], [sflag:$0x3] =	stream.linear.gather [hbm4b:s14+s4], $0x2800, $0x38;
	[tilespmem:$0x19100] =	vst v63  }
0x20: {  	_ =	swait.ge [sflag:s29], $0x2800  }
0x21: {  	[sflag:s29] =	ssyncset.done $0x0  }
0x22: {  	[sflag:s29] =	ssyncadd.s32 $0xFFFFD800  }
0x23: {  	[spmem:s15] =	stream.linear.scatter [tilespmem:s28], [sflag:$0x3], $0x2800, $0x38;
	[tilespmem:$0x19100] =	vst v63  }
0x24: {  	_ =	swait.ge [sflag:s29], $0x2800  }
0x25: {  	[sflag:s29] =	ssyncset.done $0x0  }
0x26: {  	[sflag:s29] =	ssyncadd.s32 $0xFFFFD800  }
0x27: {  	[spmem:s16] =	stream.linear.scatter [tilespmem:s28], [sflag:$0x3], $0x2800, $0x38;
	[tilespmem:$0x19100] =	vst v63  }
0x28: {  	_ =	swait.ge [sflag:s29], $0x2800  }
0x29: {  	[sflag:s29] =	ssyncset.done $0x0  }
0x2a: {  	[sflag:s29] =	ssyncadd.s32 $0xFFFFD800  }
0x2b: {  	[spmem:s17] =	stream.linear.scatter [tilespmem:s28], [sflag:$0x3], $0x2800, $0x38;
	[tilespmem:$0x19100] =	vst v63  }
0x2c: {  	_ =	swait.ge [sflag:s29], $0x2800  }
0x2d: {  	[sflag:s29] =	ssyncset.done $0x0  }
0x2e: {  	[sflag:s29] =	ssyncadd.s32 $0xFFFFD800  }
0x2f: {  	[spmem:s18] =	stream.linear.scatter [tilespmem:s28], [sflag:$0x3], $0x2800, $0x38;
	[tilespmem:$0x19100] =	vst v63  }
0x30: {  	_ =	swait.ge [sflag:s29], $0x2800  }
0x31: {  	[sflag:s29] =	ssyncset.done $0x0  }
0x32: {  	[sflag:s29] =	ssyncadd.s32 $0xFFFFD800  }
0x33: {  	[spmem:s19] =	stream.linear.scatter [tilespmem:s28], [sflag:$0x3], $0x2800, $0x38;
	[tilespmem:$0x19100] =	vst v63  }
0x34: {  	_ =	swait.ge [sflag:s29], $0x2800  }
0x35: {  	[sflag:s29] =	ssyncset.done $0x0  }
0x36: {  	[sflag:s29] =	ssyncadd.s32 $0xFFFFD800  }
0x37: {  	[spmem:s20] =	stream.linear.scatter [tilespmem:s28], [sflag:$0x3], $0x2800, $0x38;
	[tilespmem:$0x19100] =	vst v63  }
0x38: {  	_ =	swait.ge [sflag:s29], $0x2800  }
0x39: {  	[sflag:s29] =	ssyncset.done $0x0  }
0x3a: {  	[sflag:s29] =	ssyncadd.s32 $0xFFFFD800  }
0x3b: {  	[spmem:s21] =	stream.linear.scatter [tilespmem:s28], [sflag:$0x3], $0x2800, $0x38;
	[tilespmem:$0x19100] =	vst v63  }
0x3c: {  	_ =	swait.ge [sflag:s29], $0x2800  }
0x3d: {  	[sflag:s29] =	ssyncset.done $0x0  }
0x3e: {  	[sflag:s29] =	ssyncadd.s32 $0xFFFFD800  }
0x3f: {  	[spmem:s22] =	stream.linear.scatter [tilespmem:s28], [sflag:$0x3], $0x2800, $0x38;
	[tilespmem:$0x19100] =	vst v63  }
0x40: {  	_ =	swait.ge [sflag:s29], $0x2800  }
0x41: {  	[sflag:s29] =	ssyncset.done $0x0  }
0x42: {  	[sflag:s29] =	ssyncadd.s32 $0xFFFFD800  }
0x43: {  	[tilespmem:s30], [sflag:$0x3] =	stream.linear.gather [hbm4b:s13+s4], $0x2800, $0x38;
	[tilespmem:$0x19100] =	vst v63  }
0x44: {  	_ =	swait.ge [sflag:s29], $0x2800  }
0x45: {  	[sflag:s29] =	ssyncset.done $0x0  }
0x46: {  	[sflag:s29] =	ssyncadd.s32 $0xFFFFD800  }
0x47: {  	[bflag:$0x0] =	sbarrier.arrive $0xFFFF  }
0x48: {  	[tilespmem:s4], [sflag:$0x1] =	stream.linear.gather [hbm4b:s23+s4], $0x50, $0x38;
	[tilespmem:$0x19100] =	vst v63  }
0x49: {  	_ =	swait.ge [sflag:s31], $0x50  }
0x4a: {  	[sflag:s31] =	ssyncset.done $0x0  }
0x4b: {  	s7 =	sadd.s32 $0x0, s26;
	[sflag:s31] =	ssyncadd.s32 $0xFFFFFFB0  }
0x4c: {  	[tilespmem:s0], [sflag:$0x2] =	stream.linear.gather [hbm4b:s7+s4], $0x50, $0x38;
	[tilespmem:$0x19100] =	vst v63  }
0x4d: {  	_ = 	snop  }
0x4e: {  	[spmem:s3] =	stream.indirect.scatter.add.f32 [tilespmem:s30], [sflag:$0x3], $0x80, s4, s2, $0xb8;
	[tilespmem:$0x19100] =	vst v63  }
0x4f: {  	_ =	swait.ge [sflag:s29], $0x2800  }
0x50: {  	[sflag:s29] =	ssyncset.done $0x0  }
0x51: {  	[sflag:s29] =	ssyncadd.s32 $0xFFFFD800  }
0x52: {  	_ =	swait.ge [sflag:s5], $0x50  }
0x53: {  	s25 =	sshrl.u32 s8, $0x3;
	[sflag:s5] =	ssyncset.done $0x0  }
0x54: {  	s7 =	sadd.s32 s1, s25;
	[sflag:s5] =	ssyncadd.s32 $0xFFFFFFB0  }
0x55: {  	[tilespmem:s4], [sflag:$0x1] =	stream.linear.gather [hbm4b:s7+s4], $0x50, $0x38;
	[tilespmem:$0x19100] =	vst v63  }
0x56: {  	_ = 	snop  }
0x57: {  	[spmem:s3] =	stream.indirect.scatter.add.f32 [tilespmem:s30], [sflag:$0x3], $0x80, s0, s2, $0xb8;
	[tilespmem:$0x19100] =	vst v63  }
0x58: {  	_ =	swait.ge [sflag:s29], $0x2800  }
0x59: {  	s25 =	smov.u32 s8;
	s7 =	simm.s32 $0x14;
	[sflag:s29] =	ssyncset.done $0x0  }
.LBB2_2:
0x5a: {  	p0 =	sne.s32 s7, $0x4C4;
	[sflag:s29] =	ssyncadd.s32 $0xFFFFD800;
	s25 =	sadd.s32 $0xA0, s25  }
0x5b: {  	s9 =	smov.u32 s7;
	s7 =	sadd.s32 $0x14, s7  }
0x5c: {  	_ =	swait.ge [sflag:s31], $0x50  }
0x5d: {  	[sflag:s31] =	ssyncset.done $0x0  }
0x5e: {  	s9 =	sadd.s32 s9, s26;
	[sflag:s31] =	ssyncadd.s32 $0xFFFFFFB0  }
0x5f: {  	[tilespmem:s0], [sflag:$0x2] =	stream.linear.gather [hbm4b:s9+s4], $0x50, $0x38;
	[tilespmem:$0x19100] =	vst v63  }
0x60: {  	_ = 	snop  }
0x61: {  	[spmem:s3] =	stream.indirect.scatter.add.f32 [tilespmem:s30], [sflag:$0x3], $0x80, s4, s2, $0xb8;
	[tilespmem:$0x19100] =	vst v63  }
0x62: {  	_ =	swait.ge [sflag:s29], $0x2800  }
0x63: {  	[sflag:s29] =	ssyncset.done $0x0  }
0x64: {  	[sflag:s29] =	ssyncadd.s32 $0xFFFFD800  }
0x65: {  	_ =	swait.ge [sflag:s5], $0x50  }
0x66: {  	s9 =	sshrl.u32 s25, $0x3;
	[sflag:s5] =	ssyncset.done $0x0  }
0x67: {  	s9 =	sadd.s32 s1, s9;
	[sflag:s5] =	ssyncadd.s32 $0xFFFFFFB0  }
0x68: {  	[tilespmem:s4], [sflag:$0x1] =	stream.linear.gather [hbm4b:s9+s4], $0x50, $0x38;
	[tilespmem:$0x19100] =	vst v63  }
.Ltmp0:
0x69: {  	_ = 	snop;
	(pc) =	sbr.rel @p0 .LBB2_2-.Ltmp0, $4  }
0x6a: {  	_ = 	snop  }
0x6b: {  	[spmem:s3] =	stream.indirect.scatter.add.f32 [tilespmem:s30], [sflag:$0x3], $0x80, s0, s2, $0xb8;
	[tilespmem:$0x19100] =	vst v63  }
0x6c: {  	_ =	swait.ge [sflag:s29], $0x2800  }
0x6d: {  	[sflag:s29] =	ssyncset.done $0x0  }
0x6e: {  	[sflag:s29] =	ssyncadd.s32 $0xFFFFD800  }
0x6f: {  	_ =	swait.ge [sflag:s31], $0x50  }
0x70: {  	[sflag:s31] =	ssyncset.done $0x0  }
0x71: {  	[sflag:s31] =	ssyncadd.s32 $0xFFFFFFB0  }
0x72: {  	[spmem:s3] =	stream.indirect.scatter.add.f32 [tilespmem:s30], [sflag:$0x3], $0x80, s4, s2, $0xb8;
	[tilespmem:$0x19100] =	vst v63  }
0x73: {  	_ =	swait.ge [sflag:s29], $0x2800  }
0x74: {  	[sflag:s29] =	ssyncset.done $0x0  }
0x75: {  	[sflag:s29] =	ssyncadd.s32 $0xFFFFD800  }
0x76: {  	[bflag:$0x0] =	sbarrier.arrive $0xFFFF  }
0x77: {  	[tilespmem:s28], [sflag:$0x3] =	stream.linear.gather [spmem:s15], $0x2800, $0x38;
	[tilespmem:$0x19100] =	vst v63  }
0x78: {  	_ =	swait.ge [sflag:s29], $0x2800  }
0x79: {  	[sflag:s29] =	ssyncset.done $0x0  }
0x7a: {  	s7 =	rddreg [dreg:$0x4];
	[sflag:s29] =	ssyncadd.s32 $0xFFFFD800  }
0x7b: {  	[hbm4b:s7+s4] =	stream.linear.scatter [tilespmem:s28], [sflag:$0x3], $0x2800, $0x38;
	[tilespmem:$0x19100] =	vst v63  }
0x7c: {  	_ =	swait.ge [sflag:s29], $0x2800  }
0x7d: {  	[sflag:s29] =	ssyncset.done $0x0  }
0x7e: {  	[sflag:s29] =	ssyncadd.s32 $0xFFFFD800  }
0x7f: {  	[tilespmem:s28], [sflag:$0x3] =	stream.linear.gather [spmem:s16], $0x2800, $0x38;
	[tilespmem:$0x19100] =	vst v63  }
0x80: {  	_ =	swait.ge [sflag:s29], $0x2800  }
0x81: {  	[sflag:s29] =	ssyncset.done $0x0  }
0x82: {  	s9 =	rddreg [dreg:$0x5];
	[sflag:s29] =	ssyncadd.s32 $0xFFFFD800  }
0x83: {  	[hbm4b:s9+s4] =	stream.linear.scatter [tilespmem:s28], [sflag:$0x3], $0x2800, $0x38;
	[tilespmem:$0x19100] =	vst v63  }
0x84: {  	_ =	swait.ge [sflag:s29], $0x2800  }
0x85: {  	[sflag:s29] =	ssyncset.done $0x0  }
0x86: {  	[sflag:s29] =	ssyncadd.s32 $0xFFFFD800  }
0x87: {  	[tilespmem:s28], [sflag:$0x3] =	stream.linear.gather [spmem:s17], $0x2800, $0x38;
	[tilespmem:$0x19100] =	vst v63  }
0x88: {  	_ =	swait.ge [sflag:s29], $0x2800  }
0x89: {  	[sflag:s29] =	ssyncset.done $0x0  }
0x8a: {  	s25 =	rddreg [dreg:$0x6];
	[sflag:s29] =	ssyncadd.s32 $0xFFFFD800  }
0x8b: {  	[hbm4b:s25+s4] =	stream.linear.scatter [tilespmem:s28], [sflag:$0x3], $0x2800, $0x38;
	[tilespmem:$0x19100] =	vst v63  }
0x8c: {  	_ =	swait.ge [sflag:s29], $0x2800  }
0x8d: {  	[sflag:s29] =	ssyncset.done $0x0  }
0x8e: {  	[sflag:s29] =	ssyncadd.s32 $0xFFFFD800  }
0x8f: {  	[tilespmem:s28], [sflag:$0x3] =	stream.linear.gather [spmem:s18], $0x2800, $0x38;
	[tilespmem:$0x19100] =	vst v63  }
0x90: {  	_ =	swait.ge [sflag:s29], $0x2800  }
0x91: {  	[sflag:s29] =	ssyncset.done $0x0  }
0x92: {  	s9 =	rddreg [dreg:$0x7];
	[sflag:s29] =	ssyncadd.s32 $0xFFFFD800  }
0x93: {  	[hbm4b:s9+s4] =	stream.linear.scatter [tilespmem:s28], [sflag:$0x3], $0x2800, $0x38;
	[tilespmem:$0x19100] =	vst v63  }
0x94: {  	_ =	swait.ge [sflag:s29], $0x2800  }
0x95: {  	[sflag:s29] =	ssyncset.done $0x0  }
0x96: {  	[sflag:s29] =	ssyncadd.s32 $0xFFFFD800  }
0x97: {  	[tilespmem:s28], [sflag:$0x3] =	stream.linear.gather [spmem:s19], $0x2800, $0x38;
	[tilespmem:$0x19100] =	vst v63  }
0x98: {  	_ =	swait.ge [sflag:s29], $0x2800  }
0x99: {  	[sflag:s29] =	ssyncset.done $0x0  }
0x9a: {  	s25 =	rddreg [dreg:$0x8];
	[sflag:s29] =	ssyncadd.s32 $0xFFFFD800  }
0x9b: {  	[hbm4b:s25+s4] =	stream.linear.scatter [tilespmem:s28], [sflag:$0x3], $0x2800, $0x38;
	[tilespmem:$0x19100] =	vst v63  }
0x9c: {  	_ =	swait.ge [sflag:s29], $0x2800  }
0x9d: {  	[sflag:s29] =	ssyncset.done $0x0  }
0x9e: {  	[sflag:s29] =	ssyncadd.s32 $0xFFFFD800  }
0x9f: {  	[tilespmem:s28], [sflag:$0x3] =	stream.linear.gather [spmem:s20], $0x2800, $0x38;
	[tilespmem:$0x19100] =	vst v63  }
0xa0: {  	_ =	swait.ge [sflag:s29], $0x2800  }
0xa1: {  	[sflag:s29] =	ssyncset.done $0x0  }
0xa2: {  	[sflag:s29] =	ssyncadd.s32 $0xFFFFD800  }
0xa3: {  	[hbm4b:s10+s4] =	stream.linear.scatter [tilespmem:s28], [sflag:$0x3], $0x2800, $0x38;
	[tilespmem:$0x19100] =	vst v63  }
0xa4: {  	_ =	swait.ge [sflag:s29], $0x2800  }
0xa5: {  	[sflag:s29] =	ssyncset.done $0x0  }
0xa6: {  	[sflag:s29] =	ssyncadd.s32 $0xFFFFD800  }
0xa7: {  	[tilespmem:s28], [sflag:$0x3] =	stream.linear.gather [spmem:s21], $0x2800, $0x38;
	[tilespmem:$0x19100] =	vst v63  }
0xa8: {  	_ =	swait.ge [sflag:s29], $0x2800  }
0xa9: {  	[sflag:s29] =	ssyncset.done $0x0  }
0xaa: {  	[sflag:s29] =	ssyncadd.s32 $0xFFFFD800  }
0xab: {  	[hbm4b:s11+s4] =	stream.linear.scatter [tilespmem:s28], [sflag:$0x3], $0x2800, $0x38;
	[tilespmem:$0x19100] =	vst v63  }
0xac: {  	_ =	swait.ge [sflag:s29], $0x2800  }
0xad: {  	[sflag:s29] =	ssyncset.done $0x0  }
0xae: {  	[sflag:s29] =	ssyncadd.s32 $0xFFFFD800  }
0xaf: {  	[tilespmem:s28], [sflag:$0x3] =	stream.linear.gather [spmem:s22], $0x2800, $0x38;
	[tilespmem:$0x19100] =	vst v63  }
0xb0: {  	s6 =	sadd.s32 $0x1, s6;
	_ =	swait.ge [sflag:s29], $0x2800  }
0xb1: {  	p0 =	sne.s32 s6, s24;
	[sflag:s29] =	ssyncset.done $0x0  }
.Ltmp1:
0xb2: {  	[sflag:s29] =	ssyncadd.s32 $0xFFFFD800;
	(pc) =	sbr.rel @p0 .LBB2_1-.Ltmp1, $4  }
0xb3: {  	[hbm4b:s12+s4] =	stream.linear.scatter [tilespmem:s28], [sflag:$0x3], $0x2800, $0x38;
	[tilespmem:$0x19100] =	vst v63  }
0xb4: {  	_ =	swait.ge [sflag:s29], $0x2800  }
0xb5: {  	[sflag:s29] =	ssyncset.done $0x0  }
0xb6: {  	[sflag:s29] =	ssyncadd.s32 $0xFFFFD800  }
0xb7: {  	_ =	sfence.sel $0x180000  }
0xb8: {  	[bflag:$0x0] =	sbarrier.arrive $0xFFFF  }
0xb9: {  	_ =	strace $0x9000004A  }
0xba: {  	s0 =	stileid.u32;
	[bflag:$0x2] =	sbarrier.arrive $0xFFFF  }
0xbb: {  	p0 =	sne.s32 s0, $0x0;
	s0 =	rddreg [dreg:$0x3]  }
0xbc: {  	s0 =	sadd.s32 @!p0 $0x100000, s0  }
0xbd: {  	[sflag:s0] =	ssyncadd.tile.s32 @!p0 $0x1;
	_ =	shalt  }
.Lfunc_end2:
_tile_overlayer_lowered:
.L_overlay_start_2:
0xbe: {  	(tag) =	ssettag $0x2  }
0xbf: {  	s0 =	rddreg [dreg:$0x0];
	s2 =	stileid.u32  }
0xc0: {  	s1 =	rddreg [dreg:$0x1];
	p0 =	sne.s32 s2, $0x0  }
0xc1: {  	s3 =	rddreg [dreg:$0x2];
	[bflag:$0x3] =	sbarrier.arrive $0xFFFF;
	s2 =	simm.s32 @!p0 $0x1C03  }
0xc2: {  	[timem:s3], [sflag:s2] =	dma.local @!p0 [hbm:s0], s1  }
0xc3: {  	s0 =	simm.s32 @!p0 $0x3  }
0xc4: {  	_ =	swait.ge @!p0 [sflag:s0], s1  }
0xc5: {  	s1 =	ssub.s32 @!p0 $0x0, s1;
	[sflag:s0] =	ssyncset.done @!p0 $0x0  }
0xc6: {  	[sflag:s0] =	ssyncadd.s32 @!p0 s1  }
0xc7: {  	[bflag:$0x3] =	sbarrier.arrive $0xFFFF  }
0xc8: {  	_ =	shalt  }

</sc_bundles>
